<compile_context>
chip_gen: v7x
topology: tpu7x:2x2x1
jax: 0.10.2.dev20260603
libtpu: 0.0.44.dev20260713+nightly
codegen_flags: <defaults>
</compile_context>

<pallas_src>
import functools

import jax
import jax.numpy as jnp
from jax import lax
from jax.experimental import pallas as pl
from jax.experimental.pallas import tpu as pltpu
from jax.experimental.pallas import tpu_sc as plsc

POSE_NUM = 100000
EMBED_DIM = 6
BATCH = 16384

NUM_CORES = 2
NQ = 4
B_PER_Q = BATCH // NQ
LANES = 16

_mesh = plsc.VectorSubcoreMesh(core_axis_name="c", subcore_axis_name="s")


@functools.partial(
    pl.kernel,
    mesh=_mesh,
    out_type=jax.ShapeDtypeStruct((EMBED_DIM, BATCH), jnp.float32),
    scratch_types=[
        pltpu.VMEM((B_PER_Q,), jnp.int32),
        pltpu.VMEM((1, POSE_NUM), jnp.float32),
        pltpu.VMEM((1, B_PER_Q), jnp.float32),
        pltpu.SemaphoreType.DMA,
    ],
    compiler_params=pltpu.CompilerParams(needs_layout_passes=False),
)
def _sc_gather(idx_hbm, tt_hbm, out_hbm, idx_v, row_v, outp_v, sem):
    c = lax.axis_index("c")
    s = lax.axis_index("s")
    j = lax.rem(s, EMBED_DIM)
    q = c * 2 + lax.div(s, EMBED_DIM)

    @pl.when(s < 12)
    def _():
        idx_cp = pltpu.async_copy(
            idx_hbm.at[pl.ds(q * B_PER_Q, B_PER_Q)], idx_v, sem
        )
        row_cp = pltpu.async_copy(tt_hbm.at[pl.ds(j, 1)], row_v, sem)
        idx_cp.wait()
        row_cp.wait()
        zvec = jnp.zeros((LANES,), jnp.int32)
        for g in range(B_PER_Q // LANES):
            ivec = idx_v[pl.ds(g * LANES, LANES)]
            outp_v[0, pl.ds(g * LANES, LANES)] = plsc.load_gather(
                row_v, [zvec, ivec]
            )
        pltpu.sync_copy(
            outp_v, out_hbm.at[pl.ds(j, 1), pl.ds(q * B_PER_Q, B_PER_Q)]
        )


def kernel(indices, table):
    outt = _sc_gather(indices.astype(jnp.int32), table.T)
    return outt.T

# --- scband reference (transcript-rebuilt; emitter-appended) ---
"""Pipeline reference for scband-camera-pose-33071248179623 (READ-ONLY COPY).

The authoritative reference and input builder live on the scoring server;
editing this copy changes nothing except your own understanding.
"""

import jax, jax.numpy as jnp
import numpy as np

POSE_NUM = 100000
EMBED_DIM = 6
BATCH = 16384

def setup_inputs(seed: int = 0) -> dict:
    key = jax.random.key(seed)
    k1, k2 = jax.random.split(key)
    indices = jax.random.randint(k1, (BATCH,), 0, POSE_NUM, dtype=jnp.int64 if jax.config.jax_enable_x64 else jnp.int32)
    # Learned parameter: embedding table of shape [pose_num, 6] (nn.Embedding weight)
    table = jax.random.normal(k2, (POSE_NUM, EMBED_DIM), dtype=jnp.float32)
    return {"indices": indices, "table": table}

def reference(indices, table):
    # CameraPose forward: self.params(indices) -> embedding lookup
    return jnp.take(table, indices, axis=0)

if __name__ == "__main__":
    import jax
    _d = setup_inputs()
    print(jax.jit(kernel)(*tuple(_d.values())))

</pallas_src>

<mosaic_0001>
#map = affine_map<(d0, d1) -> (0)>
#map1 = affine_map<(d0, d1) -> (0, 0)>
module attributes {stable_mosaic.version = 14 : i64} {
  func.func @_sc_gather(%arg0: i32, %arg1: i32, %arg2: memref<16384xi32, #tpu.memory_space<hbm>>, %arg3: memref<6x100000xf32, #tpu.memory_space<hbm>>, %arg4: memref<6x16384xf32, #tpu.memory_space<hbm>>, %arg5: memref<4096xi32, #tpu.memory_space<vmem>>, %arg6: memref<1x100000xf32, #tpu.memory_space<vmem>>, %arg7: memref<1x4096xf32, #tpu.memory_space<vmem>>, %arg8: memref<!tpu.dma_semaphore, #tpu.memory_space<semaphore_mem>>) attributes {dimension_semantics = [#tpu.dimension_semantics<core_parallel>, #tpu.dimension_semantics<subcore_parallel>], iteration_bounds = array<i64: 2, 16>, scalar_prefetch = 0 : i64, scratch_operands = 4 : i64, tpu.core_type = #tpu.core_type<sc_vector_subcore>, window_params = [{transform_indices = #map}, {transform_indices = #map1}, {transform_indices = #map1}]} {
    %rem3A = arith.constant 6 : i32
    %rem3A_0 = arith.remsi %arg1, %rem3A : i32
    %mul3A = arith.constant 2 : i32
    %mul3A_1 = arith.muli %arg0, %mul3A : i32
    %div3A = arith.constant 6 : i32
    %div3A_2 = arith.divsi %arg1, %div3A : i32
    %add3A = arith.addi %mul3A_1, %div3A_2 : i32
    %lt3A = arith.constant 12 : i32
    %lt3A_3 = arith.cmpi slt, %arg1, %lt3A : i32
    %convert_element_type3A = arith.extui %lt3A_3 : i1 to i32
    %cond3A = arith.constant 0 : i32
    %cond3A_4 = arith.cmpi ne, %convert_element_type3A, %cond3A : i32
    scf.if %cond3A_4 {
      %mul3A_5 = arith.constant 4096 : i32
      %mul3A_6 = arith.muli %add3A, %mul3A_5 : i32
      %dma_start3A = tpu.memref_slice %arg2[%mul3A_6] : memref<16384xi32, #tpu.memory_space<hbm>> -> memref<4096xi32, #tpu.memory_space<hbm>>
      %dma_start3A_7 = tpu.memref_slice %arg2[%mul3A_6] : memref<16384xi32, #tpu.memory_space<hbm>> -> memref<4096xi32, #tpu.memory_space<hbm>>
      tpu.enqueue_dma source(%dma_start3A_7 : memref<4096xi32, #tpu.memory_space<hbm>>) target(%arg5 : memref<4096xi32, #tpu.memory_space<vmem>>) target_semaphore(%arg8 : memref<!tpu.dma_semaphore, #tpu.memory_space<semaphore_mem>>)
      %dma_start3A_8 = arith.constant 0 : i32
      %dma_start3A_9 = tpu.memref_slice %arg3[%rem3A_0, %dma_start3A_8] : memref<6x100000xf32, #tpu.memory_space<hbm>> -> memref<1x100000xf32, #tpu.memory_space<hbm>>
      %dma_start3A_10 = arith.constant 0 : i32
      %dma_start3A_11 = tpu.memref_slice %arg3[%rem3A_0, %dma_start3A_10] : memref<6x100000xf32, #tpu.memory_space<hbm>> -> memref<1x100000xf32, #tpu.memory_space<hbm>>
      tpu.enqueue_dma source(%dma_start3A_11 : memref<1x100000xf32, #tpu.memory_space<hbm>>) target(%arg6 : memref<1x100000xf32, #tpu.memory_space<vmem>>) target_semaphore(%arg8 : memref<!tpu.dma_semaphore, #tpu.memory_space<semaphore_mem>>)
      %dma_wait3A = tpu.memref_slice %arg2[%mul3A_6] : memref<16384xi32, #tpu.memory_space<hbm>> -> memref<4096xi32, #tpu.memory_space<hbm>>
      %dma_wait3A_12 = tpu.memref_slice %arg2[%mul3A_6] : memref<16384xi32, #tpu.memory_space<hbm>> -> memref<4096xi32, #tpu.memory_space<hbm>>
      tpu.wait_dma2 semaphore(%arg8 : memref<!tpu.dma_semaphore, #tpu.memory_space<semaphore_mem>>) src(%dma_wait3A_12 : memref<4096xi32, #tpu.memory_space<hbm>>) dst(%arg5 : memref<4096xi32, #tpu.memory_space<vmem>>)
      %dma_wait3A_13 = arith.constant 0 : i32
      %dma_wait3A_14 = tpu.memref_slice %arg3[%rem3A_0, %dma_wait3A_13] : memref<6x100000xf32, #tpu.memory_space<hbm>> -> memref<1x100000xf32, #tpu.memory_space<hbm>>
      %dma_wait3A_15 = arith.constant 0 : i32
      %dma_wait3A_16 = tpu.memref_slice %arg3[%rem3A_0, %dma_wait3A_15] : memref<6x100000xf32, #tpu.memory_space<hbm>> -> memref<1x100000xf32, #tpu.memory_space<hbm>>
      tpu.wait_dma2 semaphore(%arg8 : memref<!tpu.dma_semaphore, #tpu.memory_space<semaphore_mem>>) src(%dma_wait3A_16 : memref<1x100000xf32, #tpu.memory_space<hbm>>) dst(%arg6 : memref<1x100000xf32, #tpu.memory_space<vmem>>)
      %broadcast_in_dim3A = arith.constant 0 : i32
      %broadcast_in_dim3A_17 = vector.broadcast %broadcast_in_dim3A : i32 to vector<16xi32>
      %get3A = arith.constant 0 : index
      %get3A_18 = tpu.vector_load %arg5[%get3A] {strides = array<i32>} : memref<4096xi32, #tpu.memory_space<vmem>>, vector<16xi32>,
      %gather3A = tpu.vector_load_idx %arg6[%broadcast_in_dim3A_17, %get3A_18] : memref<1x100000xf32, #tpu.memory_space<vmem>>[vector<16xi32>, vector<16xi32>], vector<16xf32>,
      %swap3A = arith.constant 0 : i32
      %swap3A_19 = arith.index_cast %swap3A : i32 to index
      %swap3A_20 = arith.constant 0 : index
      %swap3A_21 = tpu.vector_load %arg7[%swap3A_19, %swap3A_20] {strides = array<i32>} : memref<1x4096xf32, #tpu.memory_space<vmem>>, vector<16xf32>,
      tpu.vector_store %arg7[%swap3A_19, %swap3A_20], %gather3A {strides = array<i32>} : memref<1x4096xf32, #tpu.memory_space<vmem>>, vector<16xf32>,
      %get3A_22 = arith.constant 16 : index
      %get3A_23 = tpu.vector_load %arg5[%get3A_22] {strides = array<i32>} : memref<4096xi32, #tpu.memory_space<vmem>>, vector<16xi32>,
      %gather3A_24 = tpu.vector_load_idx %arg6[%broadcast_in_dim3A_17, %get3A_23] : memref<1x100000xf32, #tpu.memory_space<vmem>>[vector<16xi32>, vector<16xi32>], vector<16xf32>,
      %swap3A_25 = arith.constant 0 : i32
      %swap3A_26 = arith.index_cast %swap3A_25 : i32 to index
      %swap3A_27 = arith.constant 16 : index
      %swap3A_28 = tpu.vector_load %arg7[%swap3A_26, %swap3A_27] {strides = array<i32>} : memref<1x4096xf32, #tpu.memory_space<vmem>>, vector<16xf32>,
      tpu.vector_store %arg7[%swap3A_26, %swap3A_27], %gather3A_24 {strides = array<i32>} : memref<1x4096xf32, #tpu.memory_space<vmem>>, vector<16xf32>,
      %get3A_29 = arith.constant 32 : index
      %get3A_30 = tpu.vector_load %arg5[%get3A_29] {strides = array<i32>} : memref<4096xi32, #tpu.memory_space<vmem>>, vector<16xi32>,
      %gather3A_31 = tpu.vector_load_idx %arg6[%broadcast_in_dim3A_17, %get3A_30] : memref<1x100000xf32, #tpu.memory_space<vmem>>[vector<16xi32>, vector<16xi32>], vector<16xf32>,
      %swap3A_32 = arith.constant 0 : i32
      %swap3A_33 = arith.index_cast %swap3A_32 : i32 to index
      %swap3A_34 = arith.constant 32 : index
      %swap3A_35 = tpu.vector_load %arg7[%swap3A_33, %swap3A_34] {strides = array<i32>} : memref<1x4096xf32, #tpu.memory_space<vmem>>, vector<16xf32>,
      tpu.vector_store %arg7[%swap3A_33, %swap3A_34], %gather3A_31 {strides = array<i32>} : memref<1x4096xf32, #tpu.memory_space<vmem>>, vector<16xf32>,
      %get3A_36 = arith.constant 48 : index
      %get3A_37 = tpu.vector_load %arg5[%get3A_36] {strides = array<i32>} : memref<4096xi32, #tpu.memory_space<vmem>>, vector<16xi32>,
      %gather3A_38 = tpu.vector_load_idx %arg6[%broadcast_in_dim3A_17, %get3A_37] : memref<1x100000xf32, #tpu.memory_space<vmem>>[vector<16xi32>, vector<16xi32>], vector<16xf32>,
      %swap3A_39 = arith.constant 0 : i32
      %swap3A_40 = arith.index_cast %swap3A_39 : i32 to index
      %swap3A_41 = arith.constant 48 : index
      %swap3A_42 = tpu.vector_load %arg7[%swap3A_40, %swap3A_41] {strides = array<i32>} : memref<1x4096xf32, #tpu.memory_space<vmem>>, vector<16xf32>,
      tpu.vector_store %arg7[%swap3A_40, %swap3A_41], %gather3A_38 {strides = array<i32>} : memref<1x4096xf32, #tpu.memory_space<vmem>>, vector<16xf32>,
      %get3A_43 = arith.constant 64 : index
      %get3A_44 = tpu.vector_load %arg5[%get3A_43] {strides = array<i32>} : memref<4096xi32, #tpu.memory_space<vmem>>, vector<16xi32>,
      %gather3A_45 = tpu.vector_load_idx %arg6[%broadcast_in_dim3A_17, %get3A_44] : memref<1x100000xf32, #tpu.memory_space<vmem>>[vector<16xi32>, vector<16xi32>], vector<16xf32>,
      %swap3A_46 = arith.constant 0 : i32
      %swap3A_47 = arith.index_cast %swap3A_46 : i32 to index
      %swap3A_48 = arith.constant 64 : index
      %swap3A_49 = tpu.vector_load %arg7[%swap3A_47, %swap3A_48] {strides = array<i32>} : memref<1x4096xf32, #tpu.memory_space<vmem>>, vector<16xf32>,
      tpu.vector_store %arg7[%swap3A_47, %swap3A_48], %gather3A_45 {strides = array<i32>} : memref<1x4096xf32, #tpu.memory_space<vmem>>, vector<16xf32>,
      %get3A_50 = arith.constant 80 : index
      %get3A_51 = tpu.vector_load %arg5[%get3A_50] {strides = array<i32>} : memref<4096xi32, #tpu.memory_space<vmem>>, vector<16xi32>,
      %gather3A_52 = tpu.vector_load_idx %arg6[%broadcast_in_dim3A_17, %get3A_51] : memref<1x100000xf32, #tpu.memory_space<vmem>>[vector<16xi32>, vector<16xi32>], vector<16xf32>,
      %swap3A_53 = arith.constant 0 : i32
      %swap3A_54 = arith.index_cast %swap3A_53 : i32 to index
      %swap3A_55 = arith.constant 80 : index
      %swap3A_56 = tpu.vector_load %arg7[%swap3A_54, %swap3A_55] {strides = array<i32>} : memref<1x4096xf32, #tpu.memory_space<vmem>>, vector<16xf32>,
      tpu.vector_store %arg7[%swap3A_54, %swap3A_55], %gather3A_52 {strides = array<i32>} : memref<1x4096xf32, #tpu.memory_space<vmem>>, vector<16xf32>,
      %get3A_57 = arith.constant 96 : index
      %get3A_58 = tpu.vector_load %arg5[%get3A_57] {strides = array<i32>} : memref<4096xi32, #tpu.memory_space<vmem>>, vector<16xi32>,
      %gather3A_59 = tpu.vector_load_idx %arg6[%broadcast_in_dim3A_17, %get3A_58] : memref<1x100000xf32, #tpu.memory_space<vmem>>[vector<16xi32>, vector<16xi32>], vector<16xf32>,
      %swap3A_60 = arith.constant 0 : i32
      %swap3A_61 = arith.index_cast %swap3A_60 : i32 to index
      %swap3A_62 = arith.constant 96 : index
      %swap3A_63 = tpu.vector_load %arg7[%swap3A_61, %swap3A_62] {strides = array<i32>} : memref<1x4096xf32, #tpu.memory_space<vmem>>, vector<16xf32>,
      tpu.vector_store %arg7[%swap3A_61, %swap3A_62], %gather3A_59 {strides = array<i32>} : memref<1x4096xf32, #tpu.memory_space<vmem>>, vector<16xf32>,
      %get3A_64 = arith.constant 112 : index
      %get3A_65 = tpu.vector_load %arg5[%get3A_64] {strides = array<i32>} : memref<4096xi32, #tpu.memory_space<vmem>>, vector<16xi32>,
      %gather3A_66 = tpu.vector_load_idx %arg6[%broadcast_in_dim3A_17, %get3A_65] : memref<1x100000xf32, #tpu.memory_space<vmem>>[vector<16xi32>, vector<16xi32>], vector<16xf32>,
      %swap3A_67 = arith.constant 0 : i32
      %swap3A_68 = arith.index_cast %swap3A_67 : i32 to index
      %swap3A_69 = arith.constant 112 : index
      %swap3A_70 = tpu.vector_load %arg7[%swap3A_68, %swap3A_69] {strides = array<i32>} : memref<1x4096xf32, #tpu.memory_space<vmem>>, vector<16xf32>,
      tpu.vector_store %arg7[%swap3A_68, %swap3A_69], %gather3A_66 {strides = array<i32>} : memref<1x4096xf32, #tpu.memory_space<vmem>>, vector<16xf32>,
      %get3A_71 = arith.constant 128 : index
      %get3A_72 = tpu.vector_load %arg5[%get3A_71] {strides = array<i32>} : memref<4096xi32, #tpu.memory_space<vmem>>, vector<16xi32>,
      %gather3A_73 = tpu.vector_load_idx %arg6[%broadcast_in_dim3A_17, %get3A_72] : memref<1x100000xf32, #tpu.memory_space<vmem>>[vector<16xi32>, vector<16xi32>], vector<16xf32>,
      %swap3A_74 = arith.constant 0 : i32
      %swap3A_75 = arith.index_cast %swap3A_74 : i32 to index
      %swap3A_76 = arith.constant 128 : index
      %swap3A_77 = tpu.vector_load %arg7[%swap3A_75, %swap3A_76] {strides = array<i32>} : memref<1x4096xf32, #tpu.memory_space<vmem>>, vector<16xf32>,
      tpu.vector_store %arg7[%swap3A_75, %swap3A_76], %gather3A_73 {strides = array<i32>} : memref<1x4096xf32, #tpu.memory_space<vmem>>, vector<16xf32>,
      %get3A_78 = arith.constant 144 : index
      %get3A_79 = tpu.vector_load %arg5[%get3A_78] {strides = array<i32>} : memref<4096xi32, #tpu.memory_space<vmem>>, vector<16xi32>,
      %gather3A_80 = tpu.vector_load_idx %arg6[%broadcast_in_dim3A_17, %get3A_79] : memref<1x100000xf32, #tpu.memory_space<vmem>>[vector<16xi32>, vector<16xi32>], vector<16xf32>,
      %swap3A_81 = arith.constant 0 : i32
      %swap3A_82 = arith.index_cast %swap3A_81 : i32 to index
      %swap3A_83 = arith.constant 144 : index
      %swap3A_84 = tpu.vector_load %arg7[%swap3A_82, %swap3A_83] {strides = array<i32>} : memref<1x4096xf32, #tpu.memory_space<vmem>>, vector<16xf32>,
      tpu.vector_store %arg7[%swap3A_82, %swap3A_83], %gather3A_80 {strides = array<i32>} : memref<1x4096xf32, #tpu.memory_space<vmem>>, vector<16xf32>,
      %get3A_85 = arith.constant 160 : index
      %get3A_86 = tpu.vector_load %arg5[%get3A_85] {strides = array<i32>} : memref<4096xi32, #tpu.memory_space<vmem>>, vector<16xi32>,
      %gather3A_87 = tpu.vector_load_idx %arg6[%broadcast_in_dim3A_17, %get3A_86] : memref<1x100000xf32, #tpu.memory_space<vmem>>[vector<16xi32>, vector<16xi32>], vector<16xf32>,
      %swap3A_88 = arith.constant 0 : i32
      %swap3A_89 = arith.index_cast %swap3A_88 : i32 to index
      %swap3A_90 = arith.constant 160 : index
      %swap3A_91 = tpu.vector_load %arg7[%swap3A_89, %swap3A_90] {strides = array<i32>} : memref<1x4096xf32, #tpu.memory_space<vmem>>, vector<16xf32>,
      tpu.vector_store %arg7[%swap3A_89, %swap3A_90], %gather3A_87 {strides = array<i32>} : memref<1x4096xf32, #tpu.memory_space<vmem>>, vector<16xf32>,
      %get3A_92 = arith.constant 176 : index
      %get3A_93 = tpu.vector_load %arg5[%get3A_92] {strides = array<i32>} : memref<4096xi32, #tpu.memory_space<vmem>>, vector<16xi32>,
      %gather3A_94 = tpu.vector_load_idx %arg6[%broadcast_in_dim3A_17, %get3A_93] : memref<1x100000xf32, #tpu.memory_space<vmem>>[vector<16xi32>, vector<16xi32>], vector<16xf32>,
      %swap3A_95 = arith.constant 0 : i32
      %swap3A_96 = arith.index_cast %swap3A_95 : i32 to index
      %swap3A_97 = arith.constant 176 : index
      %swap3A_98 = tpu.vector_load %arg7[%swap3A_96, %swap3A_97] {strides = array<i32>} : memref<1x4096xf32, #tpu.memory_space<vmem>>, vector<16xf32>,
      tpu.vector_store %arg7[%swap3A_96, %swap3A_97], %gather3A_94 {strides = array<i32>} : memref<1x4096xf32, #tpu.memory_space<vmem>>, vector<16xf32>,
      %get3A_99 = arith.constant 192 : index
      %get3A_100 = tpu.vector_load %arg5[%get3A_99] {strides = array<i32>} : memref<4096xi32, #tpu.memory_space<vmem>>, vector<16xi32>,
      %gather3A_101 = tpu.vector_load_idx %arg6[%broadcast_in_dim3A_17, %get3A_100] : memref<1x100000xf32, #tpu.memory_space<vmem>>[vector<16xi32>, vector<16xi32>], vector<16xf32>,
      %swap3A_102 = arith.constant 0 : i32
      %swap3A_103 = arith.index_cast %swap3A_102 : i32 to index
      %swap3A_104 = arith.constant 192 : index
      %swap3A_105 = tpu.vector_load %arg7[%swap3A_103, %swap3A_104] {strides = array<i32>} : memref<1x4096xf32, #tpu.memory_space<vmem>>, vector<16xf32>,
      tpu.vector_store %arg7[%swap3A_103, %swap3A_104], %gather3A_101 {strides = array<i32>} : memref<1x4096xf32, #tpu.memory_space<vmem>>, vector<16xf32>,
      %get3A_106 = arith.constant 208 : index
      %get3A_107 = tpu.vector_load %arg5[%get3A_106] {strides = array<i32>} : memref<4096xi32, #tpu.memory_space<vmem>>, vector<16xi32>,
      %gather3A_108 = tpu.vector_load_idx %arg6[%broadcast_in_dim3A_17, %get3A_107] : memref<1x100000xf32, #tpu.memory_space<vmem>>[vector<16xi32>, vector<16xi32>], vector<16xf32>,
      %swap3A_109 = arith.constant 0 : i32
      %swap3A_110 = arith.index_cast %swap3A_109 : i32 to index
      %swap3A_111 = arith.constant 208 : index
      %swap3A_112 = tpu.vector_load %arg7[%swap3A_110, %swap3A_111] {strides = array<i32>} : memref<1x4096xf32, #tpu.memory_space<vmem>>, vector<16xf32>,
      tpu.vector_store %arg7[%swap3A_110, %swap3A_111], %gather3A_108 {strides = array<i32>} : memref<1x4096xf32, #tpu.memory_space<vmem>>, vector<16xf32>,
      %get3A_113 = arith.constant 224 : index
      %get3A_114 = tpu.vector_load %arg5[%get3A_113] {strides = array<i32>} : memref<4096xi32, #tpu.memory_space<vmem>>, vector<16xi32>,
      %gather3A_115 = tpu.vector_load_idx %arg6[%broadcast_in_dim3A_17, %get3A_114] : memref<1x100000xf32, #tpu.memory_space<vmem>>[vector<16xi32>, vector<16xi32>], vector<16xf32>,
      %swap3A_116 = arith.constant 0 : i32
      %swap3A_117 = arith.index_cast %swap3A_116 : i32 to index
      %swap3A_118 = arith.constant 224 : index
      %swap3A_119 = tpu.vector_load %arg7[%swap3A_117, %swap3A_118] {strides = array<i32>} : memref<1x4096xf32, #tpu.memory_space<vmem>>, vector<16xf32>,
      tpu.vector_store %arg7[%swap3A_117, %swap3A_118], %gather3A_115 {strides = array<i32>} : memref<1x4096xf32, #tpu.memory_space<vmem>>, vector<16xf32>,
      %get3A_120 = arith.constant 240 : index
      %get3A_121 = tpu.vector_load %arg5[%get3A_120] {strides = array<i32>} : memref<4096xi32, #tpu.memory_space<vmem>>, vector<16xi32>,
      %gather3A_122 = tpu.vector_load_idx %arg6[%broadcast_in_dim3A_17, %get3A_121] : memref<1x100000xf32, #tpu.memory_space<vmem>>[vector<16xi32>, vector<16xi32>], vector<16xf32>,
      %swap3A_123 = arith.constant 0 : i32
      %swap3A_124 = arith.index_cast %swap3A_123 : i32 to index
      %swap3A_125 = arith.constant 240 : index
      %swap3A_126 = tpu.vector_load %arg7[%swap3A_124, %swap3A_125] {strides = array<i32>} : memref<1x4096xf32, #tpu.memory_space<vmem>>, vector<16xf32>,
      tpu.vector_store %arg7[%swap3A_124, %swap3A_125], %gather3A_122 {strides = array<i32>} : memref<1x4096xf32, #tpu.memory_space<vmem>>, vector<16xf32>,
      %get3A_127 = arith.constant 256 : index
      %get3A_128 = tpu.vector_load %arg5[%get3A_127] {strides = array<i32>} : memref<4096xi32, #tpu.memory_space<vmem>>, vector<16xi32>,
      %gather3A_129 = tpu.vector_load_idx %arg6[%broadcast_in_dim3A_17, %get3A_128] : memref<1x100000xf32, #tpu.memory_space<vmem>>[vector<16xi32>, vector<16xi32>], vector<16xf32>,
      %swap3A_130 = arith.constant 0 : i32
      %swap3A_131 = arith.index_cast %swap3A_130 : i32 to index
      %swap3A_132 = arith.constant 256 : index
      %swap3A_133 = tpu.vector_load %arg7[%swap3A_131, %swap3A_132] {strides = array<i32>} : memref<1x4096xf32, #tpu.memory_space<vmem>>, vector<16xf32>,
      tpu.vector_store %arg7[%swap3A_131, %swap3A_132], %gather3A_129 {strides = array<i32>} : memref<1x4096xf32, #tpu.memory_space<vmem>>, vector<16xf32>,
      %get3A_134 = arith.constant 272 : index
      %get3A_135 = tpu.vector_load %arg5[%get3A_134] {strides = array<i32>} : memref<4096xi32, #tpu.memory_space<vmem>>, vector<16xi32>,
      %gather3A_136 = tpu.vector_load_idx %arg6[%broadcast_in_dim3A_17, %get3A_135] : memref<1x100000xf32, #tpu.memory_space<vmem>>[vector<16xi32>, vector<16xi32>], vector<16xf32>,
      %swap3A_137 = arith.constant 0 : i32
      %swap3A_138 = arith.index_cast %swap3A_137 : i32 to index
      %swap3A_139 = arith.constant 272 : index
      %swap3A_140 = tpu.vector_load %arg7[%swap3A_138, %swap3A_139] {strides = array<i32>} : memref<1x4096xf32, #tpu.memory_space<vmem>>, vector<16xf32>,
      tpu.vector_store %arg7[%swap3A_138, %swap3A_139], %gather3A_136 {strides = array<i32>} : memref<1x4096xf32, #tpu.memory_space<vmem>>, vector<16xf32>,
      %get3A_141 = arith.constant 288 : index
      %get3A_142 = tpu.vector_load %arg5[%get3A_141] {strides = array<i32>} : memref<4096xi32, #tpu.memory_space<vmem>>, vector<16xi32>,
      %gather3A_143 = tpu.vector_load_idx %arg6[%broadcast_in_dim3A_17, %get3A_142] : memref<1x100000xf32, #tpu.memory_space<vmem>>[vector<16xi32>, vector<16xi32>], vector<16xf32>,
      %swap3A_144 = arith.constant 0 : i32
      %swap3A_145 = arith.index_cast %swap3A_144 : i32 to index
      %swap3A_146 = arith.constant 288 : index
      %swap3A_147 = tpu.vector_load %arg7[%swap3A_145, %swap3A_146] {strides = array<i32>} : memref<1x4096xf32, #tpu.memory_space<vmem>>, vector<16xf32>,
      tpu.vector_store %arg7[%swap3A_145, %swap3A_146], %gather3A_143 {strides = array<i32>} : memref<1x4096xf32, #tpu.memory_space<vmem>>, vector<16xf32>,
      %get3A_148 = arith.constant 304 : index
      %get3A_149 = tpu.vector_load %arg5[%get3A_148] {strides = array<i32>} : memref<4096xi32, #tpu.memory_space<vmem>>, vector<16xi32>,
      %gather3A_150 = tpu.vector_load_idx %arg6[%broadcast_in_dim3A_17, %get3A_149] : memref<1x100000xf32, #tpu.memory_space<vmem>>[vector<16xi32>, vector<16xi32>], vector<16xf32>,
      %swap3A_151 = arith.constant 0 : i32
      %swap3A_152 = arith.index_cast %swap3A_151 : i32 to index
      %swap3A_153 = arith.constant 304 : index
      %swap3A_154 = tpu.vector_load %arg7[%swap3A_152, %swap3A_153] {strides = array<i32>} : memref<1x4096xf32, #tpu.memory_space<vmem>>, vector<16xf32>,
      tpu.vector_store %arg7[%swap3A_152, %swap3A_153], %gather3A_150 {strides = array<i32>} : memref<1x4096xf32, #tpu.memory_space<vmem>>, vector<16xf32>,
      %get3A_155 = arith.constant 320 : index
      %get3A_156 = tpu.vector_load %arg5[%get3A_155] {strides = array<i32>} : memref<4096xi32, #tpu.memory_space<vmem>>, vector<16xi32>,
      %gather3A_157 = tpu.vector_load_idx %arg6[%broadcast_in_dim3A_17, %get3A_156] : memref<1x100000xf32, #tpu.memory_space<vmem>>[vector<16xi32>, vector<16xi32>], vector<16xf32>,
      %swap3A_158 = arith.constant 0 : i32
      %swap3A_159 = arith.index_cast %swap3A_158 : i32 to index
      %swap3A_160 = arith.constant 320 : index
      %swap3A_161 = tpu.vector_load %arg7[%swap3A_159, %swap3A_160] {strides = array<i32>} : memref<1x4096xf32, #tpu.memory_space<vmem>>, vector<16xf32>,
      tpu.vector_store %arg7[%swap3A_159, %swap3A_160], %gather3A_157 {strides = array<i32>} : memref<1x4096xf32, #tpu.memory_space<vmem>>, vector<16xf32>,
      %get3A_162 = arith.constant 336 : index
      %get3A_163 = tpu.vector_load %arg5[%get3A_162] {strides = array<i32>} : memref<4096xi32, #tpu.memory_space<vmem>>, vector<16xi32>,
      %gather3A_164 = tpu.vector_load_idx %arg6[%broadcast_in_dim3A_17, %get3A_163] : memref<1x100000xf32, #tpu.memory_space<vmem>>[vector<16xi32>, vector<16xi32>], vector<16xf32>,
      %swap3A_165 = arith.constant 0 : i32
      %swap3A_166 = arith.index_cast %swap3A_165 : i32 to index
      %swap3A_167 = arith.constant 336 : index
      %swap3A_168 = tpu.vector_load %arg7[%swap3A_166, %swap3A_167] {strides = array<i32>} : memref<1x4096xf32, #tpu.memory_space<vmem>>, vector<16xf32>,
      tpu.vector_store %arg7[%swap3A_166, %swap3A_167], %gather3A_164 {strides = array<i32>} : memref<1x4096xf32, #tpu.memory_space<vmem>>, vector<16xf32>,
      %get3A_169 = arith.constant 352 : index
      %get3A_170 = tpu.vector_load %arg5[%get3A_169] {strides = array<i32>} : memref<4096xi32, #tpu.memory_space<vmem>>, vector<16xi32>,
      %gather3A_171 = tpu.vector_load_idx %arg6[%broadcast_in_dim3A_17, %get3A_170] : memref<1x100000xf32, #tpu.memory_space<vmem>>[vector<16xi32>, vector<16xi32>], vector<16xf32>,
      %swap3A_172 = arith.constant 0 : i32
      %swap3A_173 = arith.index_cast %swap3A_172 : i32 to index
      %swap3A_174 = arith.constant 352 : index
      %swap3A_175 = tpu.vector_load %arg7[%swap3A_173, %swap3A_174] {strides = array<i32>} : memref<1x4096xf32, #tpu.memory_space<vmem>>, vector<16xf32>,
      tpu.vector_store %arg7[%swap3A_173, %swap3A_174], %gather3A_171 {strides = array<i32>} : memref<1x4096xf32, #tpu.memory_space<vmem>>, vector<16xf32>,
      %get3A_176 = arith.constant 368 : index
      %get3A_177 = tpu.vector_load %arg5[%get3A_176] {strides = array<i32>} : memref<4096xi32, #tpu.memory_space<vmem>>, vector<16xi32>,
      %gather3A_178 = tpu.vector_load_idx %arg6[%broadcast_in_dim3A_17, %get3A_177] : memref<1x100000xf32, #tpu.memory_space<vmem>>[vector<16xi32>, vector<16xi32>], vector<16xf32>,
      %swap3A_179 = arith.constant 0 : i32
      %swap3A_180 = arith.index_cast %swap3A_179 : i32 to index
      %swap3A_181 = arith.constant 368 : index
      %swap3A_182 = tpu.vector_load %arg7[%swap3A_180, %swap3A_181] {strides = array<i32>} : memref<1x4096xf32, #tpu.memory_space<vmem>>, vector<16xf32>,
      tpu.vector_store %arg7[%swap3A_180, %swap3A_181], %gather3A_178 {strides = array<i32>} : memref<1x4096xf32, #tpu.memory_space<vmem>>, vector<16xf32>,
      %get3A_183 = arith.constant 384 : index
      %get3A_184 = tpu.vector_load %arg5[%get3A_183] {strides = array<i32>} : memref<4096xi32, #tpu.memory_space<vmem>>, vector<16xi32>,
      %gather3A_185 = tpu.vector_load_idx %arg6[%broadcast_in_dim3A_17, %get3A_184] : memref<1x100000xf32, #tpu.memory_space<vmem>>[vector<16xi32>, vector<16xi32>], vector<16xf32>,
      %swap3A_186 = arith.constant 0 : i32
      %swap3A_187 = arith.index_cast %swap3A_186 : i32 to index
      %swap3A_188 = arith.constant 384 : index
      %swap3A_189 = tpu.vector_load %arg7[%swap3A_187, %swap3A_188] {strides = array<i32>} : memref<1x4096xf32, #tpu.memory_space<vmem>>, vector<16xf32>,
      tpu.vector_store %arg7[%swap3A_187, %swap3A_188], %gather3A_185 {strides = array<i32>} : memref<1x4096xf32, #tpu.memory_space<vmem>>, vector<16xf32>,
      %get3A_190 = arith.constant 400 : index
      %get3A_191 = tpu.vector_load %arg5[%get3A_190] {strides = array<i32>} : memref<4096xi32, #tpu.memory_space<vmem>>, vector<16xi32>,
      %gather3A_192 = tpu.vector_load_idx %arg6[%broadcast_in_dim3A_17, %get3A_191] : memref<1x100000xf32, #tpu.memory_space<vmem>>[vector<16xi32>, vector<16xi32>], vector<16xf32>,
      %swap3A_193 = arith.constant 0 : i32
      %swap3A_194 = arith.index_cast %swap3A_193 : i32 to index
      %swap3A_195 = arith.constant 400 : index
      %swap3A_196 = tpu.vector_load %arg7[%swap3A_194, %swap3A_195] {strides = array<i32>} : memref<1x4096xf32, #tpu.memory_space<vmem>>, vector<16xf32>,
      tpu.vector_store %arg7[%swap3A_194, %swap3A_195], %gather3A_192 {strides = array<i32>} : memref<1x4096xf32, #tpu.memory_space<vmem>>, vector<16xf32>,
      %get3A_197 = arith.constant 416 : index
      %get3A_198 = tpu.vector_load %arg5[%get3A_197] {strides = array<i32>} : memref<4096xi32, #tpu.memory_space<vmem>>, vector<16xi32>,
      %gather3A_199 = tpu.vector_load_idx %arg6[%broadcast_in_dim3A_17, %get3A_198] : memref<1x100000xf32, #tpu.memory_space<vmem>>[vector<16xi32>, vector<16xi32>], vector<16xf32>,
      %swap3A_200 = arith.constant 0 : i32
      %swap3A_201 = arith.index_cast %swap3A_200 : i32 to index
      %swap3A_202 = arith.constant 416 : index
      %swap3A_203 = tpu.vector_load %arg7[%swap3A_201, %swap3A_202] {strides = array<i32>} : memref<1x4096xf32, #tpu.memory_space<vmem>>, vector<16xf32>,
      tpu.vector_store %arg7[%swap3A_201, %swap3A_202], %gather3A_199 {strides = array<i32>} : memref<1x4096xf32, #tpu.memory_space<vmem>>, vector<16xf32>,
      %get3A_204 = arith.constant 432 : index
      %get3A_205 = tpu.vector_load %arg5[%get3A_204] {strides = array<i32>} : memref<4096xi32, #tpu.memory_space<vmem>>, vector<16xi32>,
      %gather3A_206 = tpu.vector_load_idx %arg6[%broadcast_in_dim3A_17, %get3A_205] : memref<1x100000xf32, #tpu.memory_space<vmem>>[vector<16xi32>, vector<16xi32>], vector<16xf32>,
      %swap3A_207 = arith.constant 0 : i32
      %swap3A_208 = arith.index_cast %swap3A_207 : i32 to index
      %swap3A_209 = arith.constant 432 : index
      %swap3A_210 = tpu.vector_load %arg7[%swap3A_208, %swap3A_209] {strides = array<i32>} : memref<1x4096xf32, #tpu.memory_space<vmem>>, vector<16xf32>,
      tpu.vector_store %arg7[%swap3A_208, %swap3A_209], %gather3A_206 {strides = array<i32>} : memref<1x4096xf32, #tpu.memory_space<vmem>>, vector<16xf32>,
      %get3A_211 = arith.constant 448 : index
      %get3A_212 = tpu.vector_load %arg5[%get3A_211] {strides = array<i32>} : memref<4096xi32, #tpu.memory_space<vmem>>, vector<16xi32>,
      %gather3A_213 = tpu.vector_load_idx %arg6[%broadcast_in_dim3A_17, %get3A_212] : memref<1x100000xf32, #tpu.memory_space<vmem>>[vector<16xi32>, vector<16xi32>], vector<16xf32>,
      %swap3A_214 = arith.constant 0 : i32
      %swap3A_215 = arith.index_cast %swap3A_214 : i32 to index
      %swap3A_216 = arith.constant 448 : index
      %swap3A_217 = tpu.vector_load %arg7[%swap3A_215, %swap3A_216] {strides = array<i32>} : memref<1x4096xf32, #tpu.memory_space<vmem>>, vector<16xf32>,
      tpu.vector_store %arg7[%swap3A_215, %swap3A_216], %gather3A_213 {strides = array<i32>} : memref<1x4096xf32, #tpu.memory_space<vmem>>, vector<16xf32>,
      %get3A_218 = arith.constant 464 : index
      %get3A_219 = tpu.vector_load %arg5[%get3A_218] {strides = array<i32>} : memref<4096xi32, #tpu.memory_space<vmem>>, vector<16xi32>,
      %gather3A_220 = tpu.vector_load_idx %arg6[%broadcast_in_dim3A_17, %get3A_219] : memref<1x100000xf32, #tpu.memory_space<vmem>>[vector<16xi32>, vector<16xi32>], vector<16xf32>,
      %swap3A_221 = arith.constant 0 : i32
      %swap3A_222 = arith.index_cast %swap3A_221 : i32 to index
      %swap3A_223 = arith.constant 464 : index
      %swap3A_224 = tpu.vector_load %arg7[%swap3A_222, %swap3A_223] {strides = array<i32>} : memref<1x4096xf32, #tpu.memory_space<vmem>>, vector<16xf32>,
      tpu.vector_store %arg7[%swap3A_222, %swap3A_223], %gather3A_220 {strides = array<i32>} : memref<1x4096xf32, #tpu.memory_space<vmem>>, vector<16xf32>,
      %get3A_225 = arith.constant 480 : index
      %get3A_226 = tpu.vector_load %arg5[%get3A_225] {strides = array<i32>} : memref<4096xi32, #tpu.memory_space<vmem>>, vector<16xi32>,
      %gather3A_227 = tpu.vector_load_idx %arg6[%broadcast_in_dim3A_17, %get3A_226] : memref<1x100000xf32, #tpu.memory_space<vmem>>[vector<16xi32>, vector<16xi32>], vector<16xf32>,
      %swap3A_228 = arith.constant 0 : i32
      %swap3A_229 = arith.index_cast %swap3A_228 : i32 to index
      %swap3A_230 = arith.constant 480 : index
      %swap3A_231 = tpu.vector_load %arg7[%swap3A_229, %swap3A_230] {strides = array<i32>} : memref<1x4096xf32, #tpu.memory_space<vmem>>, vector<16xf32>,
      tpu.vector_store %arg7[%swap3A_229, %swap3A_230], %gather3A_227 {strides = array<i32>} : memref<1x4096xf32, #tpu.memory_space<vmem>>, vector<16xf32>,
      %get3A_232 = arith.constant 496 : index
      %get3A_233 = tpu.vector_load %arg5[%get3A_232] {strides = array<i32>} : memref<4096xi32, #tpu.memory_space<vmem>>, vector<16xi32>,
      %gather3A_234 = tpu.vector_load_idx %arg6[%broadcast_in_dim3A_17, %get3A_233] : memref<1x100000xf32, #tpu.memory_space<vmem>>[vector<16xi32>, vector<16xi32>], vector<16xf32>,
      %swap3A_235 = arith.constant 0 : i32
      %swap3A_236 = arith.index_cast %swap3A_235 : i32 to index
      %swap3A_237 = arith.constant 496 : index
      %swap3A_238 = tpu.vector_load %arg7[%swap3A_236, %swap3A_237] {strides = array<i32>} : memref<1x4096xf32, #tpu.memory_space<vmem>>, vector<16xf32>,
      tpu.vector_store %arg7[%swap3A_236, %swap3A_237], %gather3A_234 {strides = array<i32>} : memref<1x4096xf32, #tpu.memory_space<vmem>>, vector<16xf32>,
      %get3A_239 = arith.constant 512 : index
      %get3A_240 = tpu.vector_load %arg5[%get3A_239] {strides = array<i32>} : memref<4096xi32, #tpu.memory_space<vmem>>, vector<16xi32>,
      %gather3A_241 = tpu.vector_load_idx %arg6[%broadcast_in_dim3A_17, %get3A_240] : memref<1x100000xf32, #tpu.memory_space<vmem>>[vector<16xi32>, vector<16xi32>], vector<16xf32>,
      %swap3A_242 = arith.constant 0 : i32
      %swap3A_243 = arith.index_cast %swap3A_242 : i32 to index
      %swap3A_244 = arith.constant 512 : index
      %swap3A_245 = tpu.vector_load %arg7[%swap3A_243, %swap3A_244] {strides = array<i32>} : memref<1x4096xf32, #tpu.memory_space<vmem>>, vector<16xf32>,
      tpu.vector_store %arg7[%swap3A_243, %swap3A_244], %gather3A_241 {strides = array<i32>} : memref<1x4096xf32, #tpu.memory_space<vmem>>, vector<16xf32>,
      %get3A_246 = arith.constant 528 : index
      %get3A_247 = tpu.vector_load %arg5[%get3A_246] {strides = array<i32>} : memref<4096xi32, #tpu.memory_space<vmem>>, vector<16xi32>,
      %gather3A_248 = tpu.vector_load_idx %arg6[%broadcast_in_dim3A_17, %get3A_247] : memref<1x100000xf32, #tpu.memory_space<vmem>>[vector<16xi32>, vector<16xi32>], vector<16xf32>,
      %swap3A_249 = arith.constant 0 : i32
      %swap3A_250 = arith.index_cast %swap3A_249 : i32 to index
      %swap3A_251 = arith.constant 528 : index
      %swap3A_252 = tpu.vector_load %arg7[%swap3A_250, %swap3A_251] {strides = array<i32>} : memref<1x4096xf32, #tpu.memory_space<vmem>>, vector<16xf32>,
      tpu.vector_store %arg7[%swap3A_250, %swap3A_251], %gather3A_248 {strides = array<i32>} : memref<1x4096xf32, #tpu.memory_space<vmem>>, vector<16xf32>,
      %get3A_253 = arith.constant 544 : index
      %get3A_254 = tpu.vector_load %arg5[%get3A_253] {strides = array<i32>} : memref<4096xi32, #tpu.memory_space<vmem>>, vector<16xi32>,
      %gather3A_255 = tpu.vector_load_idx %arg6[%broadcast_in_dim3A_17, %get3A_254] : memref<1x100000xf32, #tpu.memory_space<vmem>>[vector<16xi32>, vector<16xi32>], vector<16xf32>,
      %swap3A_256 = arith.constant 0 : i32
      %swap3A_257 = arith.index_cast %swap3A_256 : i32 to index
      %swap3A_258 = arith.constant 544 : index
      %swap3A_259 = tpu.vector_load %arg7[%swap3A_257, %swap3A_258] {strides = array<i32>} : memref<1x4096xf32, #tpu.memory_space<vmem>>, vector<16xf32>,
      tpu.vector_store %arg7[%swap3A_257, %swap3A_258], %gather3A_255 {strides = array<i32>} : memref<1x4096xf32, #tpu.memory_space<vmem>>, vector<16xf32>,
      %get3A_260 = arith.constant 560 : index
      %get3A_261 = tpu.vector_load %arg5[%get3A_260] {strides = array<i32>} : memref<4096xi32, #tpu.memory_space<vmem>>, vector<16xi32>,
      %gather3A_262 = tpu.vector_load_idx %arg6[%broadcast_in_dim3A_17, %get3A_261] : memref<1x100000xf32, #tpu.memory_space<vmem>>[vector<16xi32>, vector<16xi32>], vector<16xf32>,
      %swap3A_263 = arith.constant 0 : i32
      %swap3A_264 = arith.index_cast %swap3A_263 : i32 to index
      %swap3A_265 = arith.constant 560 : index
      %swap3A_266 = tpu.vector_load %arg7[%swap3A_264, %swap3A_265] {strides = array<i32>} : memref<1x4096xf32, #tpu.memory_space<vmem>>, vector<16xf32>,
      tpu.vector_store %arg7[%swap3A_264, %swap3A_265], %gather3A_262 {strides = array<i32>} : memref<1x4096xf32, #tpu.memory_space<vmem>>, vector<16xf32>,
      %get3A_267 = arith.constant 576 : index
      %get3A_268 = tpu.vector_load %arg5[%get3A_267] {strides = array<i32>} : memref<4096xi32, #tpu.memory_space<vmem>>, vector<16xi32>,
      %gather3A_269 = tpu.vector_load_idx %arg6[%broadcast_in_dim3A_17, %get3A_268] : memref<1x100000xf32, #tpu.memory_space<vmem>>[vector<16xi32>, vector<16xi32>], vector<16xf32>,
      %swap3A_270 = arith.constant 0 : i32
      %swap3A_271 = arith.index_cast %swap3A_270 : i32 to index
      %swap3A_272 = arith.constant 576 : index
      %swap3A_273 = tpu.vector_load %arg7[%swap3A_271, %swap3A_272] {strides = array<i32>} : memref<1x4096xf32, #tpu.memory_space<vmem>>, vector<16xf32>,
      tpu.vector_store %arg7[%swap3A_271, %swap3A_272], %gather3A_269 {strides = array<i32>} : memref<1x4096xf32, #tpu.memory_space<vmem>>, vector<16xf32>,
      %get3A_274 = arith.constant 592 : index
      %get3A_275 = tpu.vector_load %arg5[%get3A_274] {strides = array<i32>} : memref<4096xi32, #tpu.memory_space<vmem>>, vector<16xi32>,
      %gather3A_276 = tpu.vector_load_idx %arg6[%broadcast_in_dim3A_17, %get3A_275] : memref<1x100000xf32, #tpu.memory_space<vmem>>[vector<16xi32>, vector<16xi32>], vector<16xf32>,
      %swap3A_277 = arith.constant 0 : i32
      %swap3A_278 = arith.index_cast %swap3A_277 : i32 to index
      %swap3A_279 = arith.constant 592 : index
      %swap3A_280 = tpu.vector_load %arg7[%swap3A_278, %swap3A_279] {strides = array<i32>} : memref<1x4096xf32, #tpu.memory_space<vmem>>, vector<16xf32>,
      tpu.vector_store %arg7[%swap3A_278, %swap3A_279], %gather3A_276 {strides = array<i32>} : memref<1x4096xf32, #tpu.memory_space<vmem>>, vector<16xf32>,
      %get3A_281 = arith.constant 608 : index
      %get3A_282 = tpu.vector_load %arg5[%get3A_281] {strides = array<i32>} : memref<4096xi32, #tpu.memory_space<vmem>>, vector<16xi32>,
      %gather3A_283 = tpu.vector_load_idx %arg6[%broadcast_in_dim3A_17, %get3A_282] : memref<1x100000xf32, #tpu.memory_space<vmem>>[vector<16xi32>, vector<16xi32>], vector<16xf32>,
      %swap3A_284 = arith.constant 0 : i32
      %swap3A_285 = arith.index_cast %swap3A_284 : i32 to index
      %swap3A_286 = arith.constant 608 : index
      %swap3A_287 = tpu.vector_load %arg7[%swap3A_285, %swap3A_286] {strides = array<i32>} : memref<1x4096xf32, #tpu.memory_space<vmem>>, vector<16xf32>,
      tpu.vector_store %arg7[%swap3A_285, %swap3A_286], %gather3A_283 {strides = array<i32>} : memref<1x4096xf32, #tpu.memory_space<vmem>>, vector<16xf32>,
      %get3A_288 = arith.constant 624 : index
      %get3A_289 = tpu.vector_load %arg5[%get3A_288] {strides = array<i32>} : memref<4096xi32, #tpu.memory_space<vmem>>, vector<16xi32>,
      %gather3A_290 = tpu.vector_load_idx %arg6[%broadcast_in_dim3A_17, %get3A_289] : memref<1x100000xf32, #tpu.memory_space<vmem>>[vector<16xi32>, vector<16xi32>], vector<16xf32>,
      %swap3A_291 = arith.constant 0 : i32
      %swap3A_292 = arith.index_cast %swap3A_291 : i32 to index
      %swap3A_293 = arith.constant 624 : index
      %swap3A_294 = tpu.vector_load %arg7[%swap3A_292, %swap3A_293] {strides = array<i32>} : memref<1x4096xf32, #tpu.memory_space<vmem>>, vector<16xf32>,
      tpu.vector_store %arg7[%swap3A_292, %swap3A_293], %gather3A_290 {strides = array<i32>} : memref<1x4096xf32, #tpu.memory_space<vmem>>, vector<16xf32>,
      %get3A_295 = arith.constant 640 : index
      %get3A_296 = tpu.vector_load %arg5[%get3A_295] {strides = array<i32>} : memref<4096xi32, #tpu.memory_space<vmem>>, vector<16xi32>,
      %gather3A_297 = tpu.vector_load_idx %arg6[%broadcast_in_dim3A_17, %get3A_296] : memref<1x100000xf32, #tpu.memory_space<vmem>>[vector<16xi32>, vector<16xi32>], vector<16xf32>,
      %swap3A_298 = arith.constant 0 : i32
      %swap3A_299 = arith.index_cast %swap3A_298 : i32 to index
      %swap3A_300 = arith.constant 640 : index
      %swap3A_301 = tpu.vector_load %arg7[%swap3A_299, %swap3A_300] {strides = array<i32>} : memref<1x4096xf32, #tpu.memory_space<vmem>>, vector<16xf32>,
      tpu.vector_store %arg7[%swap3A_299, %swap3A_300], %gather3A_297 {strides = array<i32>} : memref<1x4096xf32, #tpu.memory_space<vmem>>, vector<16xf32>,
      %get3A_302 = arith.constant 656 : index
      %get3A_303 = tpu.vector_load %arg5[%get3A_302] {strides = array<i32>} : memref<4096xi32, #tpu.memory_space<vmem>>, vector<16xi32>,
      %gather3A_304 = tpu.vector_load_idx %arg6[%broadcast_in_dim3A_17, %get3A_303] : memref<1x100000xf32, #tpu.memory_space<vmem>>[vector<16xi32>, vector<16xi32>], vector<16xf32>,
      %swap3A_305 = arith.constant 0 : i32
      %swap3A_306 = arith.index_cast %swap3A_305 : i32 to index
      %swap3A_307 = arith.constant 656 : index
      %swap3A_308 = tpu.vector_load %arg7[%swap3A_306, %swap3A_307] {strides = array<i32>} : memref<1x4096xf32, #tpu.memory_space<vmem>>, vector<16xf32>,
      tpu.vector_store %arg7[%swap3A_306, %swap3A_307], %gather3A_304 {strides = array<i32>} : memref<1x4096xf32, #tpu.memory_space<vmem>>, vector<16xf32>,
      %get3A_309 = arith.constant 672 : index
      %get3A_310 = tpu.vector_load %arg5[%get3A_309] {strides = array<i32>} : memref<4096xi32, #tpu.memory_space<vmem>>, vector<16xi32>,
      %gather3A_311 = tpu.vector_load_idx %arg6[%broadcast_in_dim3A_17, %get3A_310] : memref<1x100000xf32, #tpu.memory_space<vmem>>[vector<16xi32>, vector<16xi32>], vector<16xf32>,
      %swap3A_312 = arith.constant 0 : i32
      %swap3A_313 = arith.index_cast %swap3A_312 : i32 to index
      %swap3A_314 = arith.constant 672 : index
      %swap3A_315 = tpu.vector_load %arg7[%swap3A_313, %swap3A_314] {strides = array<i32>} : memref<1x4096xf32, #tpu.memory_space<vmem>>, vector<16xf32>,
      tpu.vector_store %arg7[%swap3A_313, %swap3A_314], %gather3A_311 {strides = array<i32>} : memref<1x4096xf32, #tpu.memory_space<vmem>>, vector<16xf32>,
      %get3A_316 = arith.constant 688 : index
      %get3A_317 = tpu.vector_load %arg5[%get3A_316] {strides = array<i32>} : memref<4096xi32, #tpu.memory_space<vmem>>, vector<16xi32>,
      %gather3A_318 = tpu.vector_load_idx %arg6[%broadcast_in_dim3A_17, %get3A_317] : memref<1x100000xf32, #tpu.memory_space<vmem>>[vector<16xi32>, vector<16xi32>], vector<16xf32>,
      %swap3A_319 = arith.constant 0 : i32
      %swap3A_320 = arith.index_cast %swap3A_319 : i32 to index
      %swap3A_321 = arith.constant 688 : index
      %swap3A_322 = tpu.vector_load %arg7[%swap3A_320, %swap3A_321] {strides = array<i32>} : memref<1x4096xf32, #tpu.memory_space<vmem>>, vector<16xf32>,
      tpu.vector_store %arg7[%swap3A_320, %swap3A_321], %gather3A_318 {strides = array<i32>} : memref<1x4096xf32, #tpu.memory_space<vmem>>, vector<16xf32>,
      %get3A_323 = arith.constant 704 : index
      %get3A_324 = tpu.vector_load %arg5[%get3A_323] {strides = array<i32>} : memref<4096xi32, #tpu.memory_space<vmem>>, vector<16xi32>,
      %gather3A_325 = tpu.vector_load_idx %arg6[%broadcast_in_dim3A_17, %get3A_324] : memref<1x100000xf32, #tpu.memory_space<vmem>>[vector<16xi32>, vector<16xi32>], vector<16xf32>,
      %swap3A_326 = arith.constant 0 : i32
      %swap3A_327 = arith.index_cast %swap3A_326 : i32 to index
      %swap3A_328 = arith.constant 704 : index
      %swap3A_329 = tpu.vector_load %arg7[%swap3A_327, %swap3A_328] {strides = array<i32>} : memref<1x4096xf32, #tpu.memory_space<vmem>>, vector<16xf32>,
      tpu.vector_store %arg7[%swap3A_327, %swap3A_328], %gather3A_325 {strides = array<i32>} : memref<1x4096xf32, #tpu.memory_space<vmem>>, vector<16xf32>,
      %get3A_330 = arith.constant 720 : index
      %get3A_331 = tpu.vector_load %arg5[%get3A_330] {strides = array<i32>} : memref<4096xi32, #tpu.memory_space<vmem>>, vector<16xi32>,
      %gather3A_332 = tpu.vector_load_idx %arg6[%broadcast_in_dim3A_17, %get3A_331] : memref<1x100000xf32, #tpu.memory_space<vmem>>[vector<16xi32>, vector<16xi32>], vector<16xf32>,
      %swap3A_333 = arith.constant 0 : i32
      %swap3A_334 = arith.index_cast %swap3A_333 : i32 to index
      %swap3A_335 = arith.constant 720 : index
      %swap3A_336 = tpu.vector_load %arg7[%swap3A_334, %swap3A_335] {strides = array<i32>} : memref<1x4096xf32, #tpu.memory_space<vmem>>, vector<16xf32>,
      tpu.vector_store %arg7[%swap3A_334, %swap3A_335], %gather3A_332 {strides = array<i32>} : memref<1x4096xf32, #tpu.memory_space<vmem>>, vector<16xf32>,
      %get3A_337 = arith.constant 736 : index
      %get3A_338 = tpu.vector_load %arg5[%get3A_337] {strides = array<i32>} : memref<4096xi32, #tpu.memory_space<vmem>>, vector<16xi32>,
      %gather3A_339 = tpu.vector_load_idx %arg6[%broadcast_in_dim3A_17, %get3A_338] : memref<1x100000xf32, #tpu.memory_space<vmem>>[vector<16xi32>, vector<16xi32>], vector<16xf32>,
      %swap3A_340 = arith.constant 0 : i32
      %swap3A_341 = arith.index_cast %swap3A_340 : i32 to index
      %swap3A_342 = arith.constant 736 : index
      %swap3A_343 = tpu.vector_load %arg7[%swap3A_341, %swap3A_342] {strides = array<i32>} : memref<1x4096xf32, #tpu.memory_space<vmem>>, vector<16xf32>,
      tpu.vector_store %arg7[%swap3A_341, %swap3A_342], %gather3A_339 {strides = array<i32>} : memref<1x4096xf32, #tpu.memory_space<vmem>>, vector<16xf32>,
      %get3A_344 = arith.constant 752 : index
      %get3A_345 = tpu.vector_load %arg5[%get3A_344] {strides = array<i32>} : memref<4096xi32, #tpu.memory_space<vmem>>, vector<16xi32>,
      %gather3A_346 = tpu.vector_load_idx %arg6[%broadcast_in_dim3A_17, %get3A_345] : memref<1x100000xf32, #tpu.memory_space<vmem>>[vector<16xi32>, vector<16xi32>], vector<16xf32>,
      %swap3A_347 = arith.constant 0 : i32
      %swap3A_348 = arith.index_cast %swap3A_347 : i32 to index
      %swap3A_349 = arith.constant 752 : index
      %swap3A_350 = tpu.vector_load %arg7[%swap3A_348, %swap3A_349] {strides = array<i32>} : memref<1x4096xf32, #tpu.memory_space<vmem>>, vector<16xf32>,
      tpu.vector_store %arg7[%swap3A_348, %swap3A_349], %gather3A_346 {strides = array<i32>} : memref<1x4096xf32, #tpu.memory_space<vmem>>, vector<16xf32>,
      %get3A_351 = arith.constant 768 : index
      %get3A_352 = tpu.vector_load %arg5[%get3A_351] {strides = array<i32>} : memref<4096xi32, #tpu.memory_space<vmem>>, vector<16xi32>,
      %gather3A_353 = tpu.vector_load_idx %arg6[%broadcast_in_dim3A_17, %get3A_352] : memref<1x100000xf32, #tpu.memory_space<vmem>>[vector<16xi32>, vector<16xi32>], vector<16xf32>,
      %swap3A_354 = arith.constant 0 : i32
      %swap3A_355 = arith.index_cast %swap3A_354 : i32 to index
      %swap3A_356 = arith.constant 768 : index
      %swap3A_357 = tpu.vector_load %arg7[%swap3A_355, %swap3A_356] {strides = array<i32>} : memref<1x4096xf32, #tpu.memory_space<vmem>>, vector<16xf32>,
      tpu.vector_store %arg7[%swap3A_355, %swap3A_356], %gather3A_353 {strides = array<i32>} : memref<1x4096xf32, #tpu.memory_space<vmem>>, vector<16xf32>,
      %get3A_358 = arith.constant 784 : index
      %get3A_359 = tpu.vector_load %arg5[%get3A_358] {strides = array<i32>} : memref<4096xi32, #tpu.memory_space<vmem>>, vector<16xi32>,
      %gather3A_360 = tpu.vector_load_idx %arg6[%broadcast_in_dim3A_17, %get3A_359] : memref<1x100000xf32, #tpu.memory_space<vmem>>[vector<16xi32>, vector<16xi32>], vector<16xf32>,
      %swap3A_361 = arith.constant 0 : i32
      %swap3A_362 = arith.index_cast %swap3A_361 : i32 to index
      %swap3A_363 = arith.constant 784 : index
      %swap3A_364 = tpu.vector_load %arg7[%swap3A_362, %swap3A_363] {strides = array<i32>} : memref<1x4096xf32, #tpu.memory_space<vmem>>, vector<16xf32>,
      tpu.vector_store %arg7[%swap3A_362, %swap3A_363], %gather3A_360 {strides = array<i32>} : memref<1x4096xf32, #tpu.memory_space<vmem>>, vector<16xf32>,
      %get3A_365 = arith.constant 800 : index
      %get3A_366 = tpu.vector_load %arg5[%get3A_365] {strides = array<i32>} : memref<4096xi32, #tpu.memory_space<vmem>>, vector<16xi32>,
      %gather3A_367 = tpu.vector_load_idx %arg6[%broadcast_in_dim3A_17, %get3A_366] : memref<1x100000xf32, #tpu.memory_space<vmem>>[vector<16xi32>, vector<16xi32>], vector<16xf32>,
      %swap3A_368 = arith.constant 0 : i32
      %swap3A_369 = arith.index_cast %swap3A_368 : i32 to index
      %swap3A_370 = arith.constant 800 : index
      %swap3A_371 = tpu.vector_load %arg7[%swap3A_369, %swap3A_370] {strides = array<i32>} : memref<1x4096xf32, #tpu.memory_space<vmem>>, vector<16xf32>,
      tpu.vector_store %arg7[%swap3A_369, %swap3A_370], %gather3A_367 {strides = array<i32>} : memref<1x4096xf32, #tpu.memory_space<vmem>>, vector<16xf32>,
      %get3A_372 = arith.constant 816 : index
      %get3A_373 = tpu.vector_load %arg5[%get3A_372] {strides = array<i32>} : memref<4096xi32, #tpu.memory_space<vmem>>, vector<16xi32>,
      %gather3A_374 = tpu.vector_load_idx %arg6[%broadcast_in_dim3A_17, %get3A_373] : memref<1x100000xf32, #tpu.memory_space<vmem>>[vector<16xi32>, vector<16xi32>], vector<16xf32>,
      %swap3A_375 = arith.constant 0 : i32
      %swap3A_376 = arith.index_cast %swap3A_375 : i32 to index
      %swap3A_377 = arith.constant 816 : index
      %swap3A_378 = tpu.vector_load %arg7[%swap3A_376, %swap3A_377] {strides = array<i32>} : memref<1x4096xf32, #tpu.memory_space<vmem>>, vector<16xf32>,
      tpu.vector_store %arg7[%swap3A_376, %swap3A_377], %gather3A_374 {strides = array<i32>} : memref<1x4096xf32, #tpu.memory_space<vmem>>, vector<16xf32>,
      %get3A_379 = arith.constant 832 : index
      %get3A_380 = tpu.vector_load %arg5[%get3A_379] {strides = array<i32>} : memref<4096xi32, #tpu.memory_space<vmem>>, vector<16xi32>,
      %gather3A_381 = tpu.vector_load_idx %arg6[%broadcast_in_dim3A_17, %get3A_380] : memref<1x100000xf32, #tpu.memory_space<vmem>>[vector<16xi32>, vector<16xi32>], vector<16xf32>,
      %swap3A_382 = arith.constant 0 : i32
      %swap3A_383 = arith.index_cast %swap3A_382 : i32 to index
      %swap3A_384 = arith.constant 832 : index
      %swap3A_385 = tpu.vector_load %arg7[%swap3A_383, %swap3A_384] {strides = array<i32>} : memref<1x4096xf32, #tpu.memory_space<vmem>>, vector<16xf32>,
      tpu.vector_store %arg7[%swap3A_383, %swap3A_384], %gather3A_381 {strides = array<i32>} : memref<1x4096xf32, #tpu.memory_space<vmem>>, vector<16xf32>,
      %get3A_386 = arith.constant 848 : index
      %get3A_387 = tpu.vector_load %arg5[%get3A_386] {strides = array<i32>} : memref<4096xi32, #tpu.memory_space<vmem>>, vector<16xi32>,
      %gather3A_388 = tpu.vector_load_idx %arg6[%broadcast_in_dim3A_17, %get3A_387] : memref<1x100000xf32, #tpu.memory_space<vmem>>[vector<16xi32>, vector<16xi32>], vector<16xf32>,
      %swap3A_389 = arith.constant 0 : i32
      %swap3A_390 = arith.index_cast %swap3A_389 : i32 to index
      %swap3A_391 = arith.constant 848 : index
      %swap3A_392 = tpu.vector_load %arg7[%swap3A_390, %swap3A_391] {strides = array<i32>} : memref<1x4096xf32, #tpu.memory_space<vmem>>, vector<16xf32>,
      tpu.vector_store %arg7[%swap3A_390, %swap3A_391], %gather3A_388 {strides = array<i32>} : memref<1x4096xf32, #tpu.memory_space<vmem>>, vector<16xf32>,
      %get3A_393 = arith.constant 864 : index
      %get3A_394 = tpu.vector_load %arg5[%get3A_393] {strides = array<i32>} : memref<4096xi32, #tpu.memory_space<vmem>>, vector<16xi32>,
      %gather3A_395 = tpu.vector_load_idx %arg6[%broadcast_in_dim3A_17, %get3A_394] : memref<1x100000xf32, #tpu.memory_space<vmem>>[vector<16xi32>, vector<16xi32>], vector<16xf32>,
      %swap3A_396 = arith.constant 0 : i32
      %swap3A_397 = arith.index_cast %swap3A_396 : i32 to index
      %swap3A_398 = arith.constant 864 : index
      %swap3A_399 = tpu.vector_load %arg7[%swap3A_397, %swap3A_398] {strides = array<i32>} : memref<1x4096xf32, #tpu.memory_space<vmem>>, vector<16xf32>,
      tpu.vector_store %arg7[%swap3A_397, %swap3A_398], %gather3A_395 {strides = array<i32>} : memref<1x4096xf32, #tpu.memory_space<vmem>>, vector<16xf32>,
      %get3A_400 = arith.constant 880 : index
      %get3A_401 = tpu.vector_load %arg5[%get3A_400] {strides = array<i32>} : memref<4096xi32, #tpu.memory_space<vmem>>, vector<16xi32>,
      %gather3A_402 = tpu.vector_load_idx %arg6[%broadcast_in_dim3A_17, %get3A_401] : memref<1x100000xf32, #tpu.memory_space<vmem>>[vector<16xi32>, vector<16xi32>], vector<16xf32>,
      %swap3A_403 = arith.constant 0 : i32
      %swap3A_404 = arith.index_cast %swap3A_403 : i32 to index
      %swap3A_405 = arith.constant 880 : index
      %swap3A_406 = tpu.vector_load %arg7[%swap3A_404, %swap3A_405] {strides = array<i32>} : memref<1x4096xf32, #tpu.memory_space<vmem>>, vector<16xf32>,
      tpu.vector_store %arg7[%swap3A_404, %swap3A_405], %gather3A_402 {strides = array<i32>} : memref<1x4096xf32, #tpu.memory_space<vmem>>, vector<16xf32>,
      %get3A_407 = arith.constant 896 : index
      %get3A_408 = tpu.vector_load %arg5[%get3A_407] {strides = array<i32>} : memref<4096xi32, #tpu.memory_space<vmem>>, vector<16xi32>,
      %gather3A_409 = tpu.vector_load_idx %arg6[%broadcast_in_dim3A_17, %get3A_408] : memref<1x100000xf32, #tpu.memory_space<vmem>>[vector<16xi32>, vector<16xi32>], vector<16xf32>,
      %swap3A_410 = arith.constant 0 : i32
      %swap3A_411 = arith.index_cast %swap3A_410 : i32 to index
      %swap3A_412 = arith.constant 896 : index
      %swap3A_413 = tpu.vector_load %arg7[%swap3A_411, %swap3A_412] {strides = array<i32>} : memref<1x4096xf32, #tpu.memory_space<vmem>>, vector<16xf32>,
      tpu.vector_store %arg7[%swap3A_411, %swap3A_412], %gather3A_409 {strides = array<i32>} : memref<1x4096xf32, #tpu.memory_space<vmem>>, vector<16xf32>,
      %get3A_414 = arith.constant 912 : index
      %get3A_415 = tpu.vector_load %arg5[%get3A_414] {strides = array<i32>} : memref<4096xi32, #tpu.memory_space<vmem>>, vector<16xi32>,
      %gather3A_416 = tpu.vector_load_idx %arg6[%broadcast_in_dim3A_17, %get3A_415] : memref<1x100000xf32, #tpu.memory_space<vmem>>[vector<16xi32>, vector<16xi32>], vector<16xf32>,
      %swap3A_417 = arith.constant 0 : i32
      %swap3A_418 = arith.index_cast %swap3A_417 : i32 to index
      %swap3A_419 = arith.constant 912 : index
      %swap3A_420 = tpu.vector_load %arg7[%swap3A_418, %swap3A_419] {strides = array<i32>} : memref<1x4096xf32, #tpu.memory_space<vmem>>, vector<16xf32>,
      tpu.vector_store %arg7[%swap3A_418, %swap3A_419], %gather3A_416 {strides = array<i32>} : memref<1x4096xf32, #tpu.memory_space<vmem>>, vector<16xf32>,
      %get3A_421 = arith.constant 928 : index
      %get3A_422 = tpu.vector_load %arg5[%get3A_421] {strides = array<i32>} : memref<4096xi32, #tpu.memory_space<vmem>>, vector<16xi32>,
      %gather3A_423 = tpu.vector_load_idx %arg6[%broadcast_in_dim3A_17, %get3A_422] : memref<1x100000xf32, #tpu.memory_space<vmem>>[vector<16xi32>, vector<16xi32>], vector<16xf32>,
      %swap3A_424 = arith.constant 0 : i32
      %swap3A_425 = arith.index_cast %swap3A_424 : i32 to index
      %swap3A_426 = arith.constant 928 : index
      %swap3A_427 = tpu.vector_load %arg7[%swap3A_425, %swap3A_426] {strides = array<i32>} : memref<1x4096xf32, #tpu.memory_space<vmem>>, vector<16xf32>,
      tpu.vector_store %arg7[%swap3A_425, %swap3A_426], %gather3A_423 {strides = array<i32>} : memref<1x4096xf32, #tpu.memory_space<vmem>>, vector<16xf32>,
      %get3A_428 = arith.constant 944 : index
      %get3A_429 = tpu.vector_load %arg5[%get3A_428] {strides = array<i32>} : memref<4096xi32, #tpu.memory_space<vmem>>, vector<16xi32>,
      %gather3A_430 = tpu.vector_load_idx %arg6[%broadcast_in_dim3A_17, %get3A_429] : memref<1x100000xf32, #tpu.memory_space<vmem>>[vector<16xi32>, vector<16xi32>], vector<16xf32>,
      %swap3A_431 = arith.constant 0 : i32
      %swap3A_432 = arith.index_cast %swap3A_431 : i32 to index
      %swap3A_433 = arith.constant 944 : index
      %swap3A_434 = tpu.vector_load %arg7[%swap3A_432, %swap3A_433] {strides = array<i32>} : memref<1x4096xf32, #tpu.memory_space<vmem>>, vector<16xf32>,
      tpu.vector_store %arg7[%swap3A_432, %swap3A_433], %gather3A_430 {strides = array<i32>} : memref<1x4096xf32, #tpu.memory_space<vmem>>, vector<16xf32>,
      %get3A_435 = arith.constant 960 : index
      %get3A_436 = tpu.vector_load %arg5[%get3A_435] {strides = array<i32>} : memref<4096xi32, #tpu.memory_space<vmem>>, vector<16xi32>,
      %gather3A_437 = tpu.vector_load_idx %arg6[%broadcast_in_dim3A_17, %get3A_436] : memref<1x100000xf32, #tpu.memory_space<vmem>>[vector<16xi32>, vector<16xi32>], vector<16xf32>,
      %swap3A_438 = arith.constant 0 : i32
      %swap3A_439 = arith.index_cast %swap3A_438 : i32 to index
      %swap3A_440 = arith.constant 960 : index
      %swap3A_441 = tpu.vector_load %arg7[%swap3A_439, %swap3A_440] {strides = array<i32>} : memref<1x4096xf32, #tpu.memory_space<vmem>>, vector<16xf32>,
      tpu.vector_store %arg7[%swap3A_439, %swap3A_440], %gather3A_437 {strides = array<i32>} : memref<1x4096xf32, #tpu.memory_space<vmem>>, vector<16xf32>,
      %get3A_442 = arith.constant 976 : index
      %get3A_443 = tpu.vector_load %arg5[%get3A_442] {strides = array<i32>} : memref<4096xi32, #tpu.memory_space<vmem>>, vector<16xi32>,
      %gather3A_444 = tpu.vector_load_idx %arg6[%broadcast_in_dim3A_17, %get3A_443] : memref<1x100000xf32, #tpu.memory_space<vmem>>[vector<16xi32>, vector<16xi32>], vector<16xf32>,
      %swap3A_445 = arith.constant 0 : i32
      %swap3A_446 = arith.index_cast %swap3A_445 : i32 to index
      %swap3A_447 = arith.constant 976 : index
      %swap3A_448 = tpu.vector_load %arg7[%swap3A_446, %swap3A_447] {strides = array<i32>} : memref<1x4096xf32, #tpu.memory_space<vmem>>, vector<16xf32>,
      tpu.vector_store %arg7[%swap3A_446, %swap3A_447], %gather3A_444 {strides = array<i32>} : memref<1x4096xf32, #tpu.memory_space<vmem>>, vector<16xf32>,
      %get3A_449 = arith.constant 992 : index
      %get3A_450 = tpu.vector_load %arg5[%get3A_449] {strides = array<i32>} : memref<4096xi32, #tpu.memory_space<vmem>>, vector<16xi32>,
      %gather3A_451 = tpu.vector_load_idx %arg6[%broadcast_in_dim3A_17, %get3A_450] : memref<1x100000xf32, #tpu.memory_space<vmem>>[vector<16xi32>, vector<16xi32>], vector<16xf32>,
      %swap3A_452 = arith.constant 0 : i32
      %swap3A_453 = arith.index_cast %swap3A_452 : i32 to index
      %swap3A_454 = arith.constant 992 : index
      %swap3A_455 = tpu.vector_load %arg7[%swap3A_453, %swap3A_454] {strides = array<i32>} : memref<1x4096xf32, #tpu.memory_space<vmem>>, vector<16xf32>,
      tpu.vector_store %arg7[%swap3A_453, %swap3A_454], %gather3A_451 {strides = array<i32>} : memref<1x4096xf32, #tpu.memory_space<vmem>>, vector<16xf32>,
      %get3A_456 = arith.constant 1008 : index
      %get3A_457 = tpu.vector_load %arg5[%get3A_456] {strides = array<i32>} : memref<4096xi32, #tpu.memory_space<vmem>>, vector<16xi32>,
      %gather3A_458 = tpu.vector_load_idx %arg6[%broadcast_in_dim3A_17, %get3A_457] : memref<1x100000xf32, #tpu.memory_space<vmem>>[vector<16xi32>, vector<16xi32>], vector<16xf32>,
      %swap3A_459 = arith.constant 0 : i32
      %swap3A_460 = arith.index_cast %swap3A_459 : i32 to index
      %swap3A_461 = arith.constant 1008 : index
      %swap3A_462 = tpu.vector_load %arg7[%swap3A_460, %swap3A_461] {strides = array<i32>} : memref<1x4096xf32, #tpu.memory_space<vmem>>, vector<16xf32>,
      tpu.vector_store %arg7[%swap3A_460, %swap3A_461], %gather3A_458 {strides = array<i32>} : memref<1x4096xf32, #tpu.memory_space<vmem>>, vector<16xf32>,
      %get3A_463 = arith.constant 1024 : index
      %get3A_464 = tpu.vector_load %arg5[%get3A_463] {strides = array<i32>} : memref<4096xi32, #tpu.memory_space<vmem>>, vector<16xi32>,
      %gather3A_465 = tpu.vector_load_idx %arg6[%broadcast_in_dim3A_17, %get3A_464] : memref<1x100000xf32, #tpu.memory_space<vmem>>[vector<16xi32>, vector<16xi32>], vector<16xf32>,
      %swap3A_466 = arith.constant 0 : i32
      %swap3A_467 = arith.index_cast %swap3A_466 : i32 to index
      %swap3A_468 = arith.constant 1024 : index
      %swap3A_469 = tpu.vector_load %arg7[%swap3A_467, %swap3A_468] {strides = array<i32>} : memref<1x4096xf32, #tpu.memory_space<vmem>>, vector<16xf32>,
      tpu.vector_store %arg7[%swap3A_467, %swap3A_468], %gather3A_465 {strides = array<i32>} : memref<1x4096xf32, #tpu.memory_space<vmem>>, vector<16xf32>,
      %get3A_470 = arith.constant 1040 : index
      %get3A_471 = tpu.vector_load %arg5[%get3A_470] {strides = array<i32>} : memref<4096xi32, #tpu.memory_space<vmem>>, vector<16xi32>,
      %gather3A_472 = tpu.vector_load_idx %arg6[%broadcast_in_dim3A_17, %get3A_471] : memref<1x100000xf32, #tpu.memory_space<vmem>>[vector<16xi32>, vector<16xi32>], vector<16xf32>,
      %swap3A_473 = arith.constant 0 : i32
      %swap3A_474 = arith.index_cast %swap3A_473 : i32 to index
      %swap3A_475 = arith.constant 1040 : index
      %swap3A_476 = tpu.vector_load %arg7[%swap3A_474, %swap3A_475] {strides = array<i32>} : memref<1x4096xf32, #tpu.memory_space<vmem>>, vector<16xf32>,
      tpu.vector_store %arg7[%swap3A_474, %swap3A_475], %gather3A_472 {strides = array<i32>} : memref<1x4096xf32, #tpu.memory_space<vmem>>, vector<16xf32>,
      %get3A_477 = arith.constant 1056 : index
      %get3A_478 = tpu.vector_load %arg5[%get3A_477] {strides = array<i32>} : memref<4096xi32, #tpu.memory_space<vmem>>, vector<16xi32>,
      %gather3A_479 = tpu.vector_load_idx %arg6[%broadcast_in_dim3A_17, %get3A_478] : memref<1x100000xf32, #tpu.memory_space<vmem>>[vector<16xi32>, vector<16xi32>], vector<16xf32>,
      %swap3A_480 = arith.constant 0 : i32
      %swap3A_481 = arith.index_cast %swap3A_480 : i32 to index
      %swap3A_482 = arith.constant 1056 : index
      %swap3A_483 = tpu.vector_load %arg7[%swap3A_481, %swap3A_482] {strides = array<i32>} : memref<1x4096xf32, #tpu.memory_space<vmem>>, vector<16xf32>,
      tpu.vector_store %arg7[%swap3A_481, %swap3A_482], %gather3A_479 {strides = array<i32>} : memref<1x4096xf32, #tpu.memory_space<vmem>>, vector<16xf32>,
      %get3A_484 = arith.constant 1072 : index
      %get3A_485 = tpu.vector_load %arg5[%get3A_484] {strides = array<i32>} : memref<4096xi32, #tpu.memory_space<vmem>>, vector<16xi32>,
      %gather3A_486 = tpu.vector_load_idx %arg6[%broadcast_in_dim3A_17, %get3A_485] : memref<1x100000xf32, #tpu.memory_space<vmem>>[vector<16xi32>, vector<16xi32>], vector<16xf32>,
      %swap3A_487 = arith.constant 0 : i32
      %swap3A_488 = arith.index_cast %swap3A_487 : i32 to index
      %swap3A_489 = arith.constant 1072 : index
      %swap3A_490 = tpu.vector_load %arg7[%swap3A_488, %swap3A_489] {strides = array<i32>} : memref<1x4096xf32, #tpu.memory_space<vmem>>, vector<16xf32>,
      tpu.vector_store %arg7[%swap3A_488, %swap3A_489], %gather3A_486 {strides = array<i32>} : memref<1x4096xf32, #tpu.memory_space<vmem>>, vector<16xf32>,
      %get3A_491 = arith.constant 1088 : index
      %get3A_492 = tpu.vector_load %arg5[%get3A_491] {strides = array<i32>} : memref<4096xi32, #tpu.memory_space<vmem>>, vector<16xi32>,
      %gather3A_493 = tpu.vector_load_idx %arg6[%broadcast_in_dim3A_17, %get3A_492] : memref<1x100000xf32, #tpu.memory_space<vmem>>[vector<16xi32>, vector<16xi32>], vector<16xf32>,
      %swap3A_494 = arith.constant 0 : i32
      %swap3A_495 = arith.index_cast %swap3A_494 : i32 to index
      %swap3A_496 = arith.constant 1088 : index
      %swap3A_497 = tpu.vector_load %arg7[%swap3A_495, %swap3A_496] {strides = array<i32>} : memref<1x4096xf32, #tpu.memory_space<vmem>>, vector<16xf32>,
      tpu.vector_store %arg7[%swap3A_495, %swap3A_496], %gather3A_493 {strides = array<i32>} : memref<1x4096xf32, #tpu.memory_space<vmem>>, vector<16xf32>,
      %get3A_498 = arith.constant 1104 : index
      %get3A_499 = tpu.vector_load %arg5[%get3A_498] {strides = array<i32>} : memref<4096xi32, #tpu.memory_space<vmem>>, vector<16xi32>,
      %gather3A_500 = tpu.vector_load_idx %arg6[%broadcast_in_dim3A_17, %get3A_499] : memref<1x100000xf32, #tpu.memory_space<vmem>>[vector<16xi32>, vector<16xi32>], vector<16xf32>,
      %swap3A_501 = arith.constant 0 : i32
      %swap3A_502 = arith.index_cast %swap3A_501 : i32 to index
      %swap3A_503 = arith.constant 1104 : index
      %swap3A_504 = tpu.vector_load %arg7[%swap3A_502, %swap3A_503] {strides = array<i32>} : memref<1x4096xf32, #tpu.memory_space<vmem>>, vector<16xf32>,
      tpu.vector_store %arg7[%swap3A_502, %swap3A_503], %gather3A_500 {strides = array<i32>} : memref<1x4096xf32, #tpu.memory_space<vmem>>, vector<16xf32>,
      %get3A_505 = arith.constant 1120 : index
      %get3A_506 = tpu.vector_load %arg5[%get3A_505] {strides = array<i32>} : memref<4096xi32, #tpu.memory_space<vmem>>, vector<16xi32>,
      %gather3A_507 = tpu.vector_load_idx %arg6[%broadcast_in_dim3A_17, %get3A_506] : memref<1x100000xf32, #tpu.memory_space<vmem>>[vector<16xi32>, vector<16xi32>], vector<16xf32>,
      %swap3A_508 = arith.constant 0 : i32
      %swap3A_509 = arith.index_cast %swap3A_508 : i32 to index
      %swap3A_510 = arith.constant 1120 : index
      %swap3A_511 = tpu.vector_load %arg7[%swap3A_509, %swap3A_510] {strides = array<i32>} : memref<1x4096xf32, #tpu.memory_space<vmem>>, vector<16xf32>,
      tpu.vector_store %arg7[%swap3A_509, %swap3A_510], %gather3A_507 {strides = array<i32>} : memref<1x4096xf32, #tpu.memory_space<vmem>>, vector<16xf32>,
      %get3A_512 = arith.constant 1136 : index
      %get3A_513 = tpu.vector_load %arg5[%get3A_512] {strides = array<i32>} : memref<4096xi32, #tpu.memory_space<vmem>>, vector<16xi32>,
      %gather3A_514 = tpu.vector_load_idx %arg6[%broadcast_in_dim3A_17, %get3A_513] : memref<1x100000xf32, #tpu.memory_space<vmem>>[vector<16xi32>, vector<16xi32>], vector<16xf32>,
      %swap3A_515 = arith.constant 0 : i32
      %swap3A_516 = arith.index_cast %swap3A_515 : i32 to index
      %swap3A_517 = arith.constant 1136 : index
      %swap3A_518 = tpu.vector_load %arg7[%swap3A_516, %swap3A_517] {strides = array<i32>} : memref<1x4096xf32, #tpu.memory_space<vmem>>, vector<16xf32>,
      tpu.vector_store %arg7[%swap3A_516, %swap3A_517], %gather3A_514 {strides = array<i32>} : memref<1x4096xf32, #tpu.memory_space<vmem>>, vector<16xf32>,
      %get3A_519 = arith.constant 1152 : index
      %get3A_520 = tpu.vector_load %arg5[%get3A_519] {strides = array<i32>} : memref<4096xi32, #tpu.memory_space<vmem>>, vector<16xi32>,
      %gather3A_521 = tpu.vector_load_idx %arg6[%broadcast_in_dim3A_17, %get3A_520] : memref<1x100000xf32, #tpu.memory_space<vmem>>[vector<16xi32>, vector<16xi32>], vector<16xf32>,
      %swap3A_522 = arith.constant 0 : i32
      %swap3A_523 = arith.index_cast %swap3A_522 : i32 to index
      %swap3A_524 = arith.constant 1152 : index
      %swap3A_525 = tpu.vector_load %arg7[%swap3A_523, %swap3A_524] {strides = array<i32>} : memref<1x4096xf32, #tpu.memory_space<vmem>>, vector<16xf32>,
      tpu.vector_store %arg7[%swap3A_523, %swap3A_524], %gather3A_521 {strides = array<i32>} : memref<1x4096xf32, #tpu.memory_space<vmem>>, vector<16xf32>,
      %get3A_526 = arith.constant 1168 : index
      %get3A_527 = tpu.vector_load %arg5[%get3A_526] {strides = array<i32>} : memref<4096xi32, #tpu.memory_space<vmem>>, vector<16xi32>,
      %gather3A_528 = tpu.vector_load_idx %arg6[%broadcast_in_dim3A_17, %get3A_527] : memref<1x100000xf32, #tpu.memory_space<vmem>>[vector<16xi32>, vector<16xi32>], vector<16xf32>,
      %swap3A_529 = arith.constant 0 : i32
      %swap3A_530 = arith.index_cast %swap3A_529 : i32 to index
      %swap3A_531 = arith.constant 1168 : index
      %swap3A_532 = tpu.vector_load %arg7[%swap3A_530, %swap3A_531] {strides = array<i32>} : memref<1x4096xf32, #tpu.memory_space<vmem>>, vector<16xf32>,
      tpu.vector_store %arg7[%swap3A_530, %swap3A_531], %gather3A_528 {strides = array<i32>} : memref<1x4096xf32, #tpu.memory_space<vmem>>, vector<16xf32>,
      %get3A_533 = arith.constant 1184 : index
      %get3A_534 = tpu.vector_load %arg5[%get3A_533] {strides = array<i32>} : memref<4096xi32, #tpu.memory_space<vmem>>, vector<16xi32>,
      %gather3A_535 = tpu.vector_load_idx %arg6[%broadcast_in_dim3A_17, %get3A_534] : memref<1x100000xf32, #tpu.memory_space<vmem>>[vector<16xi32>, vector<16xi32>], vector<16xf32>,
      %swap3A_536 = arith.constant 0 : i32
      %swap3A_537 = arith.index_cast %swap3A_536 : i32 to index
      %swap3A_538 = arith.constant 1184 : index
      %swap3A_539 = tpu.vector_load %arg7[%swap3A_537, %swap3A_538] {strides = array<i32>} : memref<1x4096xf32, #tpu.memory_space<vmem>>, vector<16xf32>,
      tpu.vector_store %arg7[%swap3A_537, %swap3A_538], %gather3A_535 {strides = array<i32>} : memref<1x4096xf32, #tpu.memory_space<vmem>>, vector<16xf32>,
      %get3A_540 = arith.constant 1200 : index
      %get3A_541 = tpu.vector_load %arg5[%get3A_540] {strides = array<i32>} : memref<4096xi32, #tpu.memory_space<vmem>>, vector<16xi32>,
      %gather3A_542 = tpu.vector_load_idx %arg6[%broadcast_in_dim3A_17, %get3A_541] : memref<1x100000xf32, #tpu.memory_space<vmem>>[vector<16xi32>, vector<16xi32>], vector<16xf32>,
      %swap3A_543 = arith.constant 0 : i32
      %swap3A_544 = arith.index_cast %swap3A_543 : i32 to index
      %swap3A_545 = arith.constant 1200 : index
      %swap3A_546 = tpu.vector_load %arg7[%swap3A_544, %swap3A_545] {strides = array<i32>} : memref<1x4096xf32, #tpu.memory_space<vmem>>, vector<16xf32>,
      tpu.vector_store %arg7[%swap3A_544, %swap3A_545], %gather3A_542 {strides = array<i32>} : memref<1x4096xf32, #tpu.memory_space<vmem>>, vector<16xf32>,
      %get3A_547 = arith.constant 1216 : index
      %get3A_548 = tpu.vector_load %arg5[%get3A_547] {strides = array<i32>} : memref<4096xi32, #tpu.memory_space<vmem>>, vector<16xi32>,
      %gather3A_549 = tpu.vector_load_idx %arg6[%broadcast_in_dim3A_17, %get3A_548] : memref<1x100000xf32, #tpu.memory_space<vmem>>[vector<16xi32>, vector<16xi32>], vector<16xf32>,
      %swap3A_550 = arith.constant 0 : i32
      %swap3A_551 = arith.index_cast %swap3A_550 : i32 to index
      %swap3A_552 = arith.constant 1216 : index
      %swap3A_553 = tpu.vector_load %arg7[%swap3A_551, %swap3A_552] {strides = array<i32>} : memref<1x4096xf32, #tpu.memory_space<vmem>>, vector<16xf32>,
      tpu.vector_store %arg7[%swap3A_551, %swap3A_552], %gather3A_549 {strides = array<i32>} : memref<1x4096xf32, #tpu.memory_space<vmem>>, vector<16xf32>,
      %get3A_554 = arith.constant 1232 : index
      %get3A_555 = tpu.vector_load %arg5[%get3A_554] {strides = array<i32>} : memref<4096xi32, #tpu.memory_space<vmem>>, vector<16xi32>,
      %gather3A_556 = tpu.vector_load_idx %arg6[%broadcast_in_dim3A_17, %get3A_555] : memref<1x100000xf32, #tpu.memory_space<vmem>>[vector<16xi32>, vector<16xi32>], vector<16xf32>,
      %swap3A_557 = arith.constant 0 : i32
      %swap3A_558 = arith.index_cast %swap3A_557 : i32 to index
      %swap3A_559 = arith.constant 1232 : index
      %swap3A_560 = tpu.vector_load %arg7[%swap3A_558, %swap3A_559] {strides = array<i32>} : memref<1x4096xf32, #tpu.memory_space<vmem>>, vector<16xf32>,
      tpu.vector_store %arg7[%swap3A_558, %swap3A_559], %gather3A_556 {strides = array<i32>} : memref<1x4096xf32, #tpu.memory_space<vmem>>, vector<16xf32>,
      %get3A_561 = arith.constant 1248 : index
      %get3A_562 = tpu.vector_load %arg5[%get3A_561] {strides = array<i32>} : memref<4096xi32, #tpu.memory_space<vmem>>, vector<16xi32>,
      %gather3A_563 = tpu.vector_load_idx %arg6[%broadcast_in_dim3A_17, %get3A_562] : memref<1x100000xf32, #tpu.memory_space<vmem>>[vector<16xi32>, vector<16xi32>], vector<16xf32>,
      %swap3A_564 = arith.constant 0 : i32
      %swap3A_565 = arith.index_cast %swap3A_564 : i32 to index
      %swap3A_566 = arith.constant 1248 : index
      %swap3A_567 = tpu.vector_load %arg7[%swap3A_565, %swap3A_566] {strides = array<i32>} : memref<1x4096xf32, #tpu.memory_space<vmem>>, vector<16xf32>,
      tpu.vector_store %arg7[%swap3A_565, %swap3A_566], %gather3A_563 {strides = array<i32>} : memref<1x4096xf32, #tpu.memory_space<vmem>>, vector<16xf32>,
      %get3A_568 = arith.constant 1264 : index
      %get3A_569 = tpu.vector_load %arg5[%get3A_568] {strides = array<i32>} : memref<4096xi32, #tpu.memory_space<vmem>>, vector<16xi32>,
      %gather3A_570 = tpu.vector_load_idx %arg6[%broadcast_in_dim3A_17, %get3A_569] : memref<1x100000xf32, #tpu.memory_space<vmem>>[vector<16xi32>, vector<16xi32>], vector<16xf32>,
      %swap3A_571 = arith.constant 0 : i32
      %swap3A_572 = arith.index_cast %swap3A_571 : i32 to index
      %swap3A_573 = arith.constant 1264 : index
      %swap3A_574 = tpu.vector_load %arg7[%swap3A_572, %swap3A_573] {strides = array<i32>} : memref<1x4096xf32, #tpu.memory_space<vmem>>, vector<16xf32>,
      tpu.vector_store %arg7[%swap3A_572, %swap3A_573], %gather3A_570 {strides = array<i32>} : memref<1x4096xf32, #tpu.memory_space<vmem>>, vector<16xf32>,
      %get3A_575 = arith.constant 1280 : index
      %get3A_576 = tpu.vector_load %arg5[%get3A_575] {strides = array<i32>} : memref<4096xi32, #tpu.memory_space<vmem>>, vector<16xi32>,
      %gather3A_577 = tpu.vector_load_idx %arg6[%broadcast_in_dim3A_17, %get3A_576] : memref<1x100000xf32, #tpu.memory_space<vmem>>[vector<16xi32>, vector<16xi32>], vector<16xf32>,
      %swap3A_578 = arith.constant 0 : i32
      %swap3A_579 = arith.index_cast %swap3A_578 : i32 to index
      %swap3A_580 = arith.constant 1280 : index
      %swap3A_581 = tpu.vector_load %arg7[%swap3A_579, %swap3A_580] {strides = array<i32>} : memref<1x4096xf32, #tpu.memory_space<vmem>>, vector<16xf32>,
      tpu.vector_store %arg7[%swap3A_579, %swap3A_580], %gather3A_577 {strides = array<i32>} : memref<1x4096xf32, #tpu.memory_space<vmem>>, vector<16xf32>,
      %get3A_582 = arith.constant 1296 : index
      %get3A_583 = tpu.vector_load %arg5[%get3A_582] {strides = array<i32>} : memref<4096xi32, #tpu.memory_space<vmem>>, vector<16xi32>,
      %gather3A_584 = tpu.vector_load_idx %arg6[%broadcast_in_dim3A_17, %get3A_583] : memref<1x100000xf32, #tpu.memory_space<vmem>>[vector<16xi32>, vector<16xi32>], vector<16xf32>,
      %swap3A_585 = arith.constant 0 : i32
      %swap3A_586 = arith.index_cast %swap3A_585 : i32 to index
      %swap3A_587 = arith.constant 1296 : index
      %swap3A_588 = tpu.vector_load %arg7[%swap3A_586, %swap3A_587] {strides = array<i32>} : memref<1x4096xf32, #tpu.memory_space<vmem>>, vector<16xf32>,
      tpu.vector_store %arg7[%swap3A_586, %swap3A_587], %gather3A_584 {strides = array<i32>} : memref<1x4096xf32, #tpu.memory_space<vmem>>, vector<16xf32>,
      %get3A_589 = arith.constant 1312 : index
      %get3A_590 = tpu.vector_load %arg5[%get3A_589] {strides = array<i32>} : memref<4096xi32, #tpu.memory_space<vmem>>, vector<16xi32>,
      %gather3A_591 = tpu.vector_load_idx %arg6[%broadcast_in_dim3A_17, %get3A_590] : memref<1x100000xf32, #tpu.memory_space<vmem>>[vector<16xi32>, vector<16xi32>], vector<16xf32>,
      %swap3A_592 = arith.constant 0 : i32
      %swap3A_593 = arith.index_cast %swap3A_592 : i32 to index
      %swap3A_594 = arith.constant 1312 : index
      %swap3A_595 = tpu.vector_load %arg7[%swap3A_593, %swap3A_594] {strides = array<i32>} : memref<1x4096xf32, #tpu.memory_space<vmem>>, vector<16xf32>,
      tpu.vector_store %arg7[%swap3A_593, %swap3A_594], %gather3A_591 {strides = array<i32>} : memref<1x4096xf32, #tpu.memory_space<vmem>>, vector<16xf32>,
      %get3A_596 = arith.constant 1328 : index
      %get3A_597 = tpu.vector_load %arg5[%get3A_596] {strides = array<i32>} : memref<4096xi32, #tpu.memory_space<vmem>>, vector<16xi32>,
      %gather3A_598 = tpu.vector_load_idx %arg6[%broadcast_in_dim3A_17, %get3A_597] : memref<1x100000xf32, #tpu.memory_space<vmem>>[vector<16xi32>, vector<16xi32>], vector<16xf32>,
      %swap3A_599 = arith.constant 0 : i32
      %swap3A_600 = arith.index_cast %swap3A_599 : i32 to index
      %swap3A_601 = arith.constant 1328 : index
      %swap3A_602 = tpu.vector_load %arg7[%swap3A_600, %swap3A_601] {strides = array<i32>} : memref<1x4096xf32, #tpu.memory_space<vmem>>, vector<16xf32>,
      tpu.vector_store %arg7[%swap3A_600, %swap3A_601], %gather3A_598 {strides = array<i32>} : memref<1x4096xf32, #tpu.memory_space<vmem>>, vector<16xf32>,
      %get3A_603 = arith.constant 1344 : index
      %get3A_604 = tpu.vector_load %arg5[%get3A_603] {strides = array<i32>} : memref<4096xi32, #tpu.memory_space<vmem>>, vector<16xi32>,
      %gather3A_605 = tpu.vector_load_idx %arg6[%broadcast_in_dim3A_17, %get3A_604] : memref<1x100000xf32, #tpu.memory_space<vmem>>[vector<16xi32>, vector<16xi32>], vector<16xf32>,
      %swap3A_606 = arith.constant 0 : i32
      %swap3A_607 = arith.index_cast %swap3A_606 : i32 to index
      %swap3A_608 = arith.constant 1344 : index
      %swap3A_609 = tpu.vector_load %arg7[%swap3A_607, %swap3A_608] {strides = array<i32>} : memref<1x4096xf32, #tpu.memory_space<vmem>>, vector<16xf32>,
      tpu.vector_store %arg7[%swap3A_607, %swap3A_608], %gather3A_605 {strides = array<i32>} : memref<1x4096xf32, #tpu.memory_space<vmem>>, vector<16xf32>,
      %get3A_610 = arith.constant 1360 : index
      %get3A_611 = tpu.vector_load %arg5[%get3A_610] {strides = array<i32>} : memref<4096xi32, #tpu.memory_space<vmem>>, vector<16xi32>,
      %gather3A_612 = tpu.vector_load_idx %arg6[%broadcast_in_dim3A_17, %get3A_611] : memref<1x100000xf32, #tpu.memory_space<vmem>>[vector<16xi32>, vector<16xi32>], vector<16xf32>,
      %swap3A_613 = arith.constant 0 : i32
      %swap3A_614 = arith.index_cast %swap3A_613 : i32 to index
      %swap3A_615 = arith.constant 1360 : index
      %swap3A_616 = tpu.vector_load %arg7[%swap3A_614, %swap3A_615] {strides = array<i32>} : memref<1x4096xf32, #tpu.memory_space<vmem>>, vector<16xf32>,
      tpu.vector_store %arg7[%swap3A_614, %swap3A_615], %gather3A_612 {strides = array<i32>} : memref<1x4096xf32, #tpu.memory_space<vmem>>, vector<16xf32>,
      %get3A_617 = arith.constant 1376 : index
      %get3A_618 = tpu.vector_load %arg5[%get3A_617] {strides = array<i32>} : memref<4096xi32, #tpu.memory_space<vmem>>, vector<16xi32>,
      %gather3A_619 = tpu.vector_load_idx %arg6[%broadcast_in_dim3A_17, %get3A_618] : memref<1x100000xf32, #tpu.memory_space<vmem>>[vector<16xi32>, vector<16xi32>], vector<16xf32>,
      %swap3A_620 = arith.constant 0 : i32
      %swap3A_621 = arith.index_cast %swap3A_620 : i32 to index
      %swap3A_622 = arith.constant 1376 : index
      %swap3A_623 = tpu.vector_load %arg7[%swap3A_621, %swap3A_622] {strides = array<i32>} : memref<1x4096xf32, #tpu.memory_space<vmem>>, vector<16xf32>,
      tpu.vector_store %arg7[%swap3A_621, %swap3A_622], %gather3A_619 {strides = array<i32>} : memref<1x4096xf32, #tpu.memory_space<vmem>>, vector<16xf32>,
      %get3A_624 = arith.constant 1392 : index
      %get3A_625 = tpu.vector_load %arg5[%get3A_624] {strides = array<i32>} : memref<4096xi32, #tpu.memory_space<vmem>>, vector<16xi32>,
      %gather3A_626 = tpu.vector_load_idx %arg6[%broadcast_in_dim3A_17, %get3A_625] : memref<1x100000xf32, #tpu.memory_space<vmem>>[vector<16xi32>, vector<16xi32>], vector<16xf32>,
      %swap3A_627 = arith.constant 0 : i32
      %swap3A_628 = arith.index_cast %swap3A_627 : i32 to index
      %swap3A_629 = arith.constant 1392 : index
      %swap3A_630 = tpu.vector_load %arg7[%swap3A_628, %swap3A_629] {strides = array<i32>} : memref<1x4096xf32, #tpu.memory_space<vmem>>, vector<16xf32>,
      tpu.vector_store %arg7[%swap3A_628, %swap3A_629], %gather3A_626 {strides = array<i32>} : memref<1x4096xf32, #tpu.memory_space<vmem>>, vector<16xf32>,
      %get3A_631 = arith.constant 1408 : index
      %get3A_632 = tpu.vector_load %arg5[%get3A_631] {strides = array<i32>} : memref<4096xi32, #tpu.memory_space<vmem>>, vector<16xi32>,
      %gather3A_633 = tpu.vector_load_idx %arg6[%broadcast_in_dim3A_17, %get3A_632] : memref<1x100000xf32, #tpu.memory_space<vmem>>[vector<16xi32>, vector<16xi32>], vector<16xf32>,
      %swap3A_634 = arith.constant 0 : i32
      %swap3A_635 = arith.index_cast %swap3A_634 : i32 to index
      %swap3A_636 = arith.constant 1408 : index
      %swap3A_637 = tpu.vector_load %arg7[%swap3A_635, %swap3A_636] {strides = array<i32>} : memref<1x4096xf32, #tpu.memory_space<vmem>>, vector<16xf32>,
      tpu.vector_store %arg7[%swap3A_635, %swap3A_636], %gather3A_633 {strides = array<i32>} : memref<1x4096xf32, #tpu.memory_space<vmem>>, vector<16xf32>,
      %get3A_638 = arith.constant 1424 : index
      %get3A_639 = tpu.vector_load %arg5[%get3A_638] {strides = array<i32>} : memref<4096xi32, #tpu.memory_space<vmem>>, vector<16xi32>,
      %gather3A_640 = tpu.vector_load_idx %arg6[%broadcast_in_dim3A_17, %get3A_639] : memref<1x100000xf32, #tpu.memory_space<vmem>>[vector<16xi32>, vector<16xi32>], vector<16xf32>,
      %swap3A_641 = arith.constant 0 : i32
      %swap3A_642 = arith.index_cast %swap3A_641 : i32 to index
      %swap3A_643 = arith.constant 1424 : index
      %swap3A_644 = tpu.vector_load %arg7[%swap3A_642, %swap3A_643] {strides = array<i32>} : memref<1x4096xf32, #tpu.memory_space<vmem>>, vector<16xf32>,
      tpu.vector_store %arg7[%swap3A_642, %swap3A_643], %gather3A_640 {strides = array<i32>} : memref<1x4096xf32, #tpu.memory_space<vmem>>, vector<16xf32>,
      %get3A_645 = arith.constant 1440 : index
      %get3A_646 = tpu.vector_load %arg5[%get3A_645] {strides = array<i32>} : memref<4096xi32, #tpu.memory_space<vmem>>, vector<16xi32>,
      %gather3A_647 = tpu.vector_load_idx %arg6[%broadcast_in_dim3A_17, %get3A_646] : memref<1x100000xf32, #tpu.memory_space<vmem>>[vector<16xi32>, vector<16xi32>], vector<16xf32>,
      %swap3A_648 = arith.constant 0 : i32
      %swap3A_649 = arith.index_cast %swap3A_648 : i32 to index
      %swap3A_650 = arith.constant 1440 : index
      %swap3A_651 = tpu.vector_load %arg7[%swap3A_649, %swap3A_650] {strides = array<i32>} : memref<1x4096xf32, #tpu.memory_space<vmem>>, vector<16xf32>,
      tpu.vector_store %arg7[%swap3A_649, %swap3A_650], %gather3A_647 {strides = array<i32>} : memref<1x4096xf32, #tpu.memory_space<vmem>>, vector<16xf32>,
      %get3A_652 = arith.constant 1456 : index
      %get3A_653 = tpu.vector_load %arg5[%get3A_652] {strides = array<i32>} : memref<4096xi32, #tpu.memory_space<vmem>>, vector<16xi32>,
      %gather3A_654 = tpu.vector_load_idx %arg6[%broadcast_in_dim3A_17, %get3A_653] : memref<1x100000xf32, #tpu.memory_space<vmem>>[vector<16xi32>, vector<16xi32>], vector<16xf32>,
      %swap3A_655 = arith.constant 0 : i32
      %swap3A_656 = arith.index_cast %swap3A_655 : i32 to index
      %swap3A_657 = arith.constant 1456 : index
      %swap3A_658 = tpu.vector_load %arg7[%swap3A_656, %swap3A_657] {strides = array<i32>} : memref<1x4096xf32, #tpu.memory_space<vmem>>, vector<16xf32>,
      tpu.vector_store %arg7[%swap3A_656, %swap3A_657], %gather3A_654 {strides = array<i32>} : memref<1x4096xf32, #tpu.memory_space<vmem>>, vector<16xf32>,
      %get3A_659 = arith.constant 1472 : index
      %get3A_660 = tpu.vector_load %arg5[%get3A_659] {strides = array<i32>} : memref<4096xi32, #tpu.memory_space<vmem>>, vector<16xi32>,
      %gather3A_661 = tpu.vector_load_idx %arg6[%broadcast_in_dim3A_17, %get3A_660] : memref<1x100000xf32, #tpu.memory_space<vmem>>[vector<16xi32>, vector<16xi32>], vector<16xf32>,
      %swap3A_662 = arith.constant 0 : i32
      %swap3A_663 = arith.index_cast %swap3A_662 : i32 to index
      %swap3A_664 = arith.constant 1472 : index
      %swap3A_665 = tpu.vector_load %arg7[%swap3A_663, %swap3A_664] {strides = array<i32>} : memref<1x4096xf32, #tpu.memory_space<vmem>>, vector<16xf32>,
      tpu.vector_store %arg7[%swap3A_663, %swap3A_664], %gather3A_661 {strides = array<i32>} : memref<1x4096xf32, #tpu.memory_space<vmem>>, vector<16xf32>,
      %get3A_666 = arith.constant 1488 : index
      %get3A_667 = tpu.vector_load %arg5[%get3A_666] {strides = array<i32>} : memref<4096xi32, #tpu.memory_space<vmem>>, vector<16xi32>,
      %gather3A_668 = tpu.vector_load_idx %arg6[%broadcast_in_dim3A_17, %get3A_667] : memref<1x100000xf32, #tpu.memory_space<vmem>>[vector<16xi32>, vector<16xi32>], vector<16xf32>,
      %swap3A_669 = arith.constant 0 : i32
      %swap3A_670 = arith.index_cast %swap3A_669 : i32 to index
      %swap3A_671 = arith.constant 1488 : index
      %swap3A_672 = tpu.vector_load %arg7[%swap3A_670, %swap3A_671] {strides = array<i32>} : memref<1x4096xf32, #tpu.memory_space<vmem>>, vector<16xf32>,
      tpu.vector_store %arg7[%swap3A_670, %swap3A_671], %gather3A_668 {strides = array<i32>} : memref<1x4096xf32, #tpu.memory_space<vmem>>, vector<16xf32>,
      %get3A_673 = arith.constant 1504 : index
      %get3A_674 = tpu.vector_load %arg5[%get3A_673] {strides = array<i32>} : memref<4096xi32, #tpu.memory_space<vmem>>, vector<16xi32>,
      %gather3A_675 = tpu.vector_load_idx %arg6[%broadcast_in_dim3A_17, %get3A_674] : memref<1x100000xf32, #tpu.memory_space<vmem>>[vector<16xi32>, vector<16xi32>], vector<16xf32>,
      %swap3A_676 = arith.constant 0 : i32
      %swap3A_677 = arith.index_cast %swap3A_676 : i32 to index
      %swap3A_678 = arith.constant 1504 : index
      %swap3A_679 = tpu.vector_load %arg7[%swap3A_677, %swap3A_678] {strides = array<i32>} : memref<1x4096xf32, #tpu.memory_space<vmem>>, vector<16xf32>,
      tpu.vector_store %arg7[%swap3A_677, %swap3A_678], %gather3A_675 {strides = array<i32>} : memref<1x4096xf32, #tpu.memory_space<vmem>>, vector<16xf32>,
      %get3A_680 = arith.constant 1520 : index
      %get3A_681 = tpu.vector_load %arg5[%get3A_680] {strides = array<i32>} : memref<4096xi32, #tpu.memory_space<vmem>>, vector<16xi32>,
      %gather3A_682 = tpu.vector_load_idx %arg6[%broadcast_in_dim3A_17, %get3A_681] : memref<1x100000xf32, #tpu.memory_space<vmem>>[vector<16xi32>, vector<16xi32>], vector<16xf32>,
      %swap3A_683 = arith.constant 0 : i32
      %swap3A_684 = arith.index_cast %swap3A_683 : i32 to index
      %swap3A_685 = arith.constant 1520 : index
      %swap3A_686 = tpu.vector_load %arg7[%swap3A_684, %swap3A_685] {strides = array<i32>} : memref<1x4096xf32, #tpu.memory_space<vmem>>, vector<16xf32>,
      tpu.vector_store %arg7[%swap3A_684, %swap3A_685], %gather3A_682 {strides = array<i32>} : memref<1x4096xf32, #tpu.memory_space<vmem>>, vector<16xf32>,
      %get3A_687 = arith.constant 1536 : index
      %get3A_688 = tpu.vector_load %arg5[%get3A_687] {strides = array<i32>} : memref<4096xi32, #tpu.memory_space<vmem>>, vector<16xi32>,
      %gather3A_689 = tpu.vector_load_idx %arg6[%broadcast_in_dim3A_17, %get3A_688] : memref<1x100000xf32, #tpu.memory_space<vmem>>[vector<16xi32>, vector<16xi32>], vector<16xf32>,
      %swap3A_690 = arith.constant 0 : i32
      %swap3A_691 = arith.index_cast %swap3A_690 : i32 to index
      %swap3A_692 = arith.constant 1536 : index
      %swap3A_693 = tpu.vector_load %arg7[%swap3A_691, %swap3A_692] {strides = array<i32>} : memref<1x4096xf32, #tpu.memory_space<vmem>>, vector<16xf32>,
      tpu.vector_store %arg7[%swap3A_691, %swap3A_692], %gather3A_689 {strides = array<i32>} : memref<1x4096xf32, #tpu.memory_space<vmem>>, vector<16xf32>,
      %get3A_694 = arith.constant 1552 : index
      %get3A_695 = tpu.vector_load %arg5[%get3A_694] {strides = array<i32>} : memref<4096xi32, #tpu.memory_space<vmem>>, vector<16xi32>,
      %gather3A_696 = tpu.vector_load_idx %arg6[%broadcast_in_dim3A_17, %get3A_695] : memref<1x100000xf32, #tpu.memory_space<vmem>>[vector<16xi32>, vector<16xi32>], vector<16xf32>,
      %swap3A_697 = arith.constant 0 : i32
      %swap3A_698 = arith.index_cast %swap3A_697 : i32 to index
      %swap3A_699 = arith.constant 1552 : index
      %swap3A_700 = tpu.vector_load %arg7[%swap3A_698, %swap3A_699] {strides = array<i32>} : memref<1x4096xf32, #tpu.memory_space<vmem>>, vector<16xf32>,
      tpu.vector_store %arg7[%swap3A_698, %swap3A_699], %gather3A_696 {strides = array<i32>} : memref<1x4096xf32, #tpu.memory_space<vmem>>, vector<16xf32>,
      %get3A_701 = arith.constant 1568 : index
      %get3A_702 = tpu.vector_load %arg5[%get3A_701] {strides = array<i32>} : memref<4096xi32, #tpu.memory_space<vmem>>, vector<16xi32>,
      %gather3A_703 = tpu.vector_load_idx %arg6[%broadcast_in_dim3A_17, %get3A_702] : memref<1x100000xf32, #tpu.memory_space<vmem>>[vector<16xi32>, vector<16xi32>], vector<16xf32>,
      %swap3A_704 = arith.constant 0 : i32
      %swap3A_705 = arith.index_cast %swap3A_704 : i32 to index
      %swap3A_706 = arith.constant 1568 : index
      %swap3A_707 = tpu.vector_load %arg7[%swap3A_705, %swap3A_706] {strides = array<i32>} : memref<1x4096xf32, #tpu.memory_space<vmem>>, vector<16xf32>,
      tpu.vector_store %arg7[%swap3A_705, %swap3A_706], %gather3A_703 {strides = array<i32>} : memref<1x4096xf32, #tpu.memory_space<vmem>>, vector<16xf32>,
      %get3A_708 = arith.constant 1584 : index
      %get3A_709 = tpu.vector_load %arg5[%get3A_708] {strides = array<i32>} : memref<4096xi32, #tpu.memory_space<vmem>>, vector<16xi32>,
      %gather3A_710 = tpu.vector_load_idx %arg6[%broadcast_in_dim3A_17, %get3A_709] : memref<1x100000xf32, #tpu.memory_space<vmem>>[vector<16xi32>, vector<16xi32>], vector<16xf32>,
      %swap3A_711 = arith.constant 0 : i32
      %swap3A_712 = arith.index_cast %swap3A_711 : i32 to index
      %swap3A_713 = arith.constant 1584 : index
      %swap3A_714 = tpu.vector_load %arg7[%swap3A_712, %swap3A_713] {strides = array<i32>} : memref<1x4096xf32, #tpu.memory_space<vmem>>, vector<16xf32>,
      tpu.vector_store %arg7[%swap3A_712, %swap3A_713], %gather3A_710 {strides = array<i32>} : memref<1x4096xf32, #tpu.memory_space<vmem>>, vector<16xf32>,
      %get3A_715 = arith.constant 1600 : index
      %get3A_716 = tpu.vector_load %arg5[%get3A_715] {strides = array<i32>} : memref<4096xi32, #tpu.memory_space<vmem>>, vector<16xi32>,
      %gather3A_717 = tpu.vector_load_idx %arg6[%broadcast_in_dim3A_17, %get3A_716] : memref<1x100000xf32, #tpu.memory_space<vmem>>[vector<16xi32>, vector<16xi32>], vector<16xf32>,
      %swap3A_718 = arith.constant 0 : i32
      %swap3A_719 = arith.index_cast %swap3A_718 : i32 to index
      %swap3A_720 = arith.constant 1600 : index
      %swap3A_721 = tpu.vector_load %arg7[%swap3A_719, %swap3A_720] {strides = array<i32>} : memref<1x4096xf32, #tpu.memory_space<vmem>>, vector<16xf32>,
      tpu.vector_store %arg7[%swap3A_719, %swap3A_720], %gather3A_717 {strides = array<i32>} : memref<1x4096xf32, #tpu.memory_space<vmem>>, vector<16xf32>,
      %get3A_722 = arith.constant 1616 : index
      %get3A_723 = tpu.vector_load %arg5[%get3A_722] {strides = array<i32>} : memref<4096xi32, #tpu.memory_space<vmem>>, vector<16xi32>,
      %gather3A_724 = tpu.vector_load_idx %arg6[%broadcast_in_dim3A_17, %get3A_723] : memref<1x100000xf32, #tpu.memory_space<vmem>>[vector<16xi32>, vector<16xi32>], vector<16xf32>,
      %swap3A_725 = arith.constant 0 : i32
      %swap3A_726 = arith.index_cast %swap3A_725 : i32 to index
      %swap3A_727 = arith.constant 1616 : index
      %swap3A_728 = tpu.vector_load %arg7[%swap3A_726, %swap3A_727] {strides = array<i32>} : memref<1x4096xf32, #tpu.memory_space<vmem>>, vector<16xf32>,
      tpu.vector_store %arg7[%swap3A_726, %swap3A_727], %gather3A_724 {strides = array<i32>} : memref<1x4096xf32, #tpu.memory_space<vmem>>, vector<16xf32>,
      %get3A_729 = arith.constant 1632 : index
      %get3A_730 = tpu.vector_load %arg5[%get3A_729] {strides = array<i32>} : memref<4096xi32, #tpu.memory_space<vmem>>, vector<16xi32>,
      %gather3A_731 = tpu.vector_load_idx %arg6[%broadcast_in_dim3A_17, %get3A_730] : memref<1x100000xf32, #tpu.memory_space<vmem>>[vector<16xi32>, vector<16xi32>], vector<16xf32>,
      %swap3A_732 = arith.constant 0 : i32
      %swap3A_733 = arith.index_cast %swap3A_732 : i32 to index
      %swap3A_734 = arith.constant 1632 : index
      %swap3A_735 = tpu.vector_load %arg7[%swap3A_733, %swap3A_734] {strides = array<i32>} : memref<1x4096xf32, #tpu.memory_space<vmem>>, vector<16xf32>,
      tpu.vector_store %arg7[%swap3A_733, %swap3A_734], %gather3A_731 {strides = array<i32>} : memref<1x4096xf32, #tpu.memory_space<vmem>>, vector<16xf32>,
      %get3A_736 = arith.constant 1648 : index
      %get3A_737 = tpu.vector_load %arg5[%get3A_736] {strides = array<i32>} : memref<4096xi32, #tpu.memory_space<vmem>>, vector<16xi32>,
      %gather3A_738 = tpu.vector_load_idx %arg6[%broadcast_in_dim3A_17, %get3A_737] : memref<1x100000xf32, #tpu.memory_space<vmem>>[vector<16xi32>, vector<16xi32>], vector<16xf32>,
      %swap3A_739 = arith.constant 0 : i32
      %swap3A_740 = arith.index_cast %swap3A_739 : i32 to index
      %swap3A_741 = arith.constant 1648 : index
      %swap3A_742 = tpu.vector_load %arg7[%swap3A_740, %swap3A_741] {strides = array<i32>} : memref<1x4096xf32, #tpu.memory_space<vmem>>, vector<16xf32>,
      tpu.vector_store %arg7[%swap3A_740, %swap3A_741], %gather3A_738 {strides = array<i32>} : memref<1x4096xf32, #tpu.memory_space<vmem>>, vector<16xf32>,
      %get3A_743 = arith.constant 1664 : index
      %get3A_744 = tpu.vector_load %arg5[%get3A_743] {strides = array<i32>} : memref<4096xi32, #tpu.memory_space<vmem>>, vector<16xi32>,
      %gather3A_745 = tpu.vector_load_idx %arg6[%broadcast_in_dim3A_17, %get3A_744] : memref<1x100000xf32, #tpu.memory_space<vmem>>[vector<16xi32>, vector<16xi32>], vector<16xf32>,
      %swap3A_746 = arith.constant 0 : i32
      %swap3A_747 = arith.index_cast %swap3A_746 : i32 to index
      %swap3A_748 = arith.constant 1664 : index
      %swap3A_749 = tpu.vector_load %arg7[%swap3A_747, %swap3A_748] {strides = array<i32>} : memref<1x4096xf32, #tpu.memory_space<vmem>>, vector<16xf32>,
      tpu.vector_store %arg7[%swap3A_747, %swap3A_748], %gather3A_745 {strides = array<i32>} : memref<1x4096xf32, #tpu.memory_space<vmem>>, vector<16xf32>,
      %get3A_750 = arith.constant 1680 : index
      %get3A_751 = tpu.vector_load %arg5[%get3A_750] {strides = array<i32>} : memref<4096xi32, #tpu.memory_space<vmem>>, vector<16xi32>,
      %gather3A_752 = tpu.vector_load_idx %arg6[%broadcast_in_dim3A_17, %get3A_751] : memref<1x100000xf32, #tpu.memory_space<vmem>>[vector<16xi32>, vector<16xi32>], vector<16xf32>,
      %swap3A_753 = arith.constant 0 : i32
      %swap3A_754 = arith.index_cast %swap3A_753 : i32 to index
      %swap3A_755 = arith.constant 1680 : index
      %swap3A_756 = tpu.vector_load %arg7[%swap3A_754, %swap3A_755] {strides = array<i32>} : memref<1x4096xf32, #tpu.memory_space<vmem>>, vector<16xf32>,
      tpu.vector_store %arg7[%swap3A_754, %swap3A_755], %gather3A_752 {strides = array<i32>} : memref<1x4096xf32, #tpu.memory_space<vmem>>, vector<16xf32>,
      %get3A_757 = arith.constant 1696 : index
      %get3A_758 = tpu.vector_load %arg5[%get3A_757] {strides = array<i32>} : memref<4096xi32, #tpu.memory_space<vmem>>, vector<16xi32>,
      %gather3A_759 = tpu.vector_load_idx %arg6[%broadcast_in_dim3A_17, %get3A_758] : memref<1x100000xf32, #tpu.memory_space<vmem>>[vector<16xi32>, vector<16xi32>], vector<16xf32>,
      %swap3A_760 = arith.constant 0 : i32
      %swap3A_761 = arith.index_cast %swap3A_760 : i32 to index
      %swap3A_762 = arith.constant 1696 : index
      %swap3A_763 = tpu.vector_load %arg7[%swap3A_761, %swap3A_762] {strides = array<i32>} : memref<1x4096xf32, #tpu.memory_space<vmem>>, vector<16xf32>,
      tpu.vector_store %arg7[%swap3A_761, %swap3A_762], %gather3A_759 {strides = array<i32>} : memref<1x4096xf32, #tpu.memory_space<vmem>>, vector<16xf32>,
      %get3A_764 = arith.constant 1712 : index
      %get3A_765 = tpu.vector_load %arg5[%get3A_764] {strides = array<i32>} : memref<4096xi32, #tpu.memory_space<vmem>>, vector<16xi32>,
      %gather3A_766 = tpu.vector_load_idx %arg6[%broadcast_in_dim3A_17, %get3A_765] : memref<1x100000xf32, #tpu.memory_space<vmem>>[vector<16xi32>, vector<16xi32>], vector<16xf32>,
      %swap3A_767 = arith.constant 0 : i32
      %swap3A_768 = arith.index_cast %swap3A_767 : i32 to index
      %swap3A_769 = arith.constant 1712 : index
      %swap3A_770 = tpu.vector_load %arg7[%swap3A_768, %swap3A_769] {strides = array<i32>} : memref<1x4096xf32, #tpu.memory_space<vmem>>, vector<16xf32>,
      tpu.vector_store %arg7[%swap3A_768, %swap3A_769], %gather3A_766 {strides = array<i32>} : memref<1x4096xf32, #tpu.memory_space<vmem>>, vector<16xf32>,
      %get3A_771 = arith.constant 1728 : index
      %get3A_772 = tpu.vector_load %arg5[%get3A_771] {strides = array<i32>} : memref<4096xi32, #tpu.memory_space<vmem>>, vector<16xi32>,
      %gather3A_773 = tpu.vector_load_idx %arg6[%broadcast_in_dim3A_17, %get3A_772] : memref<1x100000xf32, #tpu.memory_space<vmem>>[vector<16xi32>, vector<16xi32>], vector<16xf32>,
      %swap3A_774 = arith.constant 0 : i32
      %swap3A_775 = arith.index_cast %swap3A_774 : i32 to index
      %swap3A_776 = arith.constant 1728 : index
      %swap3A_777 = tpu.vector_load %arg7[%swap3A_775, %swap3A_776] {strides = array<i32>} : memref<1x4096xf32, #tpu.memory_space<vmem>>, vector<16xf32>,
      tpu.vector_store %arg7[%swap3A_775, %swap3A_776], %gather3A_773 {strides = array<i32>} : memref<1x4096xf32, #tpu.memory_space<vmem>>, vector<16xf32>,
      %get3A_778 = arith.constant 1744 : index
      %get3A_779 = tpu.vector_load %arg5[%get3A_778] {strides = array<i32>} : memref<4096xi32, #tpu.memory_space<vmem>>, vector<16xi32>,
      %gather3A_780 = tpu.vector_load_idx %arg6[%broadcast_in_dim3A_17, %get3A_779] : memref<1x100000xf32, #tpu.memory_space<vmem>>[vector<16xi32>, vector<16xi32>], vector<16xf32>,
      %swap3A_781 = arith.constant 0 : i32
      %swap3A_782 = arith.index_cast %swap3A_781 : i32 to index
      %swap3A_783 = arith.constant 1744 : index
      %swap3A_784 = tpu.vector_load %arg7[%swap3A_782, %swap3A_783] {strides = array<i32>} : memref<1x4096xf32, #tpu.memory_space<vmem>>, vector<16xf32>,
      tpu.vector_store %arg7[%swap3A_782, %swap3A_783], %gather3A_780 {strides = array<i32>} : memref<1x4096xf32, #tpu.memory_space<vmem>>, vector<16xf32>,
      %get3A_785 = arith.constant 1760 : index
      %get3A_786 = tpu.vector_load %arg5[%get3A_785] {strides = array<i32>} : memref<4096xi32, #tpu.memory_space<vmem>>, vector<16xi32>,
      %gather3A_787 = tpu.vector_load_idx %arg6[%broadcast_in_dim3A_17, %get3A_786] : memref<1x100000xf32, #tpu.memory_space<vmem>>[vector<16xi32>, vector<16xi32>], vector<16xf32>,
      %swap3A_788 = arith.constant 0 : i32
      %swap3A_789 = arith.index_cast %swap3A_788 : i32 to index
      %swap3A_790 = arith.constant 1760 : index
      %swap3A_791 = tpu.vector_load %arg7[%swap3A_789, %swap3A_790] {strides = array<i32>} : memref<1x4096xf32, #tpu.memory_space<vmem>>, vector<16xf32>,
      tpu.vector_store %arg7[%swap3A_789, %swap3A_790], %gather3A_787 {strides = array<i32>} : memref<1x4096xf32, #tpu.memory_space<vmem>>, vector<16xf32>,
      %get3A_792 = arith.constant 1776 : index
      %get3A_793 = tpu.vector_load %arg5[%get3A_792] {strides = array<i32>} : memref<4096xi32, #tpu.memory_space<vmem>>, vector<16xi32>,
      %gather3A_794 = tpu.vector_load_idx %arg6[%broadcast_in_dim3A_17, %get3A_793] : memref<1x100000xf32, #tpu.memory_space<vmem>>[vector<16xi32>, vector<16xi32>], vector<16xf32>,
      %swap3A_795 = arith.constant 0 : i32
      %swap3A_796 = arith.index_cast %swap3A_795 : i32 to index
      %swap3A_797 = arith.constant 1776 : index
      %swap3A_798 = tpu.vector_load %arg7[%swap3A_796, %swap3A_797] {strides = array<i32>} : memref<1x4096xf32, #tpu.memory_space<vmem>>, vector<16xf32>,
      tpu.vector_store %arg7[%swap3A_796, %swap3A_797], %gather3A_794 {strides = array<i32>} : memref<1x4096xf32, #tpu.memory_space<vmem>>, vector<16xf32>,
      %get3A_799 = arith.constant 1792 : index
      %get3A_800 = tpu.vector_load %arg5[%get3A_799] {strides = array<i32>} : memref<4096xi32, #tpu.memory_space<vmem>>, vector<16xi32>,
      %gather3A_801 = tpu.vector_load_idx %arg6[%broadcast_in_dim3A_17, %get3A_800] : memref<1x100000xf32, #tpu.memory_space<vmem>>[vector<16xi32>, vector<16xi32>], vector<16xf32>,
      %swap3A_802 = arith.constant 0 : i32
      %swap3A_803 = arith.index_cast %swap3A_802 : i32 to index
      %swap3A_804 = arith.constant 1792 : index
      %swap3A_805 = tpu.vector_load %arg7[%swap3A_803, %swap3A_804] {strides = array<i32>} : memref<1x4096xf32, #tpu.memory_space<vmem>>, vector<16xf32>,
      tpu.vector_store %arg7[%swap3A_803, %swap3A_804], %gather3A_801 {strides = array<i32>} : memref<1x4096xf32, #tpu.memory_space<vmem>>, vector<16xf32>,
      %get3A_806 = arith.constant 1808 : index
      %get3A_807 = tpu.vector_load %arg5[%get3A_806] {strides = array<i32>} : memref<4096xi32, #tpu.memory_space<vmem>>, vector<16xi32>,
      %gather3A_808 = tpu.vector_load_idx %arg6[%broadcast_in_dim3A_17, %get3A_807] : memref<1x100000xf32, #tpu.memory_space<vmem>>[vector<16xi32>, vector<16xi32>], vector<16xf32>,
      %swap3A_809 = arith.constant 0 : i32
      %swap3A_810 = arith.index_cast %swap3A_809 : i32 to index
      %swap3A_811 = arith.constant 1808 : index
      %swap3A_812 = tpu.vector_load %arg7[%swap3A_810, %swap3A_811] {strides = array<i32>} : memref<1x4096xf32, #tpu.memory_space<vmem>>, vector<16xf32>,
      tpu.vector_store %arg7[%swap3A_810, %swap3A_811], %gather3A_808 {strides = array<i32>} : memref<1x4096xf32, #tpu.memory_space<vmem>>, vector<16xf32>,
      %get3A_813 = arith.constant 1824 : index
      %get3A_814 = tpu.vector_load %arg5[%get3A_813] {strides = array<i32>} : memref<4096xi32, #tpu.memory_space<vmem>>, vector<16xi32>,
      %gather3A_815 = tpu.vector_load_idx %arg6[%broadcast_in_dim3A_17, %get3A_814] : memref<1x100000xf32, #tpu.memory_space<vmem>>[vector<16xi32>, vector<16xi32>], vector<16xf32>,
      %swap3A_816 = arith.constant 0 : i32
      %swap3A_817 = arith.index_cast %swap3A_816 : i32 to index
      %swap3A_818 = arith.constant 1824 : index
      %swap3A_819 = tpu.vector_load %arg7[%swap3A_817, %swap3A_818] {strides = array<i32>} : memref<1x4096xf32, #tpu.memory_space<vmem>>, vector<16xf32>,
      tpu.vector_store %arg7[%swap3A_817, %swap3A_818], %gather3A_815 {strides = array<i32>} : memref<1x4096xf32, #tpu.memory_space<vmem>>, vector<16xf32>,
      %get3A_820 = arith.constant 1840 : index
      %get3A_821 = tpu.vector_load %arg5[%get3A_820] {strides = array<i32>} : memref<4096xi32, #tpu.memory_space<vmem>>, vector<16xi32>,
      %gather3A_822 = tpu.vector_load_idx %arg6[%broadcast_in_dim3A_17, %get3A_821] : memref<1x100000xf32, #tpu.memory_space<vmem>>[vector<16xi32>, vector<16xi32>], vector<16xf32>,
      %swap3A_823 = arith.constant 0 : i32
      %swap3A_824 = arith.index_cast %swap3A_823 : i32 to index
      %swap3A_825 = arith.constant 1840 : index
      %swap3A_826 = tpu.vector_load %arg7[%swap3A_824, %swap3A_825] {strides = array<i32>} : memref<1x4096xf32, #tpu.memory_space<vmem>>, vector<16xf32>,
      tpu.vector_store %arg7[%swap3A_824, %swap3A_825], %gather3A_822 {strides = array<i32>} : memref<1x4096xf32, #tpu.memory_space<vmem>>, vector<16xf32>,
      %get3A_827 = arith.constant 1856 : index
      %get3A_828 = tpu.vector_load %arg5[%get3A_827] {strides = array<i32>} : memref<4096xi32, #tpu.memory_space<vmem>>, vector<16xi32>,
      %gather3A_829 = tpu.vector_load_idx %arg6[%broadcast_in_dim3A_17, %get3A_828] : memref<1x100000xf32, #tpu.memory_space<vmem>>[vector<16xi32>, vector<16xi32>], vector<16xf32>,
      %swap3A_830 = arith.constant 0 : i32
      %swap3A_831 = arith.index_cast %swap3A_830 : i32 to index
      %swap3A_832 = arith.constant 1856 : index
      %swap3A_833 = tpu.vector_load %arg7[%swap3A_831, %swap3A_832] {strides = array<i32>} : memref<1x4096xf32, #tpu.memory_space<vmem>>, vector<16xf32>,
      tpu.vector_store %arg7[%swap3A_831, %swap3A_832], %gather3A_829 {strides = array<i32>} : memref<1x4096xf32, #tpu.memory_space<vmem>>, vector<16xf32>,
      %get3A_834 = arith.constant 1872 : index
      %get3A_835 = tpu.vector_load %arg5[%get3A_834] {strides = array<i32>} : memref<4096xi32, #tpu.memory_space<vmem>>, vector<16xi32>,
      %gather3A_836 = tpu.vector_load_idx %arg6[%broadcast_in_dim3A_17, %get3A_835] : memref<1x100000xf32, #tpu.memory_space<vmem>>[vector<16xi32>, vector<16xi32>], vector<16xf32>,
      %swap3A_837 = arith.constant 0 : i32
      %swap3A_838 = arith.index_cast %swap3A_837 : i32 to index
      %swap3A_839 = arith.constant 1872 : index
      %swap3A_840 = tpu.vector_load %arg7[%swap3A_838, %swap3A_839] {strides = array<i32>} : memref<1x4096xf32, #tpu.memory_space<vmem>>, vector<16xf32>,
      tpu.vector_store %arg7[%swap3A_838, %swap3A_839], %gather3A_836 {strides = array<i32>} : memref<1x4096xf32, #tpu.memory_space<vmem>>, vector<16xf32>,
      %get3A_841 = arith.constant 1888 : index
      %get3A_842 = tpu.vector_load %arg5[%get3A_841] {strides = array<i32>} : memref<4096xi32, #tpu.memory_space<vmem>>, vector<16xi32>,
      %gather3A_843 = tpu.vector_load_idx %arg6[%broadcast_in_dim3A_17, %get3A_842] : memref<1x100000xf32, #tpu.memory_space<vmem>>[vector<16xi32>, vector<16xi32>], vector<16xf32>,
      %swap3A_844 = arith.constant 0 : i32
      %swap3A_845 = arith.index_cast %swap3A_844 : i32 to index
      %swap3A_846 = arith.constant 1888 : index
      %swap3A_847 = tpu.vector_load %arg7[%swap3A_845, %swap3A_846] {strides = array<i32>} : memref<1x4096xf32, #tpu.memory_space<vmem>>, vector<16xf32>,
      tpu.vector_store %arg7[%swap3A_845, %swap3A_846], %gather3A_843 {strides = array<i32>} : memref<1x4096xf32, #tpu.memory_space<vmem>>, vector<16xf32>,
      %get3A_848 = arith.constant 1904 : index
      %get3A_849 = tpu.vector_load %arg5[%get3A_848] {strides = array<i32>} : memref<4096xi32, #tpu.memory_space<vmem>>, vector<16xi32>,
      %gather3A_850 = tpu.vector_load_idx %arg6[%broadcast_in_dim3A_17, %get3A_849] : memref<1x100000xf32, #tpu.memory_space<vmem>>[vector<16xi32>, vector<16xi32>], vector<16xf32>,
      %swap3A_851 = arith.constant 0 : i32
      %swap3A_852 = arith.index_cast %swap3A_851 : i32 to index
      %swap3A_853 = arith.constant 1904 : index
      %swap3A_854 = tpu.vector_load %arg7[%swap3A_852, %swap3A_853] {strides = array<i32>} : memref<1x4096xf32, #tpu.memory_space<vmem>>, vector<16xf32>,
      tpu.vector_store %arg7[%swap3A_852, %swap3A_853], %gather3A_850 {strides = array<i32>} : memref<1x4096xf32, #tpu.memory_space<vmem>>, vector<16xf32>,
      %get3A_855 = arith.constant 1920 : index
      %get3A_856 = tpu.vector_load %arg5[%get3A_855] {strides = array<i32>} : memref<4096xi32, #tpu.memory_space<vmem>>, vector<16xi32>,
      %gather3A_857 = tpu.vector_load_idx %arg6[%broadcast_in_dim3A_17, %get3A_856] : memref<1x100000xf32, #tpu.memory_space<vmem>>[vector<16xi32>, vector<16xi32>], vector<16xf32>,
      %swap3A_858 = arith.constant 0 : i32
      %swap3A_859 = arith.index_cast %swap3A_858 : i32 to index
      %swap3A_860 = arith.constant 1920 : index
      %swap3A_861 = tpu.vector_load %arg7[%swap3A_859, %swap3A_860] {strides = array<i32>} : memref<1x4096xf32, #tpu.memory_space<vmem>>, vector<16xf32>,
      tpu.vector_store %arg7[%swap3A_859, %swap3A_860], %gather3A_857 {strides = array<i32>} : memref<1x4096xf32, #tpu.memory_space<vmem>>, vector<16xf32>,
      %get3A_862 = arith.constant 1936 : index
      %get3A_863 = tpu.vector_load %arg5[%get3A_862] {strides = array<i32>} : memref<4096xi32, #tpu.memory_space<vmem>>, vector<16xi32>,
      %gather3A_864 = tpu.vector_load_idx %arg6[%broadcast_in_dim3A_17, %get3A_863] : memref<1x100000xf32, #tpu.memory_space<vmem>>[vector<16xi32>, vector<16xi32>], vector<16xf32>,
      %swap3A_865 = arith.constant 0 : i32
      %swap3A_866 = arith.index_cast %swap3A_865 : i32 to index
      %swap3A_867 = arith.constant 1936 : index
      %swap3A_868 = tpu.vector_load %arg7[%swap3A_866, %swap3A_867] {strides = array<i32>} : memref<1x4096xf32, #tpu.memory_space<vmem>>, vector<16xf32>,
      tpu.vector_store %arg7[%swap3A_866, %swap3A_867], %gather3A_864 {strides = array<i32>} : memref<1x4096xf32, #tpu.memory_space<vmem>>, vector<16xf32>,
      %get3A_869 = arith.constant 1952 : index
      %get3A_870 = tpu.vector_load %arg5[%get3A_869] {strides = array<i32>} : memref<4096xi32, #tpu.memory_space<vmem>>, vector<16xi32>,
      %gather3A_871 = tpu.vector_load_idx %arg6[%broadcast_in_dim3A_17, %get3A_870] : memref<1x100000xf32, #tpu.memory_space<vmem>>[vector<16xi32>, vector<16xi32>], vector<16xf32>,
      %swap3A_872 = arith.constant 0 : i32
      %swap3A_873 = arith.index_cast %swap3A_872 : i32 to index
      %swap3A_874 = arith.constant 1952 : index
      %swap3A_875 = tpu.vector_load %arg7[%swap3A_873, %swap3A_874] {strides = array<i32>} : memref<1x4096xf32, #tpu.memory_space<vmem>>, vector<16xf32>,
      tpu.vector_store %arg7[%swap3A_873, %swap3A_874], %gather3A_871 {strides = array<i32>} : memref<1x4096xf32, #tpu.memory_space<vmem>>, vector<16xf32>,
      %get3A_876 = arith.constant 1968 : index
      %get3A_877 = tpu.vector_load %arg5[%get3A_876] {strides = array<i32>} : memref<4096xi32, #tpu.memory_space<vmem>>, vector<16xi32>,
      %gather3A_878 = tpu.vector_load_idx %arg6[%broadcast_in_dim3A_17, %get3A_877] : memref<1x100000xf32, #tpu.memory_space<vmem>>[vector<16xi32>, vector<16xi32>], vector<16xf32>,
      %swap3A_879 = arith.constant 0 : i32
      %swap3A_880 = arith.index_cast %swap3A_879 : i32 to index
      %swap3A_881 = arith.constant 1968 : index
      %swap3A_882 = tpu.vector_load %arg7[%swap3A_880, %swap3A_881] {strides = array<i32>} : memref<1x4096xf32, #tpu.memory_space<vmem>>, vector<16xf32>,
      tpu.vector_store %arg7[%swap3A_880, %swap3A_881], %gather3A_878 {strides = array<i32>} : memref<1x4096xf32, #tpu.memory_space<vmem>>, vector<16xf32>,
      %get3A_883 = arith.constant 1984 : index
      %get3A_884 = tpu.vector_load %arg5[%get3A_883] {strides = array<i32>} : memref<4096xi32, #tpu.memory_space<vmem>>, vector<16xi32>,
      %gather3A_885 = tpu.vector_load_idx %arg6[%broadcast_in_dim3A_17, %get3A_884] : memref<1x100000xf32, #tpu.memory_space<vmem>>[vector<16xi32>, vector<16xi32>], vector<16xf32>,
      %swap3A_886 = arith.constant 0 : i32
      %swap3A_887 = arith.index_cast %swap3A_886 : i32 to index
      %swap3A_888 = arith.constant 1984 : index
      %swap3A_889 = tpu.vector_load %arg7[%swap3A_887, %swap3A_888] {strides = array<i32>} : memref<1x4096xf32, #tpu.memory_space<vmem>>, vector<16xf32>,
      tpu.vector_store %arg7[%swap3A_887, %swap3A_888], %gather3A_885 {strides = array<i32>} : memref<1x4096xf32, #tpu.memory_space<vmem>>, vector<16xf32>,
      %get3A_890 = arith.constant 2000 : index
      %get3A_891 = tpu.vector_load %arg5[%get3A_890] {strides = array<i32>} : memref<4096xi32, #tpu.memory_space<vmem>>, vector<16xi32>,
      %gather3A_892 = tpu.vector_load_idx %arg6[%broadcast_in_dim3A_17, %get3A_891] : memref<1x100000xf32, #tpu.memory_space<vmem>>[vector<16xi32>, vector<16xi32>], vector<16xf32>,
      %swap3A_893 = arith.constant 0 : i32
      %swap3A_894 = arith.index_cast %swap3A_893 : i32 to index
      %swap3A_895 = arith.constant 2000 : index
      %swap3A_896 = tpu.vector_load %arg7[%swap3A_894, %swap3A_895] {strides = array<i32>} : memref<1x4096xf32, #tpu.memory_space<vmem>>, vector<16xf32>,
      tpu.vector_store %arg7[%swap3A_894, %swap3A_895], %gather3A_892 {strides = array<i32>} : memref<1x4096xf32, #tpu.memory_space<vmem>>, vector<16xf32>,
      %get3A_897 = arith.constant 2016 : index
      %get3A_898 = tpu.vector_load %arg5[%get3A_897] {strides = array<i32>} : memref<4096xi32, #tpu.memory_space<vmem>>, vector<16xi32>,
      %gather3A_899 = tpu.vector_load_idx %arg6[%broadcast_in_dim3A_17, %get3A_898] : memref<1x100000xf32, #tpu.memory_space<vmem>>[vector<16xi32>, vector<16xi32>], vector<16xf32>,
      %swap3A_900 = arith.constant 0 : i32
      %swap3A_901 = arith.index_cast %swap3A_900 : i32 to index
      %swap3A_902 = arith.constant 2016 : index
      %swap3A_903 = tpu.vector_load %arg7[%swap3A_901, %swap3A_902] {strides = array<i32>} : memref<1x4096xf32, #tpu.memory_space<vmem>>, vector<16xf32>,
      tpu.vector_store %arg7[%swap3A_901, %swap3A_902], %gather3A_899 {strides = array<i32>} : memref<1x4096xf32, #tpu.memory_space<vmem>>, vector<16xf32>,
      %get3A_904 = arith.constant 2032 : index
      %get3A_905 = tpu.vector_load %arg5[%get3A_904] {strides = array<i32>} : memref<4096xi32, #tpu.memory_space<vmem>>, vector<16xi32>,
      %gather3A_906 = tpu.vector_load_idx %arg6[%broadcast_in_dim3A_17, %get3A_905] : memref<1x100000xf32, #tpu.memory_space<vmem>>[vector<16xi32>, vector<16xi32>], vector<16xf32>,
      %swap3A_907 = arith.constant 0 : i32
      %swap3A_908 = arith.index_cast %swap3A_907 : i32 to index
      %swap3A_909 = arith.constant 2032 : index
      %swap3A_910 = tpu.vector_load %arg7[%swap3A_908, %swap3A_909] {strides = array<i32>} : memref<1x4096xf32, #tpu.memory_space<vmem>>, vector<16xf32>,
      tpu.vector_store %arg7[%swap3A_908, %swap3A_909], %gather3A_906 {strides = array<i32>} : memref<1x4096xf32, #tpu.memory_space<vmem>>, vector<16xf32>,
      %get3A_911 = arith.constant 2048 : index
      %get3A_912 = tpu.vector_load %arg5[%get3A_911] {strides = array<i32>} : memref<4096xi32, #tpu.memory_space<vmem>>, vector<16xi32>,
      %gather3A_913 = tpu.vector_load_idx %arg6[%broadcast_in_dim3A_17, %get3A_912] : memref<1x100000xf32, #tpu.memory_space<vmem>>[vector<16xi32>, vector<16xi32>], vector<16xf32>,
      %swap3A_914 = arith.constant 0 : i32
      %swap3A_915 = arith.index_cast %swap3A_914 : i32 to index
      %swap3A_916 = arith.constant 2048 : index
      %swap3A_917 = tpu.vector_load %arg7[%swap3A_915, %swap3A_916] {strides = array<i32>} : memref<1x4096xf32, #tpu.memory_space<vmem>>, vector<16xf32>,
      tpu.vector_store %arg7[%swap3A_915, %swap3A_916], %gather3A_913 {strides = array<i32>} : memref<1x4096xf32, #tpu.memory_space<vmem>>, vector<16xf32>,
      %get3A_918 = arith.constant 2064 : index
      %get3A_919 = tpu.vector_load %arg5[%get3A_918] {strides = array<i32>} : memref<4096xi32, #tpu.memory_space<vmem>>, vector<16xi32>,
      %gather3A_920 = tpu.vector_load_idx %arg6[%broadcast_in_dim3A_17, %get3A_919] : memref<1x100000xf32, #tpu.memory_space<vmem>>[vector<16xi32>, vector<16xi32>], vector<16xf32>,
      %swap3A_921 = arith.constant 0 : i32
      %swap3A_922 = arith.index_cast %swap3A_921 : i32 to index
      %swap3A_923 = arith.constant 2064 : index
      %swap3A_924 = tpu.vector_load %arg7[%swap3A_922, %swap3A_923] {strides = array<i32>} : memref<1x4096xf32, #tpu.memory_space<vmem>>, vector<16xf32>,
      tpu.vector_store %arg7[%swap3A_922, %swap3A_923], %gather3A_920 {strides = array<i32>} : memref<1x4096xf32, #tpu.memory_space<vmem>>, vector<16xf32>,
      %get3A_925 = arith.constant 2080 : index
      %get3A_926 = tpu.vector_load %arg5[%get3A_925] {strides = array<i32>} : memref<4096xi32, #tpu.memory_space<vmem>>, vector<16xi32>,
      %gather3A_927 = tpu.vector_load_idx %arg6[%broadcast_in_dim3A_17, %get3A_926] : memref<1x100000xf32, #tpu.memory_space<vmem>>[vector<16xi32>, vector<16xi32>], vector<16xf32>,
      %swap3A_928 = arith.constant 0 : i32
      %swap3A_929 = arith.index_cast %swap3A_928 : i32 to index
      %swap3A_930 = arith.constant 2080 : index
      %swap3A_931 = tpu.vector_load %arg7[%swap3A_929, %swap3A_930] {strides = array<i32>} : memref<1x4096xf32, #tpu.memory_space<vmem>>, vector<16xf32>,
      tpu.vector_store %arg7[%swap3A_929, %swap3A_930], %gather3A_927 {strides = array<i32>} : memref<1x4096xf32, #tpu.memory_space<vmem>>, vector<16xf32>,
      %get3A_932 = arith.constant 2096 : index
      %get3A_933 = tpu.vector_load %arg5[%get3A_932] {strides = array<i32>} : memref<4096xi32, #tpu.memory_space<vmem>>, vector<16xi32>,
      %gather3A_934 = tpu.vector_load_idx %arg6[%broadcast_in_dim3A_17, %get3A_933] : memref<1x100000xf32, #tpu.memory_space<vmem>>[vector<16xi32>, vector<16xi32>], vector<16xf32>,
      %swap3A_935 = arith.constant 0 : i32
      %swap3A_936 = arith.index_cast %swap3A_935 : i32 to index
      %swap3A_937 = arith.constant 2096 : index
      %swap3A_938 = tpu.vector_load %arg7[%swap3A_936, %swap3A_937] {strides = array<i32>} : memref<1x4096xf32, #tpu.memory_space<vmem>>, vector<16xf32>,
      tpu.vector_store %arg7[%swap3A_936, %swap3A_937], %gather3A_934 {strides = array<i32>} : memref<1x4096xf32, #tpu.memory_space<vmem>>, vector<16xf32>,
      %get3A_939 = arith.constant 2112 : index
      %get3A_940 = tpu.vector_load %arg5[%get3A_939] {strides = array<i32>} : memref<4096xi32, #tpu.memory_space<vmem>>, vector<16xi32>,
      %gather3A_941 = tpu.vector_load_idx %arg6[%broadcast_in_dim3A_17, %get3A_940] : memref<1x100000xf32, #tpu.memory_space<vmem>>[vector<16xi32>, vector<16xi32>], vector<16xf32>,
      %swap3A_942 = arith.constant 0 : i32
      %swap3A_943 = arith.index_cast %swap3A_942 : i32 to index
      %swap3A_944 = arith.constant 2112 : index
      %swap3A_945 = tpu.vector_load %arg7[%swap3A_943, %swap3A_944] {strides = array<i32>} : memref<1x4096xf32, #tpu.memory_space<vmem>>, vector<16xf32>,
      tpu.vector_store %arg7[%swap3A_943, %swap3A_944], %gather3A_941 {strides = array<i32>} : memref<1x4096xf32, #tpu.memory_space<vmem>>, vector<16xf32>,
      %get3A_946 = arith.constant 2128 : index
      %get3A_947 = tpu.vector_load %arg5[%get3A_946] {strides = array<i32>} : memref<4096xi32, #tpu.memory_space<vmem>>, vector<16xi32>,
      %gather3A_948 = tpu.vector_load_idx %arg6[%broadcast_in_dim3A_17, %get3A_947] : memref<1x100000xf32, #tpu.memory_space<vmem>>[vector<16xi32>, vector<16xi32>], vector<16xf32>,
      %swap3A_949 = arith.constant 0 : i32
      %swap3A_950 = arith.index_cast %swap3A_949 : i32 to index
      %swap3A_951 = arith.constant 2128 : index
      %swap3A_952 = tpu.vector_load %arg7[%swap3A_950, %swap3A_951] {strides = array<i32>} : memref<1x4096xf32, #tpu.memory_space<vmem>>, vector<16xf32>,
      tpu.vector_store %arg7[%swap3A_950, %swap3A_951], %gather3A_948 {strides = array<i32>} : memref<1x4096xf32, #tpu.memory_space<vmem>>, vector<16xf32>,
      %get3A_953 = arith.constant 2144 : index
      %get3A_954 = tpu.vector_load %arg5[%get3A_953] {strides = array<i32>} : memref<4096xi32, #tpu.memory_space<vmem>>, vector<16xi32>,
      %gather3A_955 = tpu.vector_load_idx %arg6[%broadcast_in_dim3A_17, %get3A_954] : memref<1x100000xf32, #tpu.memory_space<vmem>>[vector<16xi32>, vector<16xi32>], vector<16xf32>,
      %swap3A_956 = arith.constant 0 : i32
      %swap3A_957 = arith.index_cast %swap3A_956 : i32 to index
      %swap3A_958 = arith.constant 2144 : index
      %swap3A_959 = tpu.vector_load %arg7[%swap3A_957, %swap3A_958] {strides = array<i32>} : memref<1x4096xf32, #tpu.memory_space<vmem>>, vector<16xf32>,
      tpu.vector_store %arg7[%swap3A_957, %swap3A_958], %gather3A_955 {strides = array<i32>} : memref<1x4096xf32, #tpu.memory_space<vmem>>, vector<16xf32>,
      %get3A_960 = arith.constant 2160 : index
      %get3A_961 = tpu.vector_load %arg5[%get3A_960] {strides = array<i32>} : memref<4096xi32, #tpu.memory_space<vmem>>, vector<16xi32>,
      %gather3A_962 = tpu.vector_load_idx %arg6[%broadcast_in_dim3A_17, %get3A_961] : memref<1x100000xf32, #tpu.memory_space<vmem>>[vector<16xi32>, vector<16xi32>], vector<16xf32>,
      %swap3A_963 = arith.constant 0 : i32
      %swap3A_964 = arith.index_cast %swap3A_963 : i32 to index
      %swap3A_965 = arith.constant 2160 : index
      %swap3A_966 = tpu.vector_load %arg7[%swap3A_964, %swap3A_965] {strides = array<i32>} : memref<1x4096xf32, #tpu.memory_space<vmem>>, vector<16xf32>,
      tpu.vector_store %arg7[%swap3A_964, %swap3A_965], %gather3A_962 {strides = array<i32>} : memref<1x4096xf32, #tpu.memory_space<vmem>>, vector<16xf32>,
      %get3A_967 = arith.constant 2176 : index
      %get3A_968 = tpu.vector_load %arg5[%get3A_967] {strides = array<i32>} : memref<4096xi32, #tpu.memory_space<vmem>>, vector<16xi32>,
      %gather3A_969 = tpu.vector_load_idx %arg6[%broadcast_in_dim3A_17, %get3A_968] : memref<1x100000xf32, #tpu.memory_space<vmem>>[vector<16xi32>, vector<16xi32>], vector<16xf32>,
      %swap3A_970 = arith.constant 0 : i32
      %swap3A_971 = arith.index_cast %swap3A_970 : i32 to index
      %swap3A_972 = arith.constant 2176 : index
      %swap3A_973 = tpu.vector_load %arg7[%swap3A_971, %swap3A_972] {strides = array<i32>} : memref<1x4096xf32, #tpu.memory_space<vmem>>, vector<16xf32>,
      tpu.vector_store %arg7[%swap3A_971, %swap3A_972], %gather3A_969 {strides = array<i32>} : memref<1x4096xf32, #tpu.memory_space<vmem>>, vector<16xf32>,
      %get3A_974 = arith.constant 2192 : index
      %get3A_975 = tpu.vector_load %arg5[%get3A_974] {strides = array<i32>} : memref<4096xi32, #tpu.memory_space<vmem>>, vector<16xi32>,
      %gather3A_976 = tpu.vector_load_idx %arg6[%broadcast_in_dim3A_17, %get3A_975] : memref<1x100000xf32, #tpu.memory_space<vmem>>[vector<16xi32>, vector<16xi32>], vector<16xf32>,
      %swap3A_977 = arith.constant 0 : i32
      %swap3A_978 = arith.index_cast %swap3A_977 : i32 to index
      %swap3A_979 = arith.constant 2192 : index
      %swap3A_980 = tpu.vector_load %arg7[%swap3A_978, %swap3A_979] {strides = array<i32>} : memref<1x4096xf32, #tpu.memory_space<vmem>>, vector<16xf32>,
      tpu.vector_store %arg7[%swap3A_978, %swap3A_979], %gather3A_976 {strides = array<i32>} : memref<1x4096xf32, #tpu.memory_space<vmem>>, vector<16xf32>,
      %get3A_981 = arith.constant 2208 : index
      %get3A_982 = tpu.vector_load %arg5[%get3A_981] {strides = array<i32>} : memref<4096xi32, #tpu.memory_space<vmem>>, vector<16xi32>,
      %gather3A_983 = tpu.vector_load_idx %arg6[%broadcast_in_dim3A_17, %get3A_982] : memref<1x100000xf32, #tpu.memory_space<vmem>>[vector<16xi32>, vector<16xi32>], vector<16xf32>,
      %swap3A_984 = arith.constant 0 : i32
      %swap3A_985 = arith.index_cast %swap3A_984 : i32 to index
      %swap3A_986 = arith.constant 2208 : index
      %swap3A_987 = tpu.vector_load %arg7[%swap3A_985, %swap3A_986] {strides = array<i32>} : memref<1x4096xf32, #tpu.memory_space<vmem>>, vector<16xf32>,
      tpu.vector_store %arg7[%swap3A_985, %swap3A_986], %gather3A_983 {strides = array<i32>} : memref<1x4096xf32, #tpu.memory_space<vmem>>, vector<16xf32>,
      %get3A_988 = arith.constant 2224 : index
      %get3A_989 = tpu.vector_load %arg5[%get3A_988] {strides = array<i32>} : memref<4096xi32, #tpu.memory_space<vmem>>, vector<16xi32>,
      %gather3A_990 = tpu.vector_load_idx %arg6[%broadcast_in_dim3A_17, %get3A_989] : memref<1x100000xf32, #tpu.memory_space<vmem>>[vector<16xi32>, vector<16xi32>], vector<16xf32>,
      %swap3A_991 = arith.constant 0 : i32
      %swap3A_992 = arith.index_cast %swap3A_991 : i32 to index
      %swap3A_993 = arith.constant 2224 : index
      %swap3A_994 = tpu.vector_load %arg7[%swap3A_992, %swap3A_993] {strides = array<i32>} : memref<1x4096xf32, #tpu.memory_space<vmem>>, vector<16xf32>,
      tpu.vector_store %arg7[%swap3A_992, %swap3A_993], %gather3A_990 {strides = array<i32>} : memref<1x4096xf32, #tpu.memory_space<vmem>>, vector<16xf32>,
      %get3A_995 = arith.constant 2240 : index
      %get3A_996 = tpu.vector_load %arg5[%get3A_995] {strides = array<i32>} : memref<4096xi32, #tpu.memory_space<vmem>>, vector<16xi32>,
      %gather3A_997 = tpu.vector_load_idx %arg6[%broadcast_in_dim3A_17, %get3A_996] : memref<1x100000xf32, #tpu.memory_space<vmem>>[vector<16xi32>, vector<16xi32>], vector<16xf32>,
      %swap3A_998 = arith.constant 0 : i32
      %swap3A_999 = arith.index_cast %swap3A_998 : i32 to index
      %swap3A_1000 = arith.constant 2240 : index
      %swap3A_1001 = tpu.vector_load %arg7[%swap3A_999, %swap3A_1000] {strides = array<i32>} : memref<1x4096xf32, #tpu.memory_space<vmem>>, vector<16xf32>,
      tpu.vector_store %arg7[%swap3A_999, %swap3A_1000], %gather3A_997 {strides = array<i32>} : memref<1x4096xf32, #tpu.memory_space<vmem>>, vector<16xf32>,
      %get3A_1002 = arith.constant 2256 : index
      %get3A_1003 = tpu.vector_load %arg5[%get3A_1002] {strides = array<i32>} : memref<4096xi32, #tpu.memory_space<vmem>>, vector<16xi32>,
      %gather3A_1004 = tpu.vector_load_idx %arg6[%broadcast_in_dim3A_17, %get3A_1003] : memref<1x100000xf32, #tpu.memory_space<vmem>>[vector<16xi32>, vector<16xi32>], vector<16xf32>,
      %swap3A_1005 = arith.constant 0 : i32
      %swap3A_1006 = arith.index_cast %swap3A_1005 : i32 to index
      %swap3A_1007 = arith.constant 2256 : index
      %swap3A_1008 = tpu.vector_load %arg7[%swap3A_1006, %swap3A_1007] {strides = array<i32>} : memref<1x4096xf32, #tpu.memory_space<vmem>>, vector<16xf32>,
      tpu.vector_store %arg7[%swap3A_1006, %swap3A_1007], %gather3A_1004 {strides = array<i32>} : memref<1x4096xf32, #tpu.memory_space<vmem>>, vector<16xf32>,
      %get3A_1009 = arith.constant 2272 : index
      %get3A_1010 = tpu.vector_load %arg5[%get3A_1009] {strides = array<i32>} : memref<4096xi32, #tpu.memory_space<vmem>>, vector<16xi32>,
      %gather3A_1011 = tpu.vector_load_idx %arg6[%broadcast_in_dim3A_17, %get3A_1010] : memref<1x100000xf32, #tpu.memory_space<vmem>>[vector<16xi32>, vector<16xi32>], vector<16xf32>,
      %swap3A_1012 = arith.constant 0 : i32
      %swap3A_1013 = arith.index_cast %swap3A_1012 : i32 to index
      %swap3A_1014 = arith.constant 2272 : index
      %swap3A_1015 = tpu.vector_load %arg7[%swap3A_1013, %swap3A_1014] {strides = array<i32>} : memref<1x4096xf32, #tpu.memory_space<vmem>>, vector<16xf32>,
      tpu.vector_store %arg7[%swap3A_1013, %swap3A_1014], %gather3A_1011 {strides = array<i32>} : memref<1x4096xf32, #tpu.memory_space<vmem>>, vector<16xf32>,
      %get3A_1016 = arith.constant 2288 : index
      %get3A_1017 = tpu.vector_load %arg5[%get3A_1016] {strides = array<i32>} : memref<4096xi32, #tpu.memory_space<vmem>>, vector<16xi32>,
      %gather3A_1018 = tpu.vector_load_idx %arg6[%broadcast_in_dim3A_17, %get3A_1017] : memref<1x100000xf32, #tpu.memory_space<vmem>>[vector<16xi32>, vector<16xi32>], vector<16xf32>,
      %swap3A_1019 = arith.constant 0 : i32
      %swap3A_1020 = arith.index_cast %swap3A_1019 : i32 to index
      %swap3A_1021 = arith.constant 2288 : index
      %swap3A_1022 = tpu.vector_load %arg7[%swap3A_1020, %swap3A_1021] {strides = array<i32>} : memref<1x4096xf32, #tpu.memory_space<vmem>>, vector<16xf32>,
      tpu.vector_store %arg7[%swap3A_1020, %swap3A_1021], %gather3A_1018 {strides = array<i32>} : memref<1x4096xf32, #tpu.memory_space<vmem>>, vector<16xf32>,
      %get3A_1023 = arith.constant 2304 : index
      %get3A_1024 = tpu.vector_load %arg5[%get3A_1023] {strides = array<i32>} : memref<4096xi32, #tpu.memory_space<vmem>>, vector<16xi32>,
      %gather3A_1025 = tpu.vector_load_idx %arg6[%broadcast_in_dim3A_17, %get3A_1024] : memref<1x100000xf32, #tpu.memory_space<vmem>>[vector<16xi32>, vector<16xi32>], vector<16xf32>,
      %swap3A_1026 = arith.constant 0 : i32
      %swap3A_1027 = arith.index_cast %swap3A_1026 : i32 to index
      %swap3A_1028 = arith.constant 2304 : index
      %swap3A_1029 = tpu.vector_load %arg7[%swap3A_1027, %swap3A_1028] {strides = array<i32>} : memref<1x4096xf32, #tpu.memory_space<vmem>>, vector<16xf32>,
      tpu.vector_store %arg7[%swap3A_1027, %swap3A_1028], %gather3A_1025 {strides = array<i32>} : memref<1x4096xf32, #tpu.memory_space<vmem>>, vector<16xf32>,
      %get3A_1030 = arith.constant 2320 : index
      %get3A_1031 = tpu.vector_load %arg5[%get3A_1030] {strides = array<i32>} : memref<4096xi32, #tpu.memory_space<vmem>>, vector<16xi32>,
      %gather3A_1032 = tpu.vector_load_idx %arg6[%broadcast_in_dim3A_17, %get3A_1031] : memref<1x100000xf32, #tpu.memory_space<vmem>>[vector<16xi32>, vector<16xi32>], vector<16xf32>,
      %swap3A_1033 = arith.constant 0 : i32
      %swap3A_1034 = arith.index_cast %swap3A_1033 : i32 to index
      %swap3A_1035 = arith.constant 2320 : index
      %swap3A_1036 = tpu.vector_load %arg7[%swap3A_1034, %swap3A_1035] {strides = array<i32>} : memref<1x4096xf32, #tpu.memory_space<vmem>>, vector<16xf32>,
      tpu.vector_store %arg7[%swap3A_1034, %swap3A_1035], %gather3A_1032 {strides = array<i32>} : memref<1x4096xf32, #tpu.memory_space<vmem>>, vector<16xf32>,
      %get3A_1037 = arith.constant 2336 : index
      %get3A_1038 = tpu.vector_load %arg5[%get3A_1037] {strides = array<i32>} : memref<4096xi32, #tpu.memory_space<vmem>>, vector<16xi32>,
      %gather3A_1039 = tpu.vector_load_idx %arg6[%broadcast_in_dim3A_17, %get3A_1038] : memref<1x100000xf32, #tpu.memory_space<vmem>>[vector<16xi32>, vector<16xi32>], vector<16xf32>,
      %swap3A_1040 = arith.constant 0 : i32
      %swap3A_1041 = arith.index_cast %swap3A_1040 : i32 to index
      %swap3A_1042 = arith.constant 2336 : index
      %swap3A_1043 = tpu.vector_load %arg7[%swap3A_1041, %swap3A_1042] {strides = array<i32>} : memref<1x4096xf32, #tpu.memory_space<vmem>>, vector<16xf32>,
      tpu.vector_store %arg7[%swap3A_1041, %swap3A_1042], %gather3A_1039 {strides = array<i32>} : memref<1x4096xf32, #tpu.memory_space<vmem>>, vector<16xf32>,
      %get3A_1044 = arith.constant 2352 : index
      %get3A_1045 = tpu.vector_load %arg5[%get3A_1044] {strides = array<i32>} : memref<4096xi32, #tpu.memory_space<vmem>>, vector<16xi32>,
      %gather3A_1046 = tpu.vector_load_idx %arg6[%broadcast_in_dim3A_17, %get3A_1045] : memref<1x100000xf32, #tpu.memory_space<vmem>>[vector<16xi32>, vector<16xi32>], vector<16xf32>,
      %swap3A_1047 = arith.constant 0 : i32
      %swap3A_1048 = arith.index_cast %swap3A_1047 : i32 to index
      %swap3A_1049 = arith.constant 2352 : index
      %swap3A_1050 = tpu.vector_load %arg7[%swap3A_1048, %swap3A_1049] {strides = array<i32>} : memref<1x4096xf32, #tpu.memory_space<vmem>>, vector<16xf32>,
      tpu.vector_store %arg7[%swap3A_1048, %swap3A_1049], %gather3A_1046 {strides = array<i32>} : memref<1x4096xf32, #tpu.memory_space<vmem>>, vector<16xf32>,
      %get3A_1051 = arith.constant 2368 : index
      %get3A_1052 = tpu.vector_load %arg5[%get3A_1051] {strides = array<i32>} : memref<4096xi32, #tpu.memory_space<vmem>>, vector<16xi32>,
      %gather3A_1053 = tpu.vector_load_idx %arg6[%broadcast_in_dim3A_17, %get3A_1052] : memref<1x100000xf32, #tpu.memory_space<vmem>>[vector<16xi32>, vector<16xi32>], vector<16xf32>,
      %swap3A_1054 = arith.constant 0 : i32
      %swap3A_1055 = arith.index_cast %swap3A_1054 : i32 to index
      %swap3A_1056 = arith.constant 2368 : index
      %swap3A_1057 = tpu.vector_load %arg7[%swap3A_1055, %swap3A_1056] {strides = array<i32>} : memref<1x4096xf32, #tpu.memory_space<vmem>>, vector<16xf32>,
      tpu.vector_store %arg7[%swap3A_1055, %swap3A_1056], %gather3A_1053 {strides = array<i32>} : memref<1x4096xf32, #tpu.memory_space<vmem>>, vector<16xf32>,
      %get3A_1058 = arith.constant 2384 : index
      %get3A_1059 = tpu.vector_load %arg5[%get3A_1058] {strides = array<i32>} : memref<4096xi32, #tpu.memory_space<vmem>>, vector<16xi32>,
      %gather3A_1060 = tpu.vector_load_idx %arg6[%broadcast_in_dim3A_17, %get3A_1059] : memref<1x100000xf32, #tpu.memory_space<vmem>>[vector<16xi32>, vector<16xi32>], vector<16xf32>,
      %swap3A_1061 = arith.constant 0 : i32
      %swap3A_1062 = arith.index_cast %swap3A_1061 : i32 to index
      %swap3A_1063 = arith.constant 2384 : index
      %swap3A_1064 = tpu.vector_load %arg7[%swap3A_1062, %swap3A_1063] {strides = array<i32>} : memref<1x4096xf32, #tpu.memory_space<vmem>>, vector<16xf32>,
      tpu.vector_store %arg7[%swap3A_1062, %swap3A_1063], %gather3A_1060 {strides = array<i32>} : memref<1x4096xf32, #tpu.memory_space<vmem>>, vector<16xf32>,
      %get3A_1065 = arith.constant 2400 : index
      %get3A_1066 = tpu.vector_load %arg5[%get3A_1065] {strides = array<i32>} : memref<4096xi32, #tpu.memory_space<vmem>>, vector<16xi32>,
      %gather3A_1067 = tpu.vector_load_idx %arg6[%broadcast_in_dim3A_17, %get3A_1066] : memref<1x100000xf32, #tpu.memory_space<vmem>>[vector<16xi32>, vector<16xi32>], vector<16xf32>,
      %swap3A_1068 = arith.constant 0 : i32
      %swap3A_1069 = arith.index_cast %swap3A_1068 : i32 to index
      %swap3A_1070 = arith.constant 2400 : index
      %swap3A_1071 = tpu.vector_load %arg7[%swap3A_1069, %swap3A_1070] {strides = array<i32>} : memref<1x4096xf32, #tpu.memory_space<vmem>>, vector<16xf32>,
      tpu.vector_store %arg7[%swap3A_1069, %swap3A_1070], %gather3A_1067 {strides = array<i32>} : memref<1x4096xf32, #tpu.memory_space<vmem>>, vector<16xf32>,
      %get3A_1072 = arith.constant 2416 : index
      %get3A_1073 = tpu.vector_load %arg5[%get3A_1072] {strides = array<i32>} : memref<4096xi32, #tpu.memory_space<vmem>>, vector<16xi32>,
      %gather3A_1074 = tpu.vector_load_idx %arg6[%broadcast_in_dim3A_17, %get3A_1073] : memref<1x100000xf32, #tpu.memory_space<vmem>>[vector<16xi32>, vector<16xi32>], vector<16xf32>,
      %swap3A_1075 = arith.constant 0 : i32
      %swap3A_1076 = arith.index_cast %swap3A_1075 : i32 to index
      %swap3A_1077 = arith.constant 2416 : index
      %swap3A_1078 = tpu.vector_load %arg7[%swap3A_1076, %swap3A_1077] {strides = array<i32>} : memref<1x4096xf32, #tpu.memory_space<vmem>>, vector<16xf32>,
      tpu.vector_store %arg7[%swap3A_1076, %swap3A_1077], %gather3A_1074 {strides = array<i32>} : memref<1x4096xf32, #tpu.memory_space<vmem>>, vector<16xf32>,
      %get3A_1079 = arith.constant 2432 : index
      %get3A_1080 = tpu.vector_load %arg5[%get3A_1079] {strides = array<i32>} : memref<4096xi32, #tpu.memory_space<vmem>>, vector<16xi32>,
      %gather3A_1081 = tpu.vector_load_idx %arg6[%broadcast_in_dim3A_17, %get3A_1080] : memref<1x100000xf32, #tpu.memory_space<vmem>>[vector<16xi32>, vector<16xi32>], vector<16xf32>,
      %swap3A_1082 = arith.constant 0 : i32
      %swap3A_1083 = arith.index_cast %swap3A_1082 : i32 to index
      %swap3A_1084 = arith.constant 2432 : index
      %swap3A_1085 = tpu.vector_load %arg7[%swap3A_1083, %swap3A_1084] {strides = array<i32>} : memref<1x4096xf32, #tpu.memory_space<vmem>>, vector<16xf32>,
      tpu.vector_store %arg7[%swap3A_1083, %swap3A_1084], %gather3A_1081 {strides = array<i32>} : memref<1x4096xf32, #tpu.memory_space<vmem>>, vector<16xf32>,
      %get3A_1086 = arith.constant 2448 : index
      %get3A_1087 = tpu.vector_load %arg5[%get3A_1086] {strides = array<i32>} : memref<4096xi32, #tpu.memory_space<vmem>>, vector<16xi32>,
      %gather3A_1088 = tpu.vector_load_idx %arg6[%broadcast_in_dim3A_17, %get3A_1087] : memref<1x100000xf32, #tpu.memory_space<vmem>>[vector<16xi32>, vector<16xi32>], vector<16xf32>,
      %swap3A_1089 = arith.constant 0 : i32
      %swap3A_1090 = arith.index_cast %swap3A_1089 : i32 to index
      %swap3A_1091 = arith.constant 2448 : index
      %swap3A_1092 = tpu.vector_load %arg7[%swap3A_1090, %swap3A_1091] {strides = array<i32>} : memref<1x4096xf32, #tpu.memory_space<vmem>>, vector<16xf32>,
      tpu.vector_store %arg7[%swap3A_1090, %swap3A_1091], %gather3A_1088 {strides = array<i32>} : memref<1x4096xf32, #tpu.memory_space<vmem>>, vector<16xf32>,
      %get3A_1093 = arith.constant 2464 : index
      %get3A_1094 = tpu.vector_load %arg5[%get3A_1093] {strides = array<i32>} : memref<4096xi32, #tpu.memory_space<vmem>>, vector<16xi32>,
      %gather3A_1095 = tpu.vector_load_idx %arg6[%broadcast_in_dim3A_17, %get3A_1094] : memref<1x100000xf32, #tpu.memory_space<vmem>>[vector<16xi32>, vector<16xi32>], vector<16xf32>,
      %swap3A_1096 = arith.constant 0 : i32
      %swap3A_1097 = arith.index_cast %swap3A_1096 : i32 to index
      %swap3A_1098 = arith.constant 2464 : index
      %swap3A_1099 = tpu.vector_load %arg7[%swap3A_1097, %swap3A_1098] {strides = array<i32>} : memref<1x4096xf32, #tpu.memory_space<vmem>>, vector<16xf32>,
      tpu.vector_store %arg7[%swap3A_1097, %swap3A_1098], %gather3A_1095 {strides = array<i32>} : memref<1x4096xf32, #tpu.memory_space<vmem>>, vector<16xf32>,
      %get3A_1100 = arith.constant 2480 : index
      %get3A_1101 = tpu.vector_load %arg5[%get3A_1100] {strides = array<i32>} : memref<4096xi32, #tpu.memory_space<vmem>>, vector<16xi32>,
      %gather3A_1102 = tpu.vector_load_idx %arg6[%broadcast_in_dim3A_17, %get3A_1101] : memref<1x100000xf32, #tpu.memory_space<vmem>>[vector<16xi32>, vector<16xi32>], vector<16xf32>,
      %swap3A_1103 = arith.constant 0 : i32
      %swap3A_1104 = arith.index_cast %swap3A_1103 : i32 to index
      %swap3A_1105 = arith.constant 2480 : index
      %swap3A_1106 = tpu.vector_load %arg7[%swap3A_1104, %swap3A_1105] {strides = array<i32>} : memref<1x4096xf32, #tpu.memory_space<vmem>>, vector<16xf32>,
      tpu.vector_store %arg7[%swap3A_1104, %swap3A_1105], %gather3A_1102 {strides = array<i32>} : memref<1x4096xf32, #tpu.memory_space<vmem>>, vector<16xf32>,
      %get3A_1107 = arith.constant 2496 : index
      %get3A_1108 = tpu.vector_load %arg5[%get3A_1107] {strides = array<i32>} : memref<4096xi32, #tpu.memory_space<vmem>>, vector<16xi32>,
      %gather3A_1109 = tpu.vector_load_idx %arg6[%broadcast_in_dim3A_17, %get3A_1108] : memref<1x100000xf32, #tpu.memory_space<vmem>>[vector<16xi32>, vector<16xi32>], vector<16xf32>,
      %swap3A_1110 = arith.constant 0 : i32
      %swap3A_1111 = arith.index_cast %swap3A_1110 : i32 to index
      %swap3A_1112 = arith.constant 2496 : index
      %swap3A_1113 = tpu.vector_load %arg7[%swap3A_1111, %swap3A_1112] {strides = array<i32>} : memref<1x4096xf32, #tpu.memory_space<vmem>>, vector<16xf32>,
      tpu.vector_store %arg7[%swap3A_1111, %swap3A_1112], %gather3A_1109 {strides = array<i32>} : memref<1x4096xf32, #tpu.memory_space<vmem>>, vector<16xf32>,
      %get3A_1114 = arith.constant 2512 : index
      %get3A_1115 = tpu.vector_load %arg5[%get3A_1114] {strides = array<i32>} : memref<4096xi32, #tpu.memory_space<vmem>>, vector<16xi32>,
      %gather3A_1116 = tpu.vector_load_idx %arg6[%broadcast_in_dim3A_17, %get3A_1115] : memref<1x100000xf32, #tpu.memory_space<vmem>>[vector<16xi32>, vector<16xi32>], vector<16xf32>,
      %swap3A_1117 = arith.constant 0 : i32
      %swap3A_1118 = arith.index_cast %swap3A_1117 : i32 to index
      %swap3A_1119 = arith.constant 2512 : index
      %swap3A_1120 = tpu.vector_load %arg7[%swap3A_1118, %swap3A_1119] {strides = array<i32>} : memref<1x4096xf32, #tpu.memory_space<vmem>>, vector<16xf32>,
      tpu.vector_store %arg7[%swap3A_1118, %swap3A_1119], %gather3A_1116 {strides = array<i32>} : memref<1x4096xf32, #tpu.memory_space<vmem>>, vector<16xf32>,
      %get3A_1121 = arith.constant 2528 : index
      %get3A_1122 = tpu.vector_load %arg5[%get3A_1121] {strides = array<i32>} : memref<4096xi32, #tpu.memory_space<vmem>>, vector<16xi32>,
      %gather3A_1123 = tpu.vector_load_idx %arg6[%broadcast_in_dim3A_17, %get3A_1122] : memref<1x100000xf32, #tpu.memory_space<vmem>>[vector<16xi32>, vector<16xi32>], vector<16xf32>,
      %swap3A_1124 = arith.constant 0 : i32
      %swap3A_1125 = arith.index_cast %swap3A_1124 : i32 to index
      %swap3A_1126 = arith.constant 2528 : index
      %swap3A_1127 = tpu.vector_load %arg7[%swap3A_1125, %swap3A_1126] {strides = array<i32>} : memref<1x4096xf32, #tpu.memory_space<vmem>>, vector<16xf32>,
      tpu.vector_store %arg7[%swap3A_1125, %swap3A_1126], %gather3A_1123 {strides = array<i32>} : memref<1x4096xf32, #tpu.memory_space<vmem>>, vector<16xf32>,
      %get3A_1128 = arith.constant 2544 : index
      %get3A_1129 = tpu.vector_load %arg5[%get3A_1128] {strides = array<i32>} : memref<4096xi32, #tpu.memory_space<vmem>>, vector<16xi32>,
      %gather3A_1130 = tpu.vector_load_idx %arg6[%broadcast_in_dim3A_17, %get3A_1129] : memref<1x100000xf32, #tpu.memory_space<vmem>>[vector<16xi32>, vector<16xi32>], vector<16xf32>,
      %swap3A_1131 = arith.constant 0 : i32
      %swap3A_1132 = arith.index_cast %swap3A_1131 : i32 to index
      %swap3A_1133 = arith.constant 2544 : index
      %swap3A_1134 = tpu.vector_load %arg7[%swap3A_1132, %swap3A_1133] {strides = array<i32>} : memref<1x4096xf32, #tpu.memory_space<vmem>>, vector<16xf32>,
      tpu.vector_store %arg7[%swap3A_1132, %swap3A_1133], %gather3A_1130 {strides = array<i32>} : memref<1x4096xf32, #tpu.memory_space<vmem>>, vector<16xf32>,
      %get3A_1135 = arith.constant 2560 : index
      %get3A_1136 = tpu.vector_load %arg5[%get3A_1135] {strides = array<i32>} : memref<4096xi32, #tpu.memory_space<vmem>>, vector<16xi32>,
      %gather3A_1137 = tpu.vector_load_idx %arg6[%broadcast_in_dim3A_17, %get3A_1136] : memref<1x100000xf32, #tpu.memory_space<vmem>>[vector<16xi32>, vector<16xi32>], vector<16xf32>,
      %swap3A_1138 = arith.constant 0 : i32
      %swap3A_1139 = arith.index_cast %swap3A_1138 : i32 to index
      %swap3A_1140 = arith.constant 2560 : index
      %swap3A_1141 = tpu.vector_load %arg7[%swap3A_1139, %swap3A_1140] {strides = array<i32>} : memref<1x4096xf32, #tpu.memory_space<vmem>>, vector<16xf32>,
      tpu.vector_store %arg7[%swap3A_1139, %swap3A_1140], %gather3A_1137 {strides = array<i32>} : memref<1x4096xf32, #tpu.memory_space<vmem>>, vector<16xf32>,
      %get3A_1142 = arith.constant 2576 : index
      %get3A_1143 = tpu.vector_load %arg5[%get3A_1142] {strides = array<i32>} : memref<4096xi32, #tpu.memory_space<vmem>>, vector<16xi32>,
      %gather3A_1144 = tpu.vector_load_idx %arg6[%broadcast_in_dim3A_17, %get3A_1143] : memref<1x100000xf32, #tpu.memory_space<vmem>>[vector<16xi32>, vector<16xi32>], vector<16xf32>,
      %swap3A_1145 = arith.constant 0 : i32
      %swap3A_1146 = arith.index_cast %swap3A_1145 : i32 to index
      %swap3A_1147 = arith.constant 2576 : index
      %swap3A_1148 = tpu.vector_load %arg7[%swap3A_1146, %swap3A_1147] {strides = array<i32>} : memref<1x4096xf32, #tpu.memory_space<vmem>>, vector<16xf32>,
      tpu.vector_store %arg7[%swap3A_1146, %swap3A_1147], %gather3A_1144 {strides = array<i32>} : memref<1x4096xf32, #tpu.memory_space<vmem>>, vector<16xf32>,
      %get3A_1149 = arith.constant 2592 : index
      %get3A_1150 = tpu.vector_load %arg5[%get3A_1149] {strides = array<i32>} : memref<4096xi32, #tpu.memory_space<vmem>>, vector<16xi32>,
      %gather3A_1151 = tpu.vector_load_idx %arg6[%broadcast_in_dim3A_17, %get3A_1150] : memref<1x100000xf32, #tpu.memory_space<vmem>>[vector<16xi32>, vector<16xi32>], vector<16xf32>,
      %swap3A_1152 = arith.constant 0 : i32
      %swap3A_1153 = arith.index_cast %swap3A_1152 : i32 to index
      %swap3A_1154 = arith.constant 2592 : index
      %swap3A_1155 = tpu.vector_load %arg7[%swap3A_1153, %swap3A_1154] {strides = array<i32>} : memref<1x4096xf32, #tpu.memory_space<vmem>>, vector<16xf32>,
      tpu.vector_store %arg7[%swap3A_1153, %swap3A_1154], %gather3A_1151 {strides = array<i32>} : memref<1x4096xf32, #tpu.memory_space<vmem>>, vector<16xf32>,
      %get3A_1156 = arith.constant 2608 : index
      %get3A_1157 = tpu.vector_load %arg5[%get3A_1156] {strides = array<i32>} : memref<4096xi32, #tpu.memory_space<vmem>>, vector<16xi32>,
      %gather3A_1158 = tpu.vector_load_idx %arg6[%broadcast_in_dim3A_17, %get3A_1157] : memref<1x100000xf32, #tpu.memory_space<vmem>>[vector<16xi32>, vector<16xi32>], vector<16xf32>,
      %swap3A_1159 = arith.constant 0 : i32
      %swap3A_1160 = arith.index_cast %swap3A_1159 : i32 to index
      %swap3A_1161 = arith.constant 2608 : index
      %swap3A_1162 = tpu.vector_load %arg7[%swap3A_1160, %swap3A_1161] {strides = array<i32>} : memref<1x4096xf32, #tpu.memory_space<vmem>>, vector<16xf32>,
      tpu.vector_store %arg7[%swap3A_1160, %swap3A_1161], %gather3A_1158 {strides = array<i32>} : memref<1x4096xf32, #tpu.memory_space<vmem>>, vector<16xf32>,
      %get3A_1163 = arith.constant 2624 : index
      %get3A_1164 = tpu.vector_load %arg5[%get3A_1163] {strides = array<i32>} : memref<4096xi32, #tpu.memory_space<vmem>>, vector<16xi32>,
      %gather3A_1165 = tpu.vector_load_idx %arg6[%broadcast_in_dim3A_17, %get3A_1164] : memref<1x100000xf32, #tpu.memory_space<vmem>>[vector<16xi32>, vector<16xi32>], vector<16xf32>,
      %swap3A_1166 = arith.constant 0 : i32
      %swap3A_1167 = arith.index_cast %swap3A_1166 : i32 to index
      %swap3A_1168 = arith.constant 2624 : index
      %swap3A_1169 = tpu.vector_load %arg7[%swap3A_1167, %swap3A_1168] {strides = array<i32>} : memref<1x4096xf32, #tpu.memory_space<vmem>>, vector<16xf32>,
      tpu.vector_store %arg7[%swap3A_1167, %swap3A_1168], %gather3A_1165 {strides = array<i32>} : memref<1x4096xf32, #tpu.memory_space<vmem>>, vector<16xf32>,
      %get3A_1170 = arith.constant 2640 : index
      %get3A_1171 = tpu.vector_load %arg5[%get3A_1170] {strides = array<i32>} : memref<4096xi32, #tpu.memory_space<vmem>>, vector<16xi32>,
      %gather3A_1172 = tpu.vector_load_idx %arg6[%broadcast_in_dim3A_17, %get3A_1171] : memref<1x100000xf32, #tpu.memory_space<vmem>>[vector<16xi32>, vector<16xi32>], vector<16xf32>,
      %swap3A_1173 = arith.constant 0 : i32
      %swap3A_1174 = arith.index_cast %swap3A_1173 : i32 to index
      %swap3A_1175 = arith.constant 2640 : index
      %swap3A_1176 = tpu.vector_load %arg7[%swap3A_1174, %swap3A_1175] {strides = array<i32>} : memref<1x4096xf32, #tpu.memory_space<vmem>>, vector<16xf32>,
      tpu.vector_store %arg7[%swap3A_1174, %swap3A_1175], %gather3A_1172 {strides = array<i32>} : memref<1x4096xf32, #tpu.memory_space<vmem>>, vector<16xf32>,
      %get3A_1177 = arith.constant 2656 : index
      %get3A_1178 = tpu.vector_load %arg5[%get3A_1177] {strides = array<i32>} : memref<4096xi32, #tpu.memory_space<vmem>>, vector<16xi32>,
      %gather3A_1179 = tpu.vector_load_idx %arg6[%broadcast_in_dim3A_17, %get3A_1178] : memref<1x100000xf32, #tpu.memory_space<vmem>>[vector<16xi32>, vector<16xi32>], vector<16xf32>,
      %swap3A_1180 = arith.constant 0 : i32
      %swap3A_1181 = arith.index_cast %swap3A_1180 : i32 to index
      %swap3A_1182 = arith.constant 2656 : index
      %swap3A_1183 = tpu.vector_load %arg7[%swap3A_1181, %swap3A_1182] {strides = array<i32>} : memref<1x4096xf32, #tpu.memory_space<vmem>>, vector<16xf32>,
      tpu.vector_store %arg7[%swap3A_1181, %swap3A_1182], %gather3A_1179 {strides = array<i32>} : memref<1x4096xf32, #tpu.memory_space<vmem>>, vector<16xf32>,
      %get3A_1184 = arith.constant 2672 : index
      %get3A_1185 = tpu.vector_load %arg5[%get3A_1184] {strides = array<i32>} : memref<4096xi32, #tpu.memory_space<vmem>>, vector<16xi32>,
      %gather3A_1186 = tpu.vector_load_idx %arg6[%broadcast_in_dim3A_17, %get3A_1185] : memref<1x100000xf32, #tpu.memory_space<vmem>>[vector<16xi32>, vector<16xi32>], vector<16xf32>,
      %swap3A_1187 = arith.constant 0 : i32
      %swap3A_1188 = arith.index_cast %swap3A_1187 : i32 to index
      %swap3A_1189 = arith.constant 2672 : index
      %swap3A_1190 = tpu.vector_load %arg7[%swap3A_1188, %swap3A_1189] {strides = array<i32>} : memref<1x4096xf32, #tpu.memory_space<vmem>>, vector<16xf32>,
      tpu.vector_store %arg7[%swap3A_1188, %swap3A_1189], %gather3A_1186 {strides = array<i32>} : memref<1x4096xf32, #tpu.memory_space<vmem>>, vector<16xf32>,
      %get3A_1191 = arith.constant 2688 : index
      %get3A_1192 = tpu.vector_load %arg5[%get3A_1191] {strides = array<i32>} : memref<4096xi32, #tpu.memory_space<vmem>>, vector<16xi32>,
      %gather3A_1193 = tpu.vector_load_idx %arg6[%broadcast_in_dim3A_17, %get3A_1192] : memref<1x100000xf32, #tpu.memory_space<vmem>>[vector<16xi32>, vector<16xi32>], vector<16xf32>,
      %swap3A_1194 = arith.constant 0 : i32
      %swap3A_1195 = arith.index_cast %swap3A_1194 : i32 to index
      %swap3A_1196 = arith.constant 2688 : index
      %swap3A_1197 = tpu.vector_load %arg7[%swap3A_1195, %swap3A_1196] {strides = array<i32>} : memref<1x4096xf32, #tpu.memory_space<vmem>>, vector<16xf32>,
      tpu.vector_store %arg7[%swap3A_1195, %swap3A_1196], %gather3A_1193 {strides = array<i32>} : memref<1x4096xf32, #tpu.memory_space<vmem>>, vector<16xf32>,
      %get3A_1198 = arith.constant 2704 : index
      %get3A_1199 = tpu.vector_load %arg5[%get3A_1198] {strides = array<i32>} : memref<4096xi32, #tpu.memory_space<vmem>>, vector<16xi32>,
      %gather3A_1200 = tpu.vector_load_idx %arg6[%broadcast_in_dim3A_17, %get3A_1199] : memref<1x100000xf32, #tpu.memory_space<vmem>>[vector<16xi32>, vector<16xi32>], vector<16xf32>,
      %swap3A_1201 = arith.constant 0 : i32
      %swap3A_1202 = arith.index_cast %swap3A_1201 : i32 to index
      %swap3A_1203 = arith.constant 2704 : index
      %swap3A_1204 = tpu.vector_load %arg7[%swap3A_1202, %swap3A_1203] {strides = array<i32>} : memref<1x4096xf32, #tpu.memory_space<vmem>>, vector<16xf32>,
      tpu.vector_store %arg7[%swap3A_1202, %swap3A_1203], %gather3A_1200 {strides = array<i32>} : memref<1x4096xf32, #tpu.memory_space<vmem>>, vector<16xf32>,
      %get3A_1205 = arith.constant 2720 : index
      %get3A_1206 = tpu.vector_load %arg5[%get3A_1205] {strides = array<i32>} : memref<4096xi32, #tpu.memory_space<vmem>>, vector<16xi32>,
      %gather3A_1207 = tpu.vector_load_idx %arg6[%broadcast_in_dim3A_17, %get3A_1206] : memref<1x100000xf32, #tpu.memory_space<vmem>>[vector<16xi32>, vector<16xi32>], vector<16xf32>,
      %swap3A_1208 = arith.constant 0 : i32
      %swap3A_1209 = arith.index_cast %swap3A_1208 : i32 to index
      %swap3A_1210 = arith.constant 2720 : index
      %swap3A_1211 = tpu.vector_load %arg7[%swap3A_1209, %swap3A_1210] {strides = array<i32>} : memref<1x4096xf32, #tpu.memory_space<vmem>>, vector<16xf32>,
      tpu.vector_store %arg7[%swap3A_1209, %swap3A_1210], %gather3A_1207 {strides = array<i32>} : memref<1x4096xf32, #tpu.memory_space<vmem>>, vector<16xf32>,
      %get3A_1212 = arith.constant 2736 : index
      %get3A_1213 = tpu.vector_load %arg5[%get3A_1212] {strides = array<i32>} : memref<4096xi32, #tpu.memory_space<vmem>>, vector<16xi32>,
      %gather3A_1214 = tpu.vector_load_idx %arg6[%broadcast_in_dim3A_17, %get3A_1213] : memref<1x100000xf32, #tpu.memory_space<vmem>>[vector<16xi32>, vector<16xi32>], vector<16xf32>,
      %swap3A_1215 = arith.constant 0 : i32
      %swap3A_1216 = arith.index_cast %swap3A_1215 : i32 to index
      %swap3A_1217 = arith.constant 2736 : index
      %swap3A_1218 = tpu.vector_load %arg7[%swap3A_1216, %swap3A_1217] {strides = array<i32>} : memref<1x4096xf32, #tpu.memory_space<vmem>>, vector<16xf32>,
      tpu.vector_store %arg7[%swap3A_1216, %swap3A_1217], %gather3A_1214 {strides = array<i32>} : memref<1x4096xf32, #tpu.memory_space<vmem>>, vector<16xf32>,
      %get3A_1219 = arith.constant 2752 : index
      %get3A_1220 = tpu.vector_load %arg5[%get3A_1219] {strides = array<i32>} : memref<4096xi32, #tpu.memory_space<vmem>>, vector<16xi32>,
      %gather3A_1221 = tpu.vector_load_idx %arg6[%broadcast_in_dim3A_17, %get3A_1220] : memref<1x100000xf32, #tpu.memory_space<vmem>>[vector<16xi32>, vector<16xi32>], vector<16xf32>,
      %swap3A_1222 = arith.constant 0 : i32
      %swap3A_1223 = arith.index_cast %swap3A_1222 : i32 to index
      %swap3A_1224 = arith.constant 2752 : index
      %swap3A_1225 = tpu.vector_load %arg7[%swap3A_1223, %swap3A_1224] {strides = array<i32>} : memref<1x4096xf32, #tpu.memory_space<vmem>>, vector<16xf32>,
      tpu.vector_store %arg7[%swap3A_1223, %swap3A_1224], %gather3A_1221 {strides = array<i32>} : memref<1x4096xf32, #tpu.memory_space<vmem>>, vector<16xf32>,
      %get3A_1226 = arith.constant 2768 : index
      %get3A_1227 = tpu.vector_load %arg5[%get3A_1226] {strides = array<i32>} : memref<4096xi32, #tpu.memory_space<vmem>>, vector<16xi32>,
      %gather3A_1228 = tpu.vector_load_idx %arg6[%broadcast_in_dim3A_17, %get3A_1227] : memref<1x100000xf32, #tpu.memory_space<vmem>>[vector<16xi32>, vector<16xi32>], vector<16xf32>,
      %swap3A_1229 = arith.constant 0 : i32
      %swap3A_1230 = arith.index_cast %swap3A_1229 : i32 to index
      %swap3A_1231 = arith.constant 2768 : index
      %swap3A_1232 = tpu.vector_load %arg7[%swap3A_1230, %swap3A_1231] {strides = array<i32>} : memref<1x4096xf32, #tpu.memory_space<vmem>>, vector<16xf32>,
      tpu.vector_store %arg7[%swap3A_1230, %swap3A_1231], %gather3A_1228 {strides = array<i32>} : memref<1x4096xf32, #tpu.memory_space<vmem>>, vector<16xf32>,
      %get3A_1233 = arith.constant 2784 : index
      %get3A_1234 = tpu.vector_load %arg5[%get3A_1233] {strides = array<i32>} : memref<4096xi32, #tpu.memory_space<vmem>>, vector<16xi32>,
      %gather3A_1235 = tpu.vector_load_idx %arg6[%broadcast_in_dim3A_17, %get3A_1234] : memref<1x100000xf32, #tpu.memory_space<vmem>>[vector<16xi32>, vector<16xi32>], vector<16xf32>,
      %swap3A_1236 = arith.constant 0 : i32
      %swap3A_1237 = arith.index_cast %swap3A_1236 : i32 to index
      %swap3A_1238 = arith.constant 2784 : index
      %swap3A_1239 = tpu.vector_load %arg7[%swap3A_1237, %swap3A_1238] {strides = array<i32>} : memref<1x4096xf32, #tpu.memory_space<vmem>>, vector<16xf32>,
      tpu.vector_store %arg7[%swap3A_1237, %swap3A_1238], %gather3A_1235 {strides = array<i32>} : memref<1x4096xf32, #tpu.memory_space<vmem>>, vector<16xf32>,
      %get3A_1240 = arith.constant 2800 : index
      %get3A_1241 = tpu.vector_load %arg5[%get3A_1240] {strides = array<i32>} : memref<4096xi32, #tpu.memory_space<vmem>>, vector<16xi32>,
      %gather3A_1242 = tpu.vector_load_idx %arg6[%broadcast_in_dim3A_17, %get3A_1241] : memref<1x100000xf32, #tpu.memory_space<vmem>>[vector<16xi32>, vector<16xi32>], vector<16xf32>,
      %swap3A_1243 = arith.constant 0 : i32
      %swap3A_1244 = arith.index_cast %swap3A_1243 : i32 to index
      %swap3A_1245 = arith.constant 2800 : index
      %swap3A_1246 = tpu.vector_load %arg7[%swap3A_1244, %swap3A_1245] {strides = array<i32>} : memref<1x4096xf32, #tpu.memory_space<vmem>>, vector<16xf32>,
      tpu.vector_store %arg7[%swap3A_1244, %swap3A_1245], %gather3A_1242 {strides = array<i32>} : memref<1x4096xf32, #tpu.memory_space<vmem>>, vector<16xf32>,
      %get3A_1247 = arith.constant 2816 : index
      %get3A_1248 = tpu.vector_load %arg5[%get3A_1247] {strides = array<i32>} : memref<4096xi32, #tpu.memory_space<vmem>>, vector<16xi32>,
      %gather3A_1249 = tpu.vector_load_idx %arg6[%broadcast_in_dim3A_17, %get3A_1248] : memref<1x100000xf32, #tpu.memory_space<vmem>>[vector<16xi32>, vector<16xi32>], vector<16xf32>,
      %swap3A_1250 = arith.constant 0 : i32
      %swap3A_1251 = arith.index_cast %swap3A_1250 : i32 to index
      %swap3A_1252 = arith.constant 2816 : index
      %swap3A_1253 = tpu.vector_load %arg7[%swap3A_1251, %swap3A_1252] {strides = array<i32>} : memref<1x4096xf32, #tpu.memory_space<vmem>>, vector<16xf32>,
      tpu.vector_store %arg7[%swap3A_1251, %swap3A_1252], %gather3A_1249 {strides = array<i32>} : memref<1x4096xf32, #tpu.memory_space<vmem>>, vector<16xf32>,
      %get3A_1254 = arith.constant 2832 : index
      %get3A_1255 = tpu.vector_load %arg5[%get3A_1254] {strides = array<i32>} : memref<4096xi32, #tpu.memory_space<vmem>>, vector<16xi32>,
      %gather3A_1256 = tpu.vector_load_idx %arg6[%broadcast_in_dim3A_17, %get3A_1255] : memref<1x100000xf32, #tpu.memory_space<vmem>>[vector<16xi32>, vector<16xi32>], vector<16xf32>,
      %swap3A_1257 = arith.constant 0 : i32
      %swap3A_1258 = arith.index_cast %swap3A_1257 : i32 to index
      %swap3A_1259 = arith.constant 2832 : index
      %swap3A_1260 = tpu.vector_load %arg7[%swap3A_1258, %swap3A_1259] {strides = array<i32>} : memref<1x4096xf32, #tpu.memory_space<vmem>>, vector<16xf32>,
      tpu.vector_store %arg7[%swap3A_1258, %swap3A_1259], %gather3A_1256 {strides = array<i32>} : memref<1x4096xf32, #tpu.memory_space<vmem>>, vector<16xf32>,
      %get3A_1261 = arith.constant 2848 : index
      %get3A_1262 = tpu.vector_load %arg5[%get3A_1261] {strides = array<i32>} : memref<4096xi32, #tpu.memory_space<vmem>>, vector<16xi32>,
      %gather3A_1263 = tpu.vector_load_idx %arg6[%broadcast_in_dim3A_17, %get3A_1262] : memref<1x100000xf32, #tpu.memory_space<vmem>>[vector<16xi32>, vector<16xi32>], vector<16xf32>,
      %swap3A_1264 = arith.constant 0 : i32
      %swap3A_1265 = arith.index_cast %swap3A_1264 : i32 to index
      %swap3A_1266 = arith.constant 2848 : index
      %swap3A_1267 = tpu.vector_load %arg7[%swap3A_1265, %swap3A_1266] {strides = array<i32>} : memref<1x4096xf32, #tpu.memory_space<vmem>>, vector<16xf32>,
      tpu.vector_store %arg7[%swap3A_1265, %swap3A_1266], %gather3A_1263 {strides = array<i32>} : memref<1x4096xf32, #tpu.memory_space<vmem>>, vector<16xf32>,
      %get3A_1268 = arith.constant 2864 : index
      %get3A_1269 = tpu.vector_load %arg5[%get3A_1268] {strides = array<i32>} : memref<4096xi32, #tpu.memory_space<vmem>>, vector<16xi32>,
      %gather3A_1270 = tpu.vector_load_idx %arg6[%broadcast_in_dim3A_17, %get3A_1269] : memref<1x100000xf32, #tpu.memory_space<vmem>>[vector<16xi32>, vector<16xi32>], vector<16xf32>,
      %swap3A_1271 = arith.constant 0 : i32
      %swap3A_1272 = arith.index_cast %swap3A_1271 : i32 to index
      %swap3A_1273 = arith.constant 2864 : index
      %swap3A_1274 = tpu.vector_load %arg7[%swap3A_1272, %swap3A_1273] {strides = array<i32>} : memref<1x4096xf32, #tpu.memory_space<vmem>>, vector<16xf32>,
      tpu.vector_store %arg7[%swap3A_1272, %swap3A_1273], %gather3A_1270 {strides = array<i32>} : memref<1x4096xf32, #tpu.memory_space<vmem>>, vector<16xf32>,
      %get3A_1275 = arith.constant 2880 : index
      %get3A_1276 = tpu.vector_load %arg5[%get3A_1275] {strides = array<i32>} : memref<4096xi32, #tpu.memory_space<vmem>>, vector<16xi32>,
      %gather3A_1277 = tpu.vector_load_idx %arg6[%broadcast_in_dim3A_17, %get3A_1276] : memref<1x100000xf32, #tpu.memory_space<vmem>>[vector<16xi32>, vector<16xi32>], vector<16xf32>,
      %swap3A_1278 = arith.constant 0 : i32
      %swap3A_1279 = arith.index_cast %swap3A_1278 : i32 to index
      %swap3A_1280 = arith.constant 2880 : index
      %swap3A_1281 = tpu.vector_load %arg7[%swap3A_1279, %swap3A_1280] {strides = array<i32>} : memref<1x4096xf32, #tpu.memory_space<vmem>>, vector<16xf32>,
      tpu.vector_store %arg7[%swap3A_1279, %swap3A_1280], %gather3A_1277 {strides = array<i32>} : memref<1x4096xf32, #tpu.memory_space<vmem>>, vector<16xf32>,
      %get3A_1282 = arith.constant 2896 : index
      %get3A_1283 = tpu.vector_load %arg5[%get3A_1282] {strides = array<i32>} : memref<4096xi32, #tpu.memory_space<vmem>>, vector<16xi32>,
      %gather3A_1284 = tpu.vector_load_idx %arg6[%broadcast_in_dim3A_17, %get3A_1283] : memref<1x100000xf32, #tpu.memory_space<vmem>>[vector<16xi32>, vector<16xi32>], vector<16xf32>,
      %swap3A_1285 = arith.constant 0 : i32
      %swap3A_1286 = arith.index_cast %swap3A_1285 : i32 to index
      %swap3A_1287 = arith.constant 2896 : index
      %swap3A_1288 = tpu.vector_load %arg7[%swap3A_1286, %swap3A_1287] {strides = array<i32>} : memref<1x4096xf32, #tpu.memory_space<vmem>>, vector<16xf32>,
      tpu.vector_store %arg7[%swap3A_1286, %swap3A_1287], %gather3A_1284 {strides = array<i32>} : memref<1x4096xf32, #tpu.memory_space<vmem>>, vector<16xf32>,
      %get3A_1289 = arith.constant 2912 : index
      %get3A_1290 = tpu.vector_load %arg5[%get3A_1289] {strides = array<i32>} : memref<4096xi32, #tpu.memory_space<vmem>>, vector<16xi32>,
      %gather3A_1291 = tpu.vector_load_idx %arg6[%broadcast_in_dim3A_17, %get3A_1290] : memref<1x100000xf32, #tpu.memory_space<vmem>>[vector<16xi32>, vector<16xi32>], vector<16xf32>,
      %swap3A_1292 = arith.constant 0 : i32
      %swap3A_1293 = arith.index_cast %swap3A_1292 : i32 to index
      %swap3A_1294 = arith.constant 2912 : index
      %swap3A_1295 = tpu.vector_load %arg7[%swap3A_1293, %swap3A_1294] {strides = array<i32>} : memref<1x4096xf32, #tpu.memory_space<vmem>>, vector<16xf32>,
      tpu.vector_store %arg7[%swap3A_1293, %swap3A_1294], %gather3A_1291 {strides = array<i32>} : memref<1x4096xf32, #tpu.memory_space<vmem>>, vector<16xf32>,
      %get3A_1296 = arith.constant 2928 : index
      %get3A_1297 = tpu.vector_load %arg5[%get3A_1296] {strides = array<i32>} : memref<4096xi32, #tpu.memory_space<vmem>>, vector<16xi32>,
      %gather3A_1298 = tpu.vector_load_idx %arg6[%broadcast_in_dim3A_17, %get3A_1297] : memref<1x100000xf32, #tpu.memory_space<vmem>>[vector<16xi32>, vector<16xi32>], vector<16xf32>,
      %swap3A_1299 = arith.constant 0 : i32
      %swap3A_1300 = arith.index_cast %swap3A_1299 : i32 to index
      %swap3A_1301 = arith.constant 2928 : index
      %swap3A_1302 = tpu.vector_load %arg7[%swap3A_1300, %swap3A_1301] {strides = array<i32>} : memref<1x4096xf32, #tpu.memory_space<vmem>>, vector<16xf32>,
      tpu.vector_store %arg7[%swap3A_1300, %swap3A_1301], %gather3A_1298 {strides = array<i32>} : memref<1x4096xf32, #tpu.memory_space<vmem>>, vector<16xf32>,
      %get3A_1303 = arith.constant 2944 : index
      %get3A_1304 = tpu.vector_load %arg5[%get3A_1303] {strides = array<i32>} : memref<4096xi32, #tpu.memory_space<vmem>>, vector<16xi32>,
      %gather3A_1305 = tpu.vector_load_idx %arg6[%broadcast_in_dim3A_17, %get3A_1304] : memref<1x100000xf32, #tpu.memory_space<vmem>>[vector<16xi32>, vector<16xi32>], vector<16xf32>,
      %swap3A_1306 = arith.constant 0 : i32
      %swap3A_1307 = arith.index_cast %swap3A_1306 : i32 to index
      %swap3A_1308 = arith.constant 2944 : index
      %swap3A_1309 = tpu.vector_load %arg7[%swap3A_1307, %swap3A_1308] {strides = array<i32>} : memref<1x4096xf32, #tpu.memory_space<vmem>>, vector<16xf32>,
      tpu.vector_store %arg7[%swap3A_1307, %swap3A_1308], %gather3A_1305 {strides = array<i32>} : memref<1x4096xf32, #tpu.memory_space<vmem>>, vector<16xf32>,
      %get3A_1310 = arith.constant 2960 : index
      %get3A_1311 = tpu.vector_load %arg5[%get3A_1310] {strides = array<i32>} : memref<4096xi32, #tpu.memory_space<vmem>>, vector<16xi32>,
      %gather3A_1312 = tpu.vector_load_idx %arg6[%broadcast_in_dim3A_17, %get3A_1311] : memref<1x100000xf32, #tpu.memory_space<vmem>>[vector<16xi32>, vector<16xi32>], vector<16xf32>,
      %swap3A_1313 = arith.constant 0 : i32
      %swap3A_1314 = arith.index_cast %swap3A_1313 : i32 to index
      %swap3A_1315 = arith.constant 2960 : index
      %swap3A_1316 = tpu.vector_load %arg7[%swap3A_1314, %swap3A_1315] {strides = array<i32>} : memref<1x4096xf32, #tpu.memory_space<vmem>>, vector<16xf32>,
      tpu.vector_store %arg7[%swap3A_1314, %swap3A_1315], %gather3A_1312 {strides = array<i32>} : memref<1x4096xf32, #tpu.memory_space<vmem>>, vector<16xf32>,
      %get3A_1317 = arith.constant 2976 : index
      %get3A_1318 = tpu.vector_load %arg5[%get3A_1317] {strides = array<i32>} : memref<4096xi32, #tpu.memory_space<vmem>>, vector<16xi32>,
      %gather3A_1319 = tpu.vector_load_idx %arg6[%broadcast_in_dim3A_17, %get3A_1318] : memref<1x100000xf32, #tpu.memory_space<vmem>>[vector<16xi32>, vector<16xi32>], vector<16xf32>,
      %swap3A_1320 = arith.constant 0 : i32
      %swap3A_1321 = arith.index_cast %swap3A_1320 : i32 to index
      %swap3A_1322 = arith.constant 2976 : index
      %swap3A_1323 = tpu.vector_load %arg7[%swap3A_1321, %swap3A_1322] {strides = array<i32>} : memref<1x4096xf32, #tpu.memory_space<vmem>>, vector<16xf32>,
      tpu.vector_store %arg7[%swap3A_1321, %swap3A_1322], %gather3A_1319 {strides = array<i32>} : memref<1x4096xf32, #tpu.memory_space<vmem>>, vector<16xf32>,
      %get3A_1324 = arith.constant 2992 : index
      %get3A_1325 = tpu.vector_load %arg5[%get3A_1324] {strides = array<i32>} : memref<4096xi32, #tpu.memory_space<vmem>>, vector<16xi32>,
      %gather3A_1326 = tpu.vector_load_idx %arg6[%broadcast_in_dim3A_17, %get3A_1325] : memref<1x100000xf32, #tpu.memory_space<vmem>>[vector<16xi32>, vector<16xi32>], vector<16xf32>,
      %swap3A_1327 = arith.constant 0 : i32
      %swap3A_1328 = arith.index_cast %swap3A_1327 : i32 to index
      %swap3A_1329 = arith.constant 2992 : index
      %swap3A_1330 = tpu.vector_load %arg7[%swap3A_1328, %swap3A_1329] {strides = array<i32>} : memref<1x4096xf32, #tpu.memory_space<vmem>>, vector<16xf32>,
      tpu.vector_store %arg7[%swap3A_1328, %swap3A_1329], %gather3A_1326 {strides = array<i32>} : memref<1x4096xf32, #tpu.memory_space<vmem>>, vector<16xf32>,
      %get3A_1331 = arith.constant 3008 : index
      %get3A_1332 = tpu.vector_load %arg5[%get3A_1331] {strides = array<i32>} : memref<4096xi32, #tpu.memory_space<vmem>>, vector<16xi32>,
      %gather3A_1333 = tpu.vector_load_idx %arg6[%broadcast_in_dim3A_17, %get3A_1332] : memref<1x100000xf32, #tpu.memory_space<vmem>>[vector<16xi32>, vector<16xi32>], vector<16xf32>,
      %swap3A_1334 = arith.constant 0 : i32
      %swap3A_1335 = arith.index_cast %swap3A_1334 : i32 to index
      %swap3A_1336 = arith.constant 3008 : index
      %swap3A_1337 = tpu.vector_load %arg7[%swap3A_1335, %swap3A_1336] {strides = array<i32>} : memref<1x4096xf32, #tpu.memory_space<vmem>>, vector<16xf32>,
      tpu.vector_store %arg7[%swap3A_1335, %swap3A_1336], %gather3A_1333 {strides = array<i32>} : memref<1x4096xf32, #tpu.memory_space<vmem>>, vector<16xf32>,
      %get3A_1338 = arith.constant 3024 : index
      %get3A_1339 = tpu.vector_load %arg5[%get3A_1338] {strides = array<i32>} : memref<4096xi32, #tpu.memory_space<vmem>>, vector<16xi32>,
      %gather3A_1340 = tpu.vector_load_idx %arg6[%broadcast_in_dim3A_17, %get3A_1339] : memref<1x100000xf32, #tpu.memory_space<vmem>>[vector<16xi32>, vector<16xi32>], vector<16xf32>,
      %swap3A_1341 = arith.constant 0 : i32
      %swap3A_1342 = arith.index_cast %swap3A_1341 : i32 to index
      %swap3A_1343 = arith.constant 3024 : index
      %swap3A_1344 = tpu.vector_load %arg7[%swap3A_1342, %swap3A_1343] {strides = array<i32>} : memref<1x4096xf32, #tpu.memory_space<vmem>>, vector<16xf32>,
      tpu.vector_store %arg7[%swap3A_1342, %swap3A_1343], %gather3A_1340 {strides = array<i32>} : memref<1x4096xf32, #tpu.memory_space<vmem>>, vector<16xf32>,
      %get3A_1345 = arith.constant 3040 : index
      %get3A_1346 = tpu.vector_load %arg5[%get3A_1345] {strides = array<i32>} : memref<4096xi32, #tpu.memory_space<vmem>>, vector<16xi32>,
      %gather3A_1347 = tpu.vector_load_idx %arg6[%broadcast_in_dim3A_17, %get3A_1346] : memref<1x100000xf32, #tpu.memory_space<vmem>>[vector<16xi32>, vector<16xi32>], vector<16xf32>,
      %swap3A_1348 = arith.constant 0 : i32
      %swap3A_1349 = arith.index_cast %swap3A_1348 : i32 to index
      %swap3A_1350 = arith.constant 3040 : index
      %swap3A_1351 = tpu.vector_load %arg7[%swap3A_1349, %swap3A_1350] {strides = array<i32>} : memref<1x4096xf32, #tpu.memory_space<vmem>>, vector<16xf32>,
      tpu.vector_store %arg7[%swap3A_1349, %swap3A_1350], %gather3A_1347 {strides = array<i32>} : memref<1x4096xf32, #tpu.memory_space<vmem>>, vector<16xf32>,
      %get3A_1352 = arith.constant 3056 : index
      %get3A_1353 = tpu.vector_load %arg5[%get3A_1352] {strides = array<i32>} : memref<4096xi32, #tpu.memory_space<vmem>>, vector<16xi32>,
      %gather3A_1354 = tpu.vector_load_idx %arg6[%broadcast_in_dim3A_17, %get3A_1353] : memref<1x100000xf32, #tpu.memory_space<vmem>>[vector<16xi32>, vector<16xi32>], vector<16xf32>,
      %swap3A_1355 = arith.constant 0 : i32
      %swap3A_1356 = arith.index_cast %swap3A_1355 : i32 to index
      %swap3A_1357 = arith.constant 3056 : index
      %swap3A_1358 = tpu.vector_load %arg7[%swap3A_1356, %swap3A_1357] {strides = array<i32>} : memref<1x4096xf32, #tpu.memory_space<vmem>>, vector<16xf32>,
      tpu.vector_store %arg7[%swap3A_1356, %swap3A_1357], %gather3A_1354 {strides = array<i32>} : memref<1x4096xf32, #tpu.memory_space<vmem>>, vector<16xf32>,
      %get3A_1359 = arith.constant 3072 : index
      %get3A_1360 = tpu.vector_load %arg5[%get3A_1359] {strides = array<i32>} : memref<4096xi32, #tpu.memory_space<vmem>>, vector<16xi32>,
      %gather3A_1361 = tpu.vector_load_idx %arg6[%broadcast_in_dim3A_17, %get3A_1360] : memref<1x100000xf32, #tpu.memory_space<vmem>>[vector<16xi32>, vector<16xi32>], vector<16xf32>,
      %swap3A_1362 = arith.constant 0 : i32
      %swap3A_1363 = arith.index_cast %swap3A_1362 : i32 to index
      %swap3A_1364 = arith.constant 3072 : index
      %swap3A_1365 = tpu.vector_load %arg7[%swap3A_1363, %swap3A_1364] {strides = array<i32>} : memref<1x4096xf32, #tpu.memory_space<vmem>>, vector<16xf32>,
      tpu.vector_store %arg7[%swap3A_1363, %swap3A_1364], %gather3A_1361 {strides = array<i32>} : memref<1x4096xf32, #tpu.memory_space<vmem>>, vector<16xf32>,
      %get3A_1366 = arith.constant 3088 : index
      %get3A_1367 = tpu.vector_load %arg5[%get3A_1366] {strides = array<i32>} : memref<4096xi32, #tpu.memory_space<vmem>>, vector<16xi32>,
      %gather3A_1368 = tpu.vector_load_idx %arg6[%broadcast_in_dim3A_17, %get3A_1367] : memref<1x100000xf32, #tpu.memory_space<vmem>>[vector<16xi32>, vector<16xi32>], vector<16xf32>,
      %swap3A_1369 = arith.constant 0 : i32
      %swap3A_1370 = arith.index_cast %swap3A_1369 : i32 to index
      %swap3A_1371 = arith.constant 3088 : index
      %swap3A_1372 = tpu.vector_load %arg7[%swap3A_1370, %swap3A_1371] {strides = array<i32>} : memref<1x4096xf32, #tpu.memory_space<vmem>>, vector<16xf32>,
      tpu.vector_store %arg7[%swap3A_1370, %swap3A_1371], %gather3A_1368 {strides = array<i32>} : memref<1x4096xf32, #tpu.memory_space<vmem>>, vector<16xf32>,
      %get3A_1373 = arith.constant 3104 : index
      %get3A_1374 = tpu.vector_load %arg5[%get3A_1373] {strides = array<i32>} : memref<4096xi32, #tpu.memory_space<vmem>>, vector<16xi32>,
      %gather3A_1375 = tpu.vector_load_idx %arg6[%broadcast_in_dim3A_17, %get3A_1374] : memref<1x100000xf32, #tpu.memory_space<vmem>>[vector<16xi32>, vector<16xi32>], vector<16xf32>,
      %swap3A_1376 = arith.constant 0 : i32
      %swap3A_1377 = arith.index_cast %swap3A_1376 : i32 to index
      %swap3A_1378 = arith.constant 3104 : index
      %swap3A_1379 = tpu.vector_load %arg7[%swap3A_1377, %swap3A_1378] {strides = array<i32>} : memref<1x4096xf32, #tpu.memory_space<vmem>>, vector<16xf32>,
      tpu.vector_store %arg7[%swap3A_1377, %swap3A_1378], %gather3A_1375 {strides = array<i32>} : memref<1x4096xf32, #tpu.memory_space<vmem>>, vector<16xf32>,
      %get3A_1380 = arith.constant 3120 : index
      %get3A_1381 = tpu.vector_load %arg5[%get3A_1380] {strides = array<i32>} : memref<4096xi32, #tpu.memory_space<vmem>>, vector<16xi32>,
      %gather3A_1382 = tpu.vector_load_idx %arg6[%broadcast_in_dim3A_17, %get3A_1381] : memref<1x100000xf32, #tpu.memory_space<vmem>>[vector<16xi32>, vector<16xi32>], vector<16xf32>,
      %swap3A_1383 = arith.constant 0 : i32
      %swap3A_1384 = arith.index_cast %swap3A_1383 : i32 to index
      %swap3A_1385 = arith.constant 3120 : index
      %swap3A_1386 = tpu.vector_load %arg7[%swap3A_1384, %swap3A_1385] {strides = array<i32>} : memref<1x4096xf32, #tpu.memory_space<vmem>>, vector<16xf32>,
      tpu.vector_store %arg7[%swap3A_1384, %swap3A_1385], %gather3A_1382 {strides = array<i32>} : memref<1x4096xf32, #tpu.memory_space<vmem>>, vector<16xf32>,
      %get3A_1387 = arith.constant 3136 : index
      %get3A_1388 = tpu.vector_load %arg5[%get3A_1387] {strides = array<i32>} : memref<4096xi32, #tpu.memory_space<vmem>>, vector<16xi32>,
      %gather3A_1389 = tpu.vector_load_idx %arg6[%broadcast_in_dim3A_17, %get3A_1388] : memref<1x100000xf32, #tpu.memory_space<vmem>>[vector<16xi32>, vector<16xi32>], vector<16xf32>,
      %swap3A_1390 = arith.constant 0 : i32
      %swap3A_1391 = arith.index_cast %swap3A_1390 : i32 to index
      %swap3A_1392 = arith.constant 3136 : index
      %swap3A_1393 = tpu.vector_load %arg7[%swap3A_1391, %swap3A_1392] {strides = array<i32>} : memref<1x4096xf32, #tpu.memory_space<vmem>>, vector<16xf32>,
      tpu.vector_store %arg7[%swap3A_1391, %swap3A_1392], %gather3A_1389 {strides = array<i32>} : memref<1x4096xf32, #tpu.memory_space<vmem>>, vector<16xf32>,
      %get3A_1394 = arith.constant 3152 : index
      %get3A_1395 = tpu.vector_load %arg5[%get3A_1394] {strides = array<i32>} : memref<4096xi32, #tpu.memory_space<vmem>>, vector<16xi32>,
      %gather3A_1396 = tpu.vector_load_idx %arg6[%broadcast_in_dim3A_17, %get3A_1395] : memref<1x100000xf32, #tpu.memory_space<vmem>>[vector<16xi32>, vector<16xi32>], vector<16xf32>,
      %swap3A_1397 = arith.constant 0 : i32
      %swap3A_1398 = arith.index_cast %swap3A_1397 : i32 to index
      %swap3A_1399 = arith.constant 3152 : index
      %swap3A_1400 = tpu.vector_load %arg7[%swap3A_1398, %swap3A_1399] {strides = array<i32>} : memref<1x4096xf32, #tpu.memory_space<vmem>>, vector<16xf32>,
      tpu.vector_store %arg7[%swap3A_1398, %swap3A_1399], %gather3A_1396 {strides = array<i32>} : memref<1x4096xf32, #tpu.memory_space<vmem>>, vector<16xf32>,
      %get3A_1401 = arith.constant 3168 : index
      %get3A_1402 = tpu.vector_load %arg5[%get3A_1401] {strides = array<i32>} : memref<4096xi32, #tpu.memory_space<vmem>>, vector<16xi32>,
      %gather3A_1403 = tpu.vector_load_idx %arg6[%broadcast_in_dim3A_17, %get3A_1402] : memref<1x100000xf32, #tpu.memory_space<vmem>>[vector<16xi32>, vector<16xi32>], vector<16xf32>,
      %swap3A_1404 = arith.constant 0 : i32
      %swap3A_1405 = arith.index_cast %swap3A_1404 : i32 to index
      %swap3A_1406 = arith.constant 3168 : index
      %swap3A_1407 = tpu.vector_load %arg7[%swap3A_1405, %swap3A_1406] {strides = array<i32>} : memref<1x4096xf32, #tpu.memory_space<vmem>>, vector<16xf32>,
      tpu.vector_store %arg7[%swap3A_1405, %swap3A_1406], %gather3A_1403 {strides = array<i32>} : memref<1x4096xf32, #tpu.memory_space<vmem>>, vector<16xf32>,
      %get3A_1408 = arith.constant 3184 : index
      %get3A_1409 = tpu.vector_load %arg5[%get3A_1408] {strides = array<i32>} : memref<4096xi32, #tpu.memory_space<vmem>>, vector<16xi32>,
      %gather3A_1410 = tpu.vector_load_idx %arg6[%broadcast_in_dim3A_17, %get3A_1409] : memref<1x100000xf32, #tpu.memory_space<vmem>>[vector<16xi32>, vector<16xi32>], vector<16xf32>,
      %swap3A_1411 = arith.constant 0 : i32
      %swap3A_1412 = arith.index_cast %swap3A_1411 : i32 to index
      %swap3A_1413 = arith.constant 3184 : index
      %swap3A_1414 = tpu.vector_load %arg7[%swap3A_1412, %swap3A_1413] {strides = array<i32>} : memref<1x4096xf32, #tpu.memory_space<vmem>>, vector<16xf32>,
      tpu.vector_store %arg7[%swap3A_1412, %swap3A_1413], %gather3A_1410 {strides = array<i32>} : memref<1x4096xf32, #tpu.memory_space<vmem>>, vector<16xf32>,
      %get3A_1415 = arith.constant 3200 : index
      %get3A_1416 = tpu.vector_load %arg5[%get3A_1415] {strides = array<i32>} : memref<4096xi32, #tpu.memory_space<vmem>>, vector<16xi32>,
      %gather3A_1417 = tpu.vector_load_idx %arg6[%broadcast_in_dim3A_17, %get3A_1416] : memref<1x100000xf32, #tpu.memory_space<vmem>>[vector<16xi32>, vector<16xi32>], vector<16xf32>,
      %swap3A_1418 = arith.constant 0 : i32
      %swap3A_1419 = arith.index_cast %swap3A_1418 : i32 to index
      %swap3A_1420 = arith.constant 3200 : index
      %swap3A_1421 = tpu.vector_load %arg7[%swap3A_1419, %swap3A_1420] {strides = array<i32>} : memref<1x4096xf32, #tpu.memory_space<vmem>>, vector<16xf32>,
      tpu.vector_store %arg7[%swap3A_1419, %swap3A_1420], %gather3A_1417 {strides = array<i32>} : memref<1x4096xf32, #tpu.memory_space<vmem>>, vector<16xf32>,
      %get3A_1422 = arith.constant 3216 : index
      %get3A_1423 = tpu.vector_load %arg5[%get3A_1422] {strides = array<i32>} : memref<4096xi32, #tpu.memory_space<vmem>>, vector<16xi32>,
      %gather3A_1424 = tpu.vector_load_idx %arg6[%broadcast_in_dim3A_17, %get3A_1423] : memref<1x100000xf32, #tpu.memory_space<vmem>>[vector<16xi32>, vector<16xi32>], vector<16xf32>,
      %swap3A_1425 = arith.constant 0 : i32
      %swap3A_1426 = arith.index_cast %swap3A_1425 : i32 to index
      %swap3A_1427 = arith.constant 3216 : index
      %swap3A_1428 = tpu.vector_load %arg7[%swap3A_1426, %swap3A_1427] {strides = array<i32>} : memref<1x4096xf32, #tpu.memory_space<vmem>>, vector<16xf32>,
      tpu.vector_store %arg7[%swap3A_1426, %swap3A_1427], %gather3A_1424 {strides = array<i32>} : memref<1x4096xf32, #tpu.memory_space<vmem>>, vector<16xf32>,
      %get3A_1429 = arith.constant 3232 : index
      %get3A_1430 = tpu.vector_load %arg5[%get3A_1429] {strides = array<i32>} : memref<4096xi32, #tpu.memory_space<vmem>>, vector<16xi32>,
      %gather3A_1431 = tpu.vector_load_idx %arg6[%broadcast_in_dim3A_17, %get3A_1430] : memref<1x100000xf32, #tpu.memory_space<vmem>>[vector<16xi32>, vector<16xi32>], vector<16xf32>,
      %swap3A_1432 = arith.constant 0 : i32
      %swap3A_1433 = arith.index_cast %swap3A_1432 : i32 to index
      %swap3A_1434 = arith.constant 3232 : index
      %swap3A_1435 = tpu.vector_load %arg7[%swap3A_1433, %swap3A_1434] {strides = array<i32>} : memref<1x4096xf32, #tpu.memory_space<vmem>>, vector<16xf32>,
      tpu.vector_store %arg7[%swap3A_1433, %swap3A_1434], %gather3A_1431 {strides = array<i32>} : memref<1x4096xf32, #tpu.memory_space<vmem>>, vector<16xf32>,
      %get3A_1436 = arith.constant 3248 : index
      %get3A_1437 = tpu.vector_load %arg5[%get3A_1436] {strides = array<i32>} : memref<4096xi32, #tpu.memory_space<vmem>>, vector<16xi32>,
      %gather3A_1438 = tpu.vector_load_idx %arg6[%broadcast_in_dim3A_17, %get3A_1437] : memref<1x100000xf32, #tpu.memory_space<vmem>>[vector<16xi32>, vector<16xi32>], vector<16xf32>,
      %swap3A_1439 = arith.constant 0 : i32
      %swap3A_1440 = arith.index_cast %swap3A_1439 : i32 to index
      %swap3A_1441 = arith.constant 3248 : index
      %swap3A_1442 = tpu.vector_load %arg7[%swap3A_1440, %swap3A_1441] {strides = array<i32>} : memref<1x4096xf32, #tpu.memory_space<vmem>>, vector<16xf32>,
      tpu.vector_store %arg7[%swap3A_1440, %swap3A_1441], %gather3A_1438 {strides = array<i32>} : memref<1x4096xf32, #tpu.memory_space<vmem>>, vector<16xf32>,
      %get3A_1443 = arith.constant 3264 : index
      %get3A_1444 = tpu.vector_load %arg5[%get3A_1443] {strides = array<i32>} : memref<4096xi32, #tpu.memory_space<vmem>>, vector<16xi32>,
      %gather3A_1445 = tpu.vector_load_idx %arg6[%broadcast_in_dim3A_17, %get3A_1444] : memref<1x100000xf32, #tpu.memory_space<vmem>>[vector<16xi32>, vector<16xi32>], vector<16xf32>,
      %swap3A_1446 = arith.constant 0 : i32
      %swap3A_1447 = arith.index_cast %swap3A_1446 : i32 to index
      %swap3A_1448 = arith.constant 3264 : index
      %swap3A_1449 = tpu.vector_load %arg7[%swap3A_1447, %swap3A_1448] {strides = array<i32>} : memref<1x4096xf32, #tpu.memory_space<vmem>>, vector<16xf32>,
      tpu.vector_store %arg7[%swap3A_1447, %swap3A_1448], %gather3A_1445 {strides = array<i32>} : memref<1x4096xf32, #tpu.memory_space<vmem>>, vector<16xf32>,
      %get3A_1450 = arith.constant 3280 : index
      %get3A_1451 = tpu.vector_load %arg5[%get3A_1450] {strides = array<i32>} : memref<4096xi32, #tpu.memory_space<vmem>>, vector<16xi32>,
      %gather3A_1452 = tpu.vector_load_idx %arg6[%broadcast_in_dim3A_17, %get3A_1451] : memref<1x100000xf32, #tpu.memory_space<vmem>>[vector<16xi32>, vector<16xi32>], vector<16xf32>,
      %swap3A_1453 = arith.constant 0 : i32
      %swap3A_1454 = arith.index_cast %swap3A_1453 : i32 to index
      %swap3A_1455 = arith.constant 3280 : index
      %swap3A_1456 = tpu.vector_load %arg7[%swap3A_1454, %swap3A_1455] {strides = array<i32>} : memref<1x4096xf32, #tpu.memory_space<vmem>>, vector<16xf32>,
      tpu.vector_store %arg7[%swap3A_1454, %swap3A_1455], %gather3A_1452 {strides = array<i32>} : memref<1x4096xf32, #tpu.memory_space<vmem>>, vector<16xf32>,
      %get3A_1457 = arith.constant 3296 : index
      %get3A_1458 = tpu.vector_load %arg5[%get3A_1457] {strides = array<i32>} : memref<4096xi32, #tpu.memory_space<vmem>>, vector<16xi32>,
      %gather3A_1459 = tpu.vector_load_idx %arg6[%broadcast_in_dim3A_17, %get3A_1458] : memref<1x100000xf32, #tpu.memory_space<vmem>>[vector<16xi32>, vector<16xi32>], vector<16xf32>,
      %swap3A_1460 = arith.constant 0 : i32
      %swap3A_1461 = arith.index_cast %swap3A_1460 : i32 to index
      %swap3A_1462 = arith.constant 3296 : index
      %swap3A_1463 = tpu.vector_load %arg7[%swap3A_1461, %swap3A_1462] {strides = array<i32>} : memref<1x4096xf32, #tpu.memory_space<vmem>>, vector<16xf32>,
      tpu.vector_store %arg7[%swap3A_1461, %swap3A_1462], %gather3A_1459 {strides = array<i32>} : memref<1x4096xf32, #tpu.memory_space<vmem>>, vector<16xf32>,
      %get3A_1464 = arith.constant 3312 : index
      %get3A_1465 = tpu.vector_load %arg5[%get3A_1464] {strides = array<i32>} : memref<4096xi32, #tpu.memory_space<vmem>>, vector<16xi32>,
      %gather3A_1466 = tpu.vector_load_idx %arg6[%broadcast_in_dim3A_17, %get3A_1465] : memref<1x100000xf32, #tpu.memory_space<vmem>>[vector<16xi32>, vector<16xi32>], vector<16xf32>,
      %swap3A_1467 = arith.constant 0 : i32
      %swap3A_1468 = arith.index_cast %swap3A_1467 : i32 to index
      %swap3A_1469 = arith.constant 3312 : index
      %swap3A_1470 = tpu.vector_load %arg7[%swap3A_1468, %swap3A_1469] {strides = array<i32>} : memref<1x4096xf32, #tpu.memory_space<vmem>>, vector<16xf32>,
      tpu.vector_store %arg7[%swap3A_1468, %swap3A_1469], %gather3A_1466 {strides = array<i32>} : memref<1x4096xf32, #tpu.memory_space<vmem>>, vector<16xf32>,
      %get3A_1471 = arith.constant 3328 : index
      %get3A_1472 = tpu.vector_load %arg5[%get3A_1471] {strides = array<i32>} : memref<4096xi32, #tpu.memory_space<vmem>>, vector<16xi32>,
      %gather3A_1473 = tpu.vector_load_idx %arg6[%broadcast_in_dim3A_17, %get3A_1472] : memref<1x100000xf32, #tpu.memory_space<vmem>>[vector<16xi32>, vector<16xi32>], vector<16xf32>,
      %swap3A_1474 = arith.constant 0 : i32
      %swap3A_1475 = arith.index_cast %swap3A_1474 : i32 to index
      %swap3A_1476 = arith.constant 3328 : index
      %swap3A_1477 = tpu.vector_load %arg7[%swap3A_1475, %swap3A_1476] {strides = array<i32>} : memref<1x4096xf32, #tpu.memory_space<vmem>>, vector<16xf32>,
      tpu.vector_store %arg7[%swap3A_1475, %swap3A_1476], %gather3A_1473 {strides = array<i32>} : memref<1x4096xf32, #tpu.memory_space<vmem>>, vector<16xf32>,
      %get3A_1478 = arith.constant 3344 : index
      %get3A_1479 = tpu.vector_load %arg5[%get3A_1478] {strides = array<i32>} : memref<4096xi32, #tpu.memory_space<vmem>>, vector<16xi32>,
      %gather3A_1480 = tpu.vector_load_idx %arg6[%broadcast_in_dim3A_17, %get3A_1479] : memref<1x100000xf32, #tpu.memory_space<vmem>>[vector<16xi32>, vector<16xi32>], vector<16xf32>,
      %swap3A_1481 = arith.constant 0 : i32
      %swap3A_1482 = arith.index_cast %swap3A_1481 : i32 to index
      %swap3A_1483 = arith.constant 3344 : index
      %swap3A_1484 = tpu.vector_load %arg7[%swap3A_1482, %swap3A_1483] {strides = array<i32>} : memref<1x4096xf32, #tpu.memory_space<vmem>>, vector<16xf32>,
      tpu.vector_store %arg7[%swap3A_1482, %swap3A_1483], %gather3A_1480 {strides = array<i32>} : memref<1x4096xf32, #tpu.memory_space<vmem>>, vector<16xf32>,
      %get3A_1485 = arith.constant 3360 : index
      %get3A_1486 = tpu.vector_load %arg5[%get3A_1485] {strides = array<i32>} : memref<4096xi32, #tpu.memory_space<vmem>>, vector<16xi32>,
      %gather3A_1487 = tpu.vector_load_idx %arg6[%broadcast_in_dim3A_17, %get3A_1486] : memref<1x100000xf32, #tpu.memory_space<vmem>>[vector<16xi32>, vector<16xi32>], vector<16xf32>,
      %swap3A_1488 = arith.constant 0 : i32
      %swap3A_1489 = arith.index_cast %swap3A_1488 : i32 to index
      %swap3A_1490 = arith.constant 3360 : index
      %swap3A_1491 = tpu.vector_load %arg7[%swap3A_1489, %swap3A_1490] {strides = array<i32>} : memref<1x4096xf32, #tpu.memory_space<vmem>>, vector<16xf32>,
      tpu.vector_store %arg7[%swap3A_1489, %swap3A_1490], %gather3A_1487 {strides = array<i32>} : memref<1x4096xf32, #tpu.memory_space<vmem>>, vector<16xf32>,
      %get3A_1492 = arith.constant 3376 : index
      %get3A_1493 = tpu.vector_load %arg5[%get3A_1492] {strides = array<i32>} : memref<4096xi32, #tpu.memory_space<vmem>>, vector<16xi32>,
      %gather3A_1494 = tpu.vector_load_idx %arg6[%broadcast_in_dim3A_17, %get3A_1493] : memref<1x100000xf32, #tpu.memory_space<vmem>>[vector<16xi32>, vector<16xi32>], vector<16xf32>,
      %swap3A_1495 = arith.constant 0 : i32
      %swap3A_1496 = arith.index_cast %swap3A_1495 : i32 to index
      %swap3A_1497 = arith.constant 3376 : index
      %swap3A_1498 = tpu.vector_load %arg7[%swap3A_1496, %swap3A_1497] {strides = array<i32>} : memref<1x4096xf32, #tpu.memory_space<vmem>>, vector<16xf32>,
      tpu.vector_store %arg7[%swap3A_1496, %swap3A_1497], %gather3A_1494 {strides = array<i32>} : memref<1x4096xf32, #tpu.memory_space<vmem>>, vector<16xf32>,
      %get3A_1499 = arith.constant 3392 : index
      %get3A_1500 = tpu.vector_load %arg5[%get3A_1499] {strides = array<i32>} : memref<4096xi32, #tpu.memory_space<vmem>>, vector<16xi32>,
      %gather3A_1501 = tpu.vector_load_idx %arg6[%broadcast_in_dim3A_17, %get3A_1500] : memref<1x100000xf32, #tpu.memory_space<vmem>>[vector<16xi32>, vector<16xi32>], vector<16xf32>,
      %swap3A_1502 = arith.constant 0 : i32
      %swap3A_1503 = arith.index_cast %swap3A_1502 : i32 to index
      %swap3A_1504 = arith.constant 3392 : index
      %swap3A_1505 = tpu.vector_load %arg7[%swap3A_1503, %swap3A_1504] {strides = array<i32>} : memref<1x4096xf32, #tpu.memory_space<vmem>>, vector<16xf32>,
      tpu.vector_store %arg7[%swap3A_1503, %swap3A_1504], %gather3A_1501 {strides = array<i32>} : memref<1x4096xf32, #tpu.memory_space<vmem>>, vector<16xf32>,
      %get3A_1506 = arith.constant 3408 : index
      %get3A_1507 = tpu.vector_load %arg5[%get3A_1506] {strides = array<i32>} : memref<4096xi32, #tpu.memory_space<vmem>>, vector<16xi32>,
      %gather3A_1508 = tpu.vector_load_idx %arg6[%broadcast_in_dim3A_17, %get3A_1507] : memref<1x100000xf32, #tpu.memory_space<vmem>>[vector<16xi32>, vector<16xi32>], vector<16xf32>,
      %swap3A_1509 = arith.constant 0 : i32
      %swap3A_1510 = arith.index_cast %swap3A_1509 : i32 to index
      %swap3A_1511 = arith.constant 3408 : index
      %swap3A_1512 = tpu.vector_load %arg7[%swap3A_1510, %swap3A_1511] {strides = array<i32>} : memref<1x4096xf32, #tpu.memory_space<vmem>>, vector<16xf32>,
      tpu.vector_store %arg7[%swap3A_1510, %swap3A_1511], %gather3A_1508 {strides = array<i32>} : memref<1x4096xf32, #tpu.memory_space<vmem>>, vector<16xf32>,
      %get3A_1513 = arith.constant 3424 : index
      %get3A_1514 = tpu.vector_load %arg5[%get3A_1513] {strides = array<i32>} : memref<4096xi32, #tpu.memory_space<vmem>>, vector<16xi32>,
      %gather3A_1515 = tpu.vector_load_idx %arg6[%broadcast_in_dim3A_17, %get3A_1514] : memref<1x100000xf32, #tpu.memory_space<vmem>>[vector<16xi32>, vector<16xi32>], vector<16xf32>,
      %swap3A_1516 = arith.constant 0 : i32
      %swap3A_1517 = arith.index_cast %swap3A_1516 : i32 to index
      %swap3A_1518 = arith.constant 3424 : index
      %swap3A_1519 = tpu.vector_load %arg7[%swap3A_1517, %swap3A_1518] {strides = array<i32>} : memref<1x4096xf32, #tpu.memory_space<vmem>>, vector<16xf32>,
      tpu.vector_store %arg7[%swap3A_1517, %swap3A_1518], %gather3A_1515 {strides = array<i32>} : memref<1x4096xf32, #tpu.memory_space<vmem>>, vector<16xf32>,
      %get3A_1520 = arith.constant 3440 : index
      %get3A_1521 = tpu.vector_load %arg5[%get3A_1520] {strides = array<i32>} : memref<4096xi32, #tpu.memory_space<vmem>>, vector<16xi32>,
      %gather3A_1522 = tpu.vector_load_idx %arg6[%broadcast_in_dim3A_17, %get3A_1521] : memref<1x100000xf32, #tpu.memory_space<vmem>>[vector<16xi32>, vector<16xi32>], vector<16xf32>,
      %swap3A_1523 = arith.constant 0 : i32
      %swap3A_1524 = arith.index_cast %swap3A_1523 : i32 to index
      %swap3A_1525 = arith.constant 3440 : index
      %swap3A_1526 = tpu.vector_load %arg7[%swap3A_1524, %swap3A_1525] {strides = array<i32>} : memref<1x4096xf32, #tpu.memory_space<vmem>>, vector<16xf32>,
      tpu.vector_store %arg7[%swap3A_1524, %swap3A_1525], %gather3A_1522 {strides = array<i32>} : memref<1x4096xf32, #tpu.memory_space<vmem>>, vector<16xf32>,
      %get3A_1527 = arith.constant 3456 : index
      %get3A_1528 = tpu.vector_load %arg5[%get3A_1527] {strides = array<i32>} : memref<4096xi32, #tpu.memory_space<vmem>>, vector<16xi32>,
      %gather3A_1529 = tpu.vector_load_idx %arg6[%broadcast_in_dim3A_17, %get3A_1528] : memref<1x100000xf32, #tpu.memory_space<vmem>>[vector<16xi32>, vector<16xi32>], vector<16xf32>,
      %swap3A_1530 = arith.constant 0 : i32
      %swap3A_1531 = arith.index_cast %swap3A_1530 : i32 to index
      %swap3A_1532 = arith.constant 3456 : index
      %swap3A_1533 = tpu.vector_load %arg7[%swap3A_1531, %swap3A_1532] {strides = array<i32>} : memref<1x4096xf32, #tpu.memory_space<vmem>>, vector<16xf32>,
      tpu.vector_store %arg7[%swap3A_1531, %swap3A_1532], %gather3A_1529 {strides = array<i32>} : memref<1x4096xf32, #tpu.memory_space<vmem>>, vector<16xf32>,
      %get3A_1534 = arith.constant 3472 : index
      %get3A_1535 = tpu.vector_load %arg5[%get3A_1534] {strides = array<i32>} : memref<4096xi32, #tpu.memory_space<vmem>>, vector<16xi32>,
      %gather3A_1536 = tpu.vector_load_idx %arg6[%broadcast_in_dim3A_17, %get3A_1535] : memref<1x100000xf32, #tpu.memory_space<vmem>>[vector<16xi32>, vector<16xi32>], vector<16xf32>,
      %swap3A_1537 = arith.constant 0 : i32
      %swap3A_1538 = arith.index_cast %swap3A_1537 : i32 to index
      %swap3A_1539 = arith.constant 3472 : index
      %swap3A_1540 = tpu.vector_load %arg7[%swap3A_1538, %swap3A_1539] {strides = array<i32>} : memref<1x4096xf32, #tpu.memory_space<vmem>>, vector<16xf32>,
      tpu.vector_store %arg7[%swap3A_1538, %swap3A_1539], %gather3A_1536 {strides = array<i32>} : memref<1x4096xf32, #tpu.memory_space<vmem>>, vector<16xf32>,
      %get3A_1541 = arith.constant 3488 : index
      %get3A_1542 = tpu.vector_load %arg5[%get3A_1541] {strides = array<i32>} : memref<4096xi32, #tpu.memory_space<vmem>>, vector<16xi32>,
      %gather3A_1543 = tpu.vector_load_idx %arg6[%broadcast_in_dim3A_17, %get3A_1542] : memref<1x100000xf32, #tpu.memory_space<vmem>>[vector<16xi32>, vector<16xi32>], vector<16xf32>,
      %swap3A_1544 = arith.constant 0 : i32
      %swap3A_1545 = arith.index_cast %swap3A_1544 : i32 to index
      %swap3A_1546 = arith.constant 3488 : index
      %swap3A_1547 = tpu.vector_load %arg7[%swap3A_1545, %swap3A_1546] {strides = array<i32>} : memref<1x4096xf32, #tpu.memory_space<vmem>>, vector<16xf32>,
      tpu.vector_store %arg7[%swap3A_1545, %swap3A_1546], %gather3A_1543 {strides = array<i32>} : memref<1x4096xf32, #tpu.memory_space<vmem>>, vector<16xf32>,
      %get3A_1548 = arith.constant 3504 : index
      %get3A_1549 = tpu.vector_load %arg5[%get3A_1548] {strides = array<i32>} : memref<4096xi32, #tpu.memory_space<vmem>>, vector<16xi32>,
      %gather3A_1550 = tpu.vector_load_idx %arg6[%broadcast_in_dim3A_17, %get3A_1549] : memref<1x100000xf32, #tpu.memory_space<vmem>>[vector<16xi32>, vector<16xi32>], vector<16xf32>,
      %swap3A_1551 = arith.constant 0 : i32
      %swap3A_1552 = arith.index_cast %swap3A_1551 : i32 to index
      %swap3A_1553 = arith.constant 3504 : index
      %swap3A_1554 = tpu.vector_load %arg7[%swap3A_1552, %swap3A_1553] {strides = array<i32>} : memref<1x4096xf32, #tpu.memory_space<vmem>>, vector<16xf32>,
      tpu.vector_store %arg7[%swap3A_1552, %swap3A_1553], %gather3A_1550 {strides = array<i32>} : memref<1x4096xf32, #tpu.memory_space<vmem>>, vector<16xf32>,
      %get3A_1555 = arith.constant 3520 : index
      %get3A_1556 = tpu.vector_load %arg5[%get3A_1555] {strides = array<i32>} : memref<4096xi32, #tpu.memory_space<vmem>>, vector<16xi32>,
      %gather3A_1557 = tpu.vector_load_idx %arg6[%broadcast_in_dim3A_17, %get3A_1556] : memref<1x100000xf32, #tpu.memory_space<vmem>>[vector<16xi32>, vector<16xi32>], vector<16xf32>,
      %swap3A_1558 = arith.constant 0 : i32
      %swap3A_1559 = arith.index_cast %swap3A_1558 : i32 to index
      %swap3A_1560 = arith.constant 3520 : index
      %swap3A_1561 = tpu.vector_load %arg7[%swap3A_1559, %swap3A_1560] {strides = array<i32>} : memref<1x4096xf32, #tpu.memory_space<vmem>>, vector<16xf32>,
      tpu.vector_store %arg7[%swap3A_1559, %swap3A_1560], %gather3A_1557 {strides = array<i32>} : memref<1x4096xf32, #tpu.memory_space<vmem>>, vector<16xf32>,
      %get3A_1562 = arith.constant 3536 : index
      %get3A_1563 = tpu.vector_load %arg5[%get3A_1562] {strides = array<i32>} : memref<4096xi32, #tpu.memory_space<vmem>>, vector<16xi32>,
      %gather3A_1564 = tpu.vector_load_idx %arg6[%broadcast_in_dim3A_17, %get3A_1563] : memref<1x100000xf32, #tpu.memory_space<vmem>>[vector<16xi32>, vector<16xi32>], vector<16xf32>,
      %swap3A_1565 = arith.constant 0 : i32
      %swap3A_1566 = arith.index_cast %swap3A_1565 : i32 to index
      %swap3A_1567 = arith.constant 3536 : index
      %swap3A_1568 = tpu.vector_load %arg7[%swap3A_1566, %swap3A_1567] {strides = array<i32>} : memref<1x4096xf32, #tpu.memory_space<vmem>>, vector<16xf32>,
      tpu.vector_store %arg7[%swap3A_1566, %swap3A_1567], %gather3A_1564 {strides = array<i32>} : memref<1x4096xf32, #tpu.memory_space<vmem>>, vector<16xf32>,
      %get3A_1569 = arith.constant 3552 : index
      %get3A_1570 = tpu.vector_load %arg5[%get3A_1569] {strides = array<i32>} : memref<4096xi32, #tpu.memory_space<vmem>>, vector<16xi32>,
      %gather3A_1571 = tpu.vector_load_idx %arg6[%broadcast_in_dim3A_17, %get3A_1570] : memref<1x100000xf32, #tpu.memory_space<vmem>>[vector<16xi32>, vector<16xi32>], vector<16xf32>,
      %swap3A_1572 = arith.constant 0 : i32
      %swap3A_1573 = arith.index_cast %swap3A_1572 : i32 to index
      %swap3A_1574 = arith.constant 3552 : index
      %swap3A_1575 = tpu.vector_load %arg7[%swap3A_1573, %swap3A_1574] {strides = array<i32>} : memref<1x4096xf32, #tpu.memory_space<vmem>>, vector<16xf32>,
      tpu.vector_store %arg7[%swap3A_1573, %swap3A_1574], %gather3A_1571 {strides = array<i32>} : memref<1x4096xf32, #tpu.memory_space<vmem>>, vector<16xf32>,
      %get3A_1576 = arith.constant 3568 : index
      %get3A_1577 = tpu.vector_load %arg5[%get3A_1576] {strides = array<i32>} : memref<4096xi32, #tpu.memory_space<vmem>>, vector<16xi32>,
      %gather3A_1578 = tpu.vector_load_idx %arg6[%broadcast_in_dim3A_17, %get3A_1577] : memref<1x100000xf32, #tpu.memory_space<vmem>>[vector<16xi32>, vector<16xi32>], vector<16xf32>,
      %swap3A_1579 = arith.constant 0 : i32
      %swap3A_1580 = arith.index_cast %swap3A_1579 : i32 to index
      %swap3A_1581 = arith.constant 3568 : index
      %swap3A_1582 = tpu.vector_load %arg7[%swap3A_1580, %swap3A_1581] {strides = array<i32>} : memref<1x4096xf32, #tpu.memory_space<vmem>>, vector<16xf32>,
      tpu.vector_store %arg7[%swap3A_1580, %swap3A_1581], %gather3A_1578 {strides = array<i32>} : memref<1x4096xf32, #tpu.memory_space<vmem>>, vector<16xf32>,
      %get3A_1583 = arith.constant 3584 : index
      %get3A_1584 = tpu.vector_load %arg5[%get3A_1583] {strides = array<i32>} : memref<4096xi32, #tpu.memory_space<vmem>>, vector<16xi32>,
      %gather3A_1585 = tpu.vector_load_idx %arg6[%broadcast_in_dim3A_17, %get3A_1584] : memref<1x100000xf32, #tpu.memory_space<vmem>>[vector<16xi32>, vector<16xi32>], vector<16xf32>,
      %swap3A_1586 = arith.constant 0 : i32
      %swap3A_1587 = arith.index_cast %swap3A_1586 : i32 to index
      %swap3A_1588 = arith.constant 3584 : index
      %swap3A_1589 = tpu.vector_load %arg7[%swap3A_1587, %swap3A_1588] {strides = array<i32>} : memref<1x4096xf32, #tpu.memory_space<vmem>>, vector<16xf32>,
      tpu.vector_store %arg7[%swap3A_1587, %swap3A_1588], %gather3A_1585 {strides = array<i32>} : memref<1x4096xf32, #tpu.memory_space<vmem>>, vector<16xf32>,
      %get3A_1590 = arith.constant 3600 : index
      %get3A_1591 = tpu.vector_load %arg5[%get3A_1590] {strides = array<i32>} : memref<4096xi32, #tpu.memory_space<vmem>>, vector<16xi32>,
      %gather3A_1592 = tpu.vector_load_idx %arg6[%broadcast_in_dim3A_17, %get3A_1591] : memref<1x100000xf32, #tpu.memory_space<vmem>>[vector<16xi32>, vector<16xi32>], vector<16xf32>,
      %swap3A_1593 = arith.constant 0 : i32
      %swap3A_1594 = arith.index_cast %swap3A_1593 : i32 to index
      %swap3A_1595 = arith.constant 3600 : index
      %swap3A_1596 = tpu.vector_load %arg7[%swap3A_1594, %swap3A_1595] {strides = array<i32>} : memref<1x4096xf32, #tpu.memory_space<vmem>>, vector<16xf32>,
      tpu.vector_store %arg7[%swap3A_1594, %swap3A_1595], %gather3A_1592 {strides = array<i32>} : memref<1x4096xf32, #tpu.memory_space<vmem>>, vector<16xf32>,
      %get3A_1597 = arith.constant 3616 : index
      %get3A_1598 = tpu.vector_load %arg5[%get3A_1597] {strides = array<i32>} : memref<4096xi32, #tpu.memory_space<vmem>>, vector<16xi32>,
      %gather3A_1599 = tpu.vector_load_idx %arg6[%broadcast_in_dim3A_17, %get3A_1598] : memref<1x100000xf32, #tpu.memory_space<vmem>>[vector<16xi32>, vector<16xi32>], vector<16xf32>,
      %swap3A_1600 = arith.constant 0 : i32
      %swap3A_1601 = arith.index_cast %swap3A_1600 : i32 to index
      %swap3A_1602 = arith.constant 3616 : index
      %swap3A_1603 = tpu.vector_load %arg7[%swap3A_1601, %swap3A_1602] {strides = array<i32>} : memref<1x4096xf32, #tpu.memory_space<vmem>>, vector<16xf32>,
      tpu.vector_store %arg7[%swap3A_1601, %swap3A_1602], %gather3A_1599 {strides = array<i32>} : memref<1x4096xf32, #tpu.memory_space<vmem>>, vector<16xf32>,
      %get3A_1604 = arith.constant 3632 : index
      %get3A_1605 = tpu.vector_load %arg5[%get3A_1604] {strides = array<i32>} : memref<4096xi32, #tpu.memory_space<vmem>>, vector<16xi32>,
      %gather3A_1606 = tpu.vector_load_idx %arg6[%broadcast_in_dim3A_17, %get3A_1605] : memref<1x100000xf32, #tpu.memory_space<vmem>>[vector<16xi32>, vector<16xi32>], vector<16xf32>,
      %swap3A_1607 = arith.constant 0 : i32
      %swap3A_1608 = arith.index_cast %swap3A_1607 : i32 to index
      %swap3A_1609 = arith.constant 3632 : index
      %swap3A_1610 = tpu.vector_load %arg7[%swap3A_1608, %swap3A_1609] {strides = array<i32>} : memref<1x4096xf32, #tpu.memory_space<vmem>>, vector<16xf32>,
      tpu.vector_store %arg7[%swap3A_1608, %swap3A_1609], %gather3A_1606 {strides = array<i32>} : memref<1x4096xf32, #tpu.memory_space<vmem>>, vector<16xf32>,
      %get3A_1611 = arith.constant 3648 : index
      %get3A_1612 = tpu.vector_load %arg5[%get3A_1611] {strides = array<i32>} : memref<4096xi32, #tpu.memory_space<vmem>>, vector<16xi32>,
      %gather3A_1613 = tpu.vector_load_idx %arg6[%broadcast_in_dim3A_17, %get3A_1612] : memref<1x100000xf32, #tpu.memory_space<vmem>>[vector<16xi32>, vector<16xi32>], vector<16xf32>,
      %swap3A_1614 = arith.constant 0 : i32
      %swap3A_1615 = arith.index_cast %swap3A_1614 : i32 to index
      %swap3A_1616 = arith.constant 3648 : index
      %swap3A_1617 = tpu.vector_load %arg7[%swap3A_1615, %swap3A_1616] {strides = array<i32>} : memref<1x4096xf32, #tpu.memory_space<vmem>>, vector<16xf32>,
      tpu.vector_store %arg7[%swap3A_1615, %swap3A_1616], %gather3A_1613 {strides = array<i32>} : memref<1x4096xf32, #tpu.memory_space<vmem>>, vector<16xf32>,
      %get3A_1618 = arith.constant 3664 : index
      %get3A_1619 = tpu.vector_load %arg5[%get3A_1618] {strides = array<i32>} : memref<4096xi32, #tpu.memory_space<vmem>>, vector<16xi32>,
      %gather3A_1620 = tpu.vector_load_idx %arg6[%broadcast_in_dim3A_17, %get3A_1619] : memref<1x100000xf32, #tpu.memory_space<vmem>>[vector<16xi32>, vector<16xi32>], vector<16xf32>,
      %swap3A_1621 = arith.constant 0 : i32
      %swap3A_1622 = arith.index_cast %swap3A_1621 : i32 to index
      %swap3A_1623 = arith.constant 3664 : index
      %swap3A_1624 = tpu.vector_load %arg7[%swap3A_1622, %swap3A_1623] {strides = array<i32>} : memref<1x4096xf32, #tpu.memory_space<vmem>>, vector<16xf32>,
      tpu.vector_store %arg7[%swap3A_1622, %swap3A_1623], %gather3A_1620 {strides = array<i32>} : memref<1x4096xf32, #tpu.memory_space<vmem>>, vector<16xf32>,
      %get3A_1625 = arith.constant 3680 : index
      %get3A_1626 = tpu.vector_load %arg5[%get3A_1625] {strides = array<i32>} : memref<4096xi32, #tpu.memory_space<vmem>>, vector<16xi32>,
      %gather3A_1627 = tpu.vector_load_idx %arg6[%broadcast_in_dim3A_17, %get3A_1626] : memref<1x100000xf32, #tpu.memory_space<vmem>>[vector<16xi32>, vector<16xi32>], vector<16xf32>,
      %swap3A_1628 = arith.constant 0 : i32
      %swap3A_1629 = arith.index_cast %swap3A_1628 : i32 to index
      %swap3A_1630 = arith.constant 3680 : index
      %swap3A_1631 = tpu.vector_load %arg7[%swap3A_1629, %swap3A_1630] {strides = array<i32>} : memref<1x4096xf32, #tpu.memory_space<vmem>>, vector<16xf32>,
      tpu.vector_store %arg7[%swap3A_1629, %swap3A_1630], %gather3A_1627 {strides = array<i32>} : memref<1x4096xf32, #tpu.memory_space<vmem>>, vector<16xf32>,
      %get3A_1632 = arith.constant 3696 : index
      %get3A_1633 = tpu.vector_load %arg5[%get3A_1632] {strides = array<i32>} : memref<4096xi32, #tpu.memory_space<vmem>>, vector<16xi32>,
      %gather3A_1634 = tpu.vector_load_idx %arg6[%broadcast_in_dim3A_17, %get3A_1633] : memref<1x100000xf32, #tpu.memory_space<vmem>>[vector<16xi32>, vector<16xi32>], vector<16xf32>,
      %swap3A_1635 = arith.constant 0 : i32
      %swap3A_1636 = arith.index_cast %swap3A_1635 : i32 to index
      %swap3A_1637 = arith.constant 3696 : index
      %swap3A_1638 = tpu.vector_load %arg7[%swap3A_1636, %swap3A_1637] {strides = array<i32>} : memref<1x4096xf32, #tpu.memory_space<vmem>>, vector<16xf32>,
      tpu.vector_store %arg7[%swap3A_1636, %swap3A_1637], %gather3A_1634 {strides = array<i32>} : memref<1x4096xf32, #tpu.memory_space<vmem>>, vector<16xf32>,
      %get3A_1639 = arith.constant 3712 : index
      %get3A_1640 = tpu.vector_load %arg5[%get3A_1639] {strides = array<i32>} : memref<4096xi32, #tpu.memory_space<vmem>>, vector<16xi32>,
      %gather3A_1641 = tpu.vector_load_idx %arg6[%broadcast_in_dim3A_17, %get3A_1640] : memref<1x100000xf32, #tpu.memory_space<vmem>>[vector<16xi32>, vector<16xi32>], vector<16xf32>,
      %swap3A_1642 = arith.constant 0 : i32
      %swap3A_1643 = arith.index_cast %swap3A_1642 : i32 to index
      %swap3A_1644 = arith.constant 3712 : index
      %swap3A_1645 = tpu.vector_load %arg7[%swap3A_1643, %swap3A_1644] {strides = array<i32>} : memref<1x4096xf32, #tpu.memory_space<vmem>>, vector<16xf32>,
      tpu.vector_store %arg7[%swap3A_1643, %swap3A_1644], %gather3A_1641 {strides = array<i32>} : memref<1x4096xf32, #tpu.memory_space<vmem>>, vector<16xf32>,
      %get3A_1646 = arith.constant 3728 : index
      %get3A_1647 = tpu.vector_load %arg5[%get3A_1646] {strides = array<i32>} : memref<4096xi32, #tpu.memory_space<vmem>>, vector<16xi32>,
      %gather3A_1648 = tpu.vector_load_idx %arg6[%broadcast_in_dim3A_17, %get3A_1647] : memref<1x100000xf32, #tpu.memory_space<vmem>>[vector<16xi32>, vector<16xi32>], vector<16xf32>,
      %swap3A_1649 = arith.constant 0 : i32
      %swap3A_1650 = arith.index_cast %swap3A_1649 : i32 to index
      %swap3A_1651 = arith.constant 3728 : index
      %swap3A_1652 = tpu.vector_load %arg7[%swap3A_1650, %swap3A_1651] {strides = array<i32>} : memref<1x4096xf32, #tpu.memory_space<vmem>>, vector<16xf32>,
      tpu.vector_store %arg7[%swap3A_1650, %swap3A_1651], %gather3A_1648 {strides = array<i32>} : memref<1x4096xf32, #tpu.memory_space<vmem>>, vector<16xf32>,
      %get3A_1653 = arith.constant 3744 : index
      %get3A_1654 = tpu.vector_load %arg5[%get3A_1653] {strides = array<i32>} : memref<4096xi32, #tpu.memory_space<vmem>>, vector<16xi32>,
      %gather3A_1655 = tpu.vector_load_idx %arg6[%broadcast_in_dim3A_17, %get3A_1654] : memref<1x100000xf32, #tpu.memory_space<vmem>>[vector<16xi32>, vector<16xi32>], vector<16xf32>,
      %swap3A_1656 = arith.constant 0 : i32
      %swap3A_1657 = arith.index_cast %swap3A_1656 : i32 to index
      %swap3A_1658 = arith.constant 3744 : index
      %swap3A_1659 = tpu.vector_load %arg7[%swap3A_1657, %swap3A_1658] {strides = array<i32>} : memref<1x4096xf32, #tpu.memory_space<vmem>>, vector<16xf32>,
      tpu.vector_store %arg7[%swap3A_1657, %swap3A_1658], %gather3A_1655 {strides = array<i32>} : memref<1x4096xf32, #tpu.memory_space<vmem>>, vector<16xf32>,
      %get3A_1660 = arith.constant 3760 : index
      %get3A_1661 = tpu.vector_load %arg5[%get3A_1660] {strides = array<i32>} : memref<4096xi32, #tpu.memory_space<vmem>>, vector<16xi32>,
      %gather3A_1662 = tpu.vector_load_idx %arg6[%broadcast_in_dim3A_17, %get3A_1661] : memref<1x100000xf32, #tpu.memory_space<vmem>>[vector<16xi32>, vector<16xi32>], vector<16xf32>,
      %swap3A_1663 = arith.constant 0 : i32
      %swap3A_1664 = arith.index_cast %swap3A_1663 : i32 to index
      %swap3A_1665 = arith.constant 3760 : index
      %swap3A_1666 = tpu.vector_load %arg7[%swap3A_1664, %swap3A_1665] {strides = array<i32>} : memref<1x4096xf32, #tpu.memory_space<vmem>>, vector<16xf32>,
      tpu.vector_store %arg7[%swap3A_1664, %swap3A_1665], %gather3A_1662 {strides = array<i32>} : memref<1x4096xf32, #tpu.memory_space<vmem>>, vector<16xf32>,
      %get3A_1667 = arith.constant 3776 : index
      %get3A_1668 = tpu.vector_load %arg5[%get3A_1667] {strides = array<i32>} : memref<4096xi32, #tpu.memory_space<vmem>>, vector<16xi32>,
      %gather3A_1669 = tpu.vector_load_idx %arg6[%broadcast_in_dim3A_17, %get3A_1668] : memref<1x100000xf32, #tpu.memory_space<vmem>>[vector<16xi32>, vector<16xi32>], vector<16xf32>,
      %swap3A_1670 = arith.constant 0 : i32
      %swap3A_1671 = arith.index_cast %swap3A_1670 : i32 to index
      %swap3A_1672 = arith.constant 3776 : index
      %swap3A_1673 = tpu.vector_load %arg7[%swap3A_1671, %swap3A_1672] {strides = array<i32>} : memref<1x4096xf32, #tpu.memory_space<vmem>>, vector<16xf32>,
      tpu.vector_store %arg7[%swap3A_1671, %swap3A_1672], %gather3A_1669 {strides = array<i32>} : memref<1x4096xf32, #tpu.memory_space<vmem>>, vector<16xf32>,
      %get3A_1674 = arith.constant 3792 : index
      %get3A_1675 = tpu.vector_load %arg5[%get3A_1674] {strides = array<i32>} : memref<4096xi32, #tpu.memory_space<vmem>>, vector<16xi32>,
      %gather3A_1676 = tpu.vector_load_idx %arg6[%broadcast_in_dim3A_17, %get3A_1675] : memref<1x100000xf32, #tpu.memory_space<vmem>>[vector<16xi32>, vector<16xi32>], vector<16xf32>,
      %swap3A_1677 = arith.constant 0 : i32
      %swap3A_1678 = arith.index_cast %swap3A_1677 : i32 to index
      %swap3A_1679 = arith.constant 3792 : index
      %swap3A_1680 = tpu.vector_load %arg7[%swap3A_1678, %swap3A_1679] {strides = array<i32>} : memref<1x4096xf32, #tpu.memory_space<vmem>>, vector<16xf32>,
      tpu.vector_store %arg7[%swap3A_1678, %swap3A_1679], %gather3A_1676 {strides = array<i32>} : memref<1x4096xf32, #tpu.memory_space<vmem>>, vector<16xf32>,
      %get3A_1681 = arith.constant 3808 : index
      %get3A_1682 = tpu.vector_load %arg5[%get3A_1681] {strides = array<i32>} : memref<4096xi32, #tpu.memory_space<vmem>>, vector<16xi32>,
      %gather3A_1683 = tpu.vector_load_idx %arg6[%broadcast_in_dim3A_17, %get3A_1682] : memref<1x100000xf32, #tpu.memory_space<vmem>>[vector<16xi32>, vector<16xi32>], vector<16xf32>,
      %swap3A_1684 = arith.constant 0 : i32
      %swap3A_1685 = arith.index_cast %swap3A_1684 : i32 to index
      %swap3A_1686 = arith.constant 3808 : index
      %swap3A_1687 = tpu.vector_load %arg7[%swap3A_1685, %swap3A_1686] {strides = array<i32>} : memref<1x4096xf32, #tpu.memory_space<vmem>>, vector<16xf32>,
      tpu.vector_store %arg7[%swap3A_1685, %swap3A_1686], %gather3A_1683 {strides = array<i32>} : memref<1x4096xf32, #tpu.memory_space<vmem>>, vector<16xf32>,
      %get3A_1688 = arith.constant 3824 : index
      %get3A_1689 = tpu.vector_load %arg5[%get3A_1688] {strides = array<i32>} : memref<4096xi32, #tpu.memory_space<vmem>>, vector<16xi32>,
      %gather3A_1690 = tpu.vector_load_idx %arg6[%broadcast_in_dim3A_17, %get3A_1689] : memref<1x100000xf32, #tpu.memory_space<vmem>>[vector<16xi32>, vector<16xi32>], vector<16xf32>,
      %swap3A_1691 = arith.constant 0 : i32
      %swap3A_1692 = arith.index_cast %swap3A_1691 : i32 to index
      %swap3A_1693 = arith.constant 3824 : index
      %swap3A_1694 = tpu.vector_load %arg7[%swap3A_1692, %swap3A_1693] {strides = array<i32>} : memref<1x4096xf32, #tpu.memory_space<vmem>>, vector<16xf32>,
      tpu.vector_store %arg7[%swap3A_1692, %swap3A_1693], %gather3A_1690 {strides = array<i32>} : memref<1x4096xf32, #tpu.memory_space<vmem>>, vector<16xf32>,
      %get3A_1695 = arith.constant 3840 : index
      %get3A_1696 = tpu.vector_load %arg5[%get3A_1695] {strides = array<i32>} : memref<4096xi32, #tpu.memory_space<vmem>>, vector<16xi32>,
      %gather3A_1697 = tpu.vector_load_idx %arg6[%broadcast_in_dim3A_17, %get3A_1696] : memref<1x100000xf32, #tpu.memory_space<vmem>>[vector<16xi32>, vector<16xi32>], vector<16xf32>,
      %swap3A_1698 = arith.constant 0 : i32
      %swap3A_1699 = arith.index_cast %swap3A_1698 : i32 to index
      %swap3A_1700 = arith.constant 3840 : index
      %swap3A_1701 = tpu.vector_load %arg7[%swap3A_1699, %swap3A_1700] {strides = array<i32>} : memref<1x4096xf32, #tpu.memory_space<vmem>>, vector<16xf32>,
      tpu.vector_store %arg7[%swap3A_1699, %swap3A_1700], %gather3A_1697 {strides = array<i32>} : memref<1x4096xf32, #tpu.memory_space<vmem>>, vector<16xf32>,
      %get3A_1702 = arith.constant 3856 : index
      %get3A_1703 = tpu.vector_load %arg5[%get3A_1702] {strides = array<i32>} : memref<4096xi32, #tpu.memory_space<vmem>>, vector<16xi32>,
      %gather3A_1704 = tpu.vector_load_idx %arg6[%broadcast_in_dim3A_17, %get3A_1703] : memref<1x100000xf32, #tpu.memory_space<vmem>>[vector<16xi32>, vector<16xi32>], vector<16xf32>,
      %swap3A_1705 = arith.constant 0 : i32
      %swap3A_1706 = arith.index_cast %swap3A_1705 : i32 to index
      %swap3A_1707 = arith.constant 3856 : index
      %swap3A_1708 = tpu.vector_load %arg7[%swap3A_1706, %swap3A_1707] {strides = array<i32>} : memref<1x4096xf32, #tpu.memory_space<vmem>>, vector<16xf32>,
      tpu.vector_store %arg7[%swap3A_1706, %swap3A_1707], %gather3A_1704 {strides = array<i32>} : memref<1x4096xf32, #tpu.memory_space<vmem>>, vector<16xf32>,
      %get3A_1709 = arith.constant 3872 : index
      %get3A_1710 = tpu.vector_load %arg5[%get3A_1709] {strides = array<i32>} : memref<4096xi32, #tpu.memory_space<vmem>>, vector<16xi32>,
      %gather3A_1711 = tpu.vector_load_idx %arg6[%broadcast_in_dim3A_17, %get3A_1710] : memref<1x100000xf32, #tpu.memory_space<vmem>>[vector<16xi32>, vector<16xi32>], vector<16xf32>,
      %swap3A_1712 = arith.constant 0 : i32
      %swap3A_1713 = arith.index_cast %swap3A_1712 : i32 to index
      %swap3A_1714 = arith.constant 3872 : index
      %swap3A_1715 = tpu.vector_load %arg7[%swap3A_1713, %swap3A_1714] {strides = array<i32>} : memref<1x4096xf32, #tpu.memory_space<vmem>>, vector<16xf32>,
      tpu.vector_store %arg7[%swap3A_1713, %swap3A_1714], %gather3A_1711 {strides = array<i32>} : memref<1x4096xf32, #tpu.memory_space<vmem>>, vector<16xf32>,
      %get3A_1716 = arith.constant 3888 : index
      %get3A_1717 = tpu.vector_load %arg5[%get3A_1716] {strides = array<i32>} : memref<4096xi32, #tpu.memory_space<vmem>>, vector<16xi32>,
      %gather3A_1718 = tpu.vector_load_idx %arg6[%broadcast_in_dim3A_17, %get3A_1717] : memref<1x100000xf32, #tpu.memory_space<vmem>>[vector<16xi32>, vector<16xi32>], vector<16xf32>,
      %swap3A_1719 = arith.constant 0 : i32
      %swap3A_1720 = arith.index_cast %swap3A_1719 : i32 to index
      %swap3A_1721 = arith.constant 3888 : index
      %swap3A_1722 = tpu.vector_load %arg7[%swap3A_1720, %swap3A_1721] {strides = array<i32>} : memref<1x4096xf32, #tpu.memory_space<vmem>>, vector<16xf32>,
      tpu.vector_store %arg7[%swap3A_1720, %swap3A_1721], %gather3A_1718 {strides = array<i32>} : memref<1x4096xf32, #tpu.memory_space<vmem>>, vector<16xf32>,
      %get3A_1723 = arith.constant 3904 : index
      %get3A_1724 = tpu.vector_load %arg5[%get3A_1723] {strides = array<i32>} : memref<4096xi32, #tpu.memory_space<vmem>>, vector<16xi32>,
      %gather3A_1725 = tpu.vector_load_idx %arg6[%broadcast_in_dim3A_17, %get3A_1724] : memref<1x100000xf32, #tpu.memory_space<vmem>>[vector<16xi32>, vector<16xi32>], vector<16xf32>,
      %swap3A_1726 = arith.constant 0 : i32
      %swap3A_1727 = arith.index_cast %swap3A_1726 : i32 to index
      %swap3A_1728 = arith.constant 3904 : index
      %swap3A_1729 = tpu.vector_load %arg7[%swap3A_1727, %swap3A_1728] {strides = array<i32>} : memref<1x4096xf32, #tpu.memory_space<vmem>>, vector<16xf32>,
      tpu.vector_store %arg7[%swap3A_1727, %swap3A_1728], %gather3A_1725 {strides = array<i32>} : memref<1x4096xf32, #tpu.memory_space<vmem>>, vector<16xf32>,
      %get3A_1730 = arith.constant 3920 : index
      %get3A_1731 = tpu.vector_load %arg5[%get3A_1730] {strides = array<i32>} : memref<4096xi32, #tpu.memory_space<vmem>>, vector<16xi32>,
      %gather3A_1732 = tpu.vector_load_idx %arg6[%broadcast_in_dim3A_17, %get3A_1731] : memref<1x100000xf32, #tpu.memory_space<vmem>>[vector<16xi32>, vector<16xi32>], vector<16xf32>,
      %swap3A_1733 = arith.constant 0 : i32
      %swap3A_1734 = arith.index_cast %swap3A_1733 : i32 to index
      %swap3A_1735 = arith.constant 3920 : index
      %swap3A_1736 = tpu.vector_load %arg7[%swap3A_1734, %swap3A_1735] {strides = array<i32>} : memref<1x4096xf32, #tpu.memory_space<vmem>>, vector<16xf32>,
      tpu.vector_store %arg7[%swap3A_1734, %swap3A_1735], %gather3A_1732 {strides = array<i32>} : memref<1x4096xf32, #tpu.memory_space<vmem>>, vector<16xf32>,
      %get3A_1737 = arith.constant 3936 : index
      %get3A_1738 = tpu.vector_load %arg5[%get3A_1737] {strides = array<i32>} : memref<4096xi32, #tpu.memory_space<vmem>>, vector<16xi32>,
      %gather3A_1739 = tpu.vector_load_idx %arg6[%broadcast_in_dim3A_17, %get3A_1738] : memref<1x100000xf32, #tpu.memory_space<vmem>>[vector<16xi32>, vector<16xi32>], vector<16xf32>,
      %swap3A_1740 = arith.constant 0 : i32
      %swap3A_1741 = arith.index_cast %swap3A_1740 : i32 to index
      %swap3A_1742 = arith.constant 3936 : index
      %swap3A_1743 = tpu.vector_load %arg7[%swap3A_1741, %swap3A_1742] {strides = array<i32>} : memref<1x4096xf32, #tpu.memory_space<vmem>>, vector<16xf32>,
      tpu.vector_store %arg7[%swap3A_1741, %swap3A_1742], %gather3A_1739 {strides = array<i32>} : memref<1x4096xf32, #tpu.memory_space<vmem>>, vector<16xf32>,
      %get3A_1744 = arith.constant 3952 : index
      %get3A_1745 = tpu.vector_load %arg5[%get3A_1744] {strides = array<i32>} : memref<4096xi32, #tpu.memory_space<vmem>>, vector<16xi32>,
      %gather3A_1746 = tpu.vector_load_idx %arg6[%broadcast_in_dim3A_17, %get3A_1745] : memref<1x100000xf32, #tpu.memory_space<vmem>>[vector<16xi32>, vector<16xi32>], vector<16xf32>,
      %swap3A_1747 = arith.constant 0 : i32
      %swap3A_1748 = arith.index_cast %swap3A_1747 : i32 to index
      %swap3A_1749 = arith.constant 3952 : index
      %swap3A_1750 = tpu.vector_load %arg7[%swap3A_1748, %swap3A_1749] {strides = array<i32>} : memref<1x4096xf32, #tpu.memory_space<vmem>>, vector<16xf32>,
      tpu.vector_store %arg7[%swap3A_1748, %swap3A_1749], %gather3A_1746 {strides = array<i32>} : memref<1x4096xf32, #tpu.memory_space<vmem>>, vector<16xf32>,
      %get3A_1751 = arith.constant 3968 : index
      %get3A_1752 = tpu.vector_load %arg5[%get3A_1751] {strides = array<i32>} : memref<4096xi32, #tpu.memory_space<vmem>>, vector<16xi32>,
      %gather3A_1753 = tpu.vector_load_idx %arg6[%broadcast_in_dim3A_17, %get3A_1752] : memref<1x100000xf32, #tpu.memory_space<vmem>>[vector<16xi32>, vector<16xi32>], vector<16xf32>,
      %swap3A_1754 = arith.constant 0 : i32
      %swap3A_1755 = arith.index_cast %swap3A_1754 : i32 to index
      %swap3A_1756 = arith.constant 3968 : index
      %swap3A_1757 = tpu.vector_load %arg7[%swap3A_1755, %swap3A_1756] {strides = array<i32>} : memref<1x4096xf32, #tpu.memory_space<vmem>>, vector<16xf32>,
      tpu.vector_store %arg7[%swap3A_1755, %swap3A_1756], %gather3A_1753 {strides = array<i32>} : memref<1x4096xf32, #tpu.memory_space<vmem>>, vector<16xf32>,
      %get3A_1758 = arith.constant 3984 : index
      %get3A_1759 = tpu.vector_load %arg5[%get3A_1758] {strides = array<i32>} : memref<4096xi32, #tpu.memory_space<vmem>>, vector<16xi32>,
      %gather3A_1760 = tpu.vector_load_idx %arg6[%broadcast_in_dim3A_17, %get3A_1759] : memref<1x100000xf32, #tpu.memory_space<vmem>>[vector<16xi32>, vector<16xi32>], vector<16xf32>,
      %swap3A_1761 = arith.constant 0 : i32
      %swap3A_1762 = arith.index_cast %swap3A_1761 : i32 to index
      %swap3A_1763 = arith.constant 3984 : index
      %swap3A_1764 = tpu.vector_load %arg7[%swap3A_1762, %swap3A_1763] {strides = array<i32>} : memref<1x4096xf32, #tpu.memory_space<vmem>>, vector<16xf32>,
      tpu.vector_store %arg7[%swap3A_1762, %swap3A_1763], %gather3A_1760 {strides = array<i32>} : memref<1x4096xf32, #tpu.memory_space<vmem>>, vector<16xf32>,
      %get3A_1765 = arith.constant 4000 : index
      %get3A_1766 = tpu.vector_load %arg5[%get3A_1765] {strides = array<i32>} : memref<4096xi32, #tpu.memory_space<vmem>>, vector<16xi32>,
      %gather3A_1767 = tpu.vector_load_idx %arg6[%broadcast_in_dim3A_17, %get3A_1766] : memref<1x100000xf32, #tpu.memory_space<vmem>>[vector<16xi32>, vector<16xi32>], vector<16xf32>,
      %swap3A_1768 = arith.constant 0 : i32
      %swap3A_1769 = arith.index_cast %swap3A_1768 : i32 to index
      %swap3A_1770 = arith.constant 4000 : index
      %swap3A_1771 = tpu.vector_load %arg7[%swap3A_1769, %swap3A_1770] {strides = array<i32>} : memref<1x4096xf32, #tpu.memory_space<vmem>>, vector<16xf32>,
      tpu.vector_store %arg7[%swap3A_1769, %swap3A_1770], %gather3A_1767 {strides = array<i32>} : memref<1x4096xf32, #tpu.memory_space<vmem>>, vector<16xf32>,
      %get3A_1772 = arith.constant 4016 : index
      %get3A_1773 = tpu.vector_load %arg5[%get3A_1772] {strides = array<i32>} : memref<4096xi32, #tpu.memory_space<vmem>>, vector<16xi32>,
      %gather3A_1774 = tpu.vector_load_idx %arg6[%broadcast_in_dim3A_17, %get3A_1773] : memref<1x100000xf32, #tpu.memory_space<vmem>>[vector<16xi32>, vector<16xi32>], vector<16xf32>,
      %swap3A_1775 = arith.constant 0 : i32
      %swap3A_1776 = arith.index_cast %swap3A_1775 : i32 to index
      %swap3A_1777 = arith.constant 4016 : index
      %swap3A_1778 = tpu.vector_load %arg7[%swap3A_1776, %swap3A_1777] {strides = array<i32>} : memref<1x4096xf32, #tpu.memory_space<vmem>>, vector<16xf32>,
      tpu.vector_store %arg7[%swap3A_1776, %swap3A_1777], %gather3A_1774 {strides = array<i32>} : memref<1x4096xf32, #tpu.memory_space<vmem>>, vector<16xf32>,
      %get3A_1779 = arith.constant 4032 : index
      %get3A_1780 = tpu.vector_load %arg5[%get3A_1779] {strides = array<i32>} : memref<4096xi32, #tpu.memory_space<vmem>>, vector<16xi32>,
      %gather3A_1781 = tpu.vector_load_idx %arg6[%broadcast_in_dim3A_17, %get3A_1780] : memref<1x100000xf32, #tpu.memory_space<vmem>>[vector<16xi32>, vector<16xi32>], vector<16xf32>,
      %swap3A_1782 = arith.constant 0 : i32
      %swap3A_1783 = arith.index_cast %swap3A_1782 : i32 to index
      %swap3A_1784 = arith.constant 4032 : index
      %swap3A_1785 = tpu.vector_load %arg7[%swap3A_1783, %swap3A_1784] {strides = array<i32>} : memref<1x4096xf32, #tpu.memory_space<vmem>>, vector<16xf32>,
      tpu.vector_store %arg7[%swap3A_1783, %swap3A_1784], %gather3A_1781 {strides = array<i32>} : memref<1x4096xf32, #tpu.memory_space<vmem>>, vector<16xf32>,
      %get3A_1786 = arith.constant 4048 : index
      %get3A_1787 = tpu.vector_load %arg5[%get3A_1786] {strides = array<i32>} : memref<4096xi32, #tpu.memory_space<vmem>>, vector<16xi32>,
      %gather3A_1788 = tpu.vector_load_idx %arg6[%broadcast_in_dim3A_17, %get3A_1787] : memref<1x100000xf32, #tpu.memory_space<vmem>>[vector<16xi32>, vector<16xi32>], vector<16xf32>,
      %swap3A_1789 = arith.constant 0 : i32
      %swap3A_1790 = arith.index_cast %swap3A_1789 : i32 to index
      %swap3A_1791 = arith.constant 4048 : index
      %swap3A_1792 = tpu.vector_load %arg7[%swap3A_1790, %swap3A_1791] {strides = array<i32>} : memref<1x4096xf32, #tpu.memory_space<vmem>>, vector<16xf32>,
      tpu.vector_store %arg7[%swap3A_1790, %swap3A_1791], %gather3A_1788 {strides = array<i32>} : memref<1x4096xf32, #tpu.memory_space<vmem>>, vector<16xf32>,
      %get3A_1793 = arith.constant 4064 : index
      %get3A_1794 = tpu.vector_load %arg5[%get3A_1793] {strides = array<i32>} : memref<4096xi32, #tpu.memory_space<vmem>>, vector<16xi32>,
      %gather3A_1795 = tpu.vector_load_idx %arg6[%broadcast_in_dim3A_17, %get3A_1794] : memref<1x100000xf32, #tpu.memory_space<vmem>>[vector<16xi32>, vector<16xi32>], vector<16xf32>,
      %swap3A_1796 = arith.constant 0 : i32
      %swap3A_1797 = arith.index_cast %swap3A_1796 : i32 to index
      %swap3A_1798 = arith.constant 4064 : index
      %swap3A_1799 = tpu.vector_load %arg7[%swap3A_1797, %swap3A_1798] {strides = array<i32>} : memref<1x4096xf32, #tpu.memory_space<vmem>>, vector<16xf32>,
      tpu.vector_store %arg7[%swap3A_1797, %swap3A_1798], %gather3A_1795 {strides = array<i32>} : memref<1x4096xf32, #tpu.memory_space<vmem>>, vector<16xf32>,
      %get3A_1800 = arith.constant 4080 : index
      %get3A_1801 = tpu.vector_load %arg5[%get3A_1800] {strides = array<i32>} : memref<4096xi32, #tpu.memory_space<vmem>>, vector<16xi32>,
      %gather3A_1802 = tpu.vector_load_idx %arg6[%broadcast_in_dim3A_17, %get3A_1801] : memref<1x100000xf32, #tpu.memory_space<vmem>>[vector<16xi32>, vector<16xi32>], vector<16xf32>,
      %swap3A_1803 = arith.constant 0 : i32
      %swap3A_1804 = arith.index_cast %swap3A_1803 : i32 to index
      %swap3A_1805 = arith.constant 4080 : index
      %swap3A_1806 = tpu.vector_load %arg7[%swap3A_1804, %swap3A_1805] {strides = array<i32>} : memref<1x4096xf32, #tpu.memory_space<vmem>>, vector<16xf32>,
      tpu.vector_store %arg7[%swap3A_1804, %swap3A_1805], %gather3A_1802 {strides = array<i32>} : memref<1x4096xf32, #tpu.memory_space<vmem>>, vector<16xf32>,
      %mul3A_1807 = arith.constant 4096 : i32
      %mul3A_1808 = arith.muli %add3A, %mul3A_1807 : i32
      "tpu.region"() ({
        %run_scoped3A = tpu.sem_alloc : memref<!tpu.dma_semaphore, #tpu.memory_space<semaphore_mem>>
        %dma_start3A_1809 = tpu.memref_slice %arg4[%rem3A_0, %mul3A_1808] : memref<6x16384xf32, #tpu.memory_space<hbm>> -> memref<1x4096xf32, #tpu.memory_space<hbm>>
        %dma_start3A_1810 = tpu.memref_slice %arg4[%rem3A_0, %mul3A_1808] : memref<6x16384xf32, #tpu.memory_space<hbm>> -> memref<1x4096xf32, #tpu.memory_space<hbm>>
        tpu.enqueue_dma source(%arg7 : memref<1x4096xf32, #tpu.memory_space<vmem>>) target(%dma_start3A_1810 : memref<1x4096xf32, #tpu.memory_space<hbm>>) target_semaphore(%run_scoped3A : memref<!tpu.dma_semaphore, #tpu.memory_space<semaphore_mem>>)
        %dma_wait3A_1811 = tpu.memref_slice %arg4[%rem3A_0, %mul3A_1808] : memref<6x16384xf32, #tpu.memory_space<hbm>> -> memref<1x4096xf32, #tpu.memory_space<hbm>>
        %dma_wait3A_1812 = tpu.memref_slice %arg4[%rem3A_0, %mul3A_1808] : memref<6x16384xf32, #tpu.memory_space<hbm>> -> memref<1x4096xf32, #tpu.memory_space<hbm>>
        tpu.wait_dma2 semaphore(%run_scoped3A : memref<!tpu.dma_semaphore, #tpu.memory_space<semaphore_mem>>) src(%arg7 : memref<1x4096xf32, #tpu.memory_space<vmem>>) dst(%dma_wait3A_1812 : memref<1x4096xf32, #tpu.memory_space<hbm>>)
        tpu.yield
      }) : () -> ()
    } else {
    }
    return
  }
}

</mosaic_0001>

<sc_bundles>
// kernel: kernel.3.cloned.1.call-start
scs
__scs_entry_jumppad:
0x0: {  	(pc) =	sbr.rel $0x88, $3  }
0x1: {  	(tag) =	ssettag $0x0;
	lr =	simm.s32 $0x1  }
0x2: {  	[smem:$0x3F9F] =	sst lr;
	_ =	strace $0xD0000000  }
0x3: {  	_ = 	snop  }
0x4: {  	_ = 	snop  }
0x5: {  	_ = 	snop  }
0x6: {  	_ = 	snop  }
0x7: {  	_ = 	snop  }
__scs_overlays_trampoline_lowered:
0x8: {  	[smem:$0x3FAE] =	sst s0  }
0x9: {  	[smem:$0x3FAF] =	sst s1  }
0xa: {  	[smem:$0x3FB0] =	sst s2  }
0xb: {  	[smem:$0x3FB1] =	sst s3  }
0xc: {  	[smem:$0x3FB2] =	sst s4  }
0xd: {  	[smem:$0x3FB3] =	sst s5  }
0xe: {  	[smem:$0x3FB4] =	sst s6  }
0xf: {  	[smem:$0x3FB5] =	sst s7  }
0x10: {  	[smem:$0x3FB6] =	sst s8  }
0x11: {  	[smem:$0x3FB7] =	sst s9;
	s0 =	simm.s32 @!p0 $0x0  }
0x12: {  	s1 =	sld [smem:$0x3F9D];
	s0 =	simm.s32 @p0 $0x1  }
0x13: {  	[smem:$0x3FB8] =	sst s0;
	s0 =	simm.s32 @!p1 $0x0  }
0x14: {  	s2 =	sld [smem:$0x3F9C];
	s0 =	simm.s32 @p1 $0x1  }
0x15: {  	[smem:$0x3FB9] =	sst s0;
	s0 =	simm.s32 @!p2 $0x0  }
0x16: {  	s3 =	sld [smem:$0x3FDB];
	s0 =	simm.s32 @p2 $0x1  }
0x17: {  	s4 =	simm.s32 $0x1BF5;
	[smem:$0x3FBB] =	sst s0  }
0x18: {  	s0 =	sld [smem:$0x3F9E];
	_ =	swait.ge [sflag:s4], $0x0  }
0x19: {  	s7 =	sld [smem:$0x3F9F]  }
0x1a: {  	s8 =	sadd.s32 $0xFFFFE003, lr  }
0x1b: {  	s9 =	sadd.s32 $0xFFFFFEF7, lr;
	s5 =	simm.s32 $0xFFFFFFFF;
	p2 =	slt.u32 s8, $0xFFFFF086  }
0x1c: {  	p1 =	slt.u32 s9, $0xF7A;
	s5 =	simm.s32 @!p2 $0x0  }
0x1d: {  	s5 =	simm.s32 @p1 $0x1;
	p0 =	seq.s32 s7, s2  }
0x1e: {  	s7 =	smul.u32 @!p0 $0xF7A, s2;
	p2 =	seq.s32 @!p0 s5, $0x0  }
0x1f: {  	s9 =	smul.u32 $0xF7A, s1;
	s8 =	simm.s32 @!p0 $0x1BF5;
	p2 =	por !p2, p0  }
0x20: {  	[sflag:s8] =	ssyncset.s32 @!p0 $0xFFFFF086;
	s6 =	sadd.s32 @!p0 s3, s7;
	s7 =	simm.s32 @!p0 $0x108  }
0x21: {  	s3 =	sadd.s32 s3, s9;
	s6 =	sadd.s32 @!p0 $0x88, s6;
	s7 =	simm.s32 @p2 $0x1082  }
0x22: {  	[simem:s7], [sflag:s8] =	dma.local @!p0 [hbm:s6], $0xF7A  }
0x23: {  	s9 =	sor.u32 $0xD0000000, s2;
	s6 =	simm.s32 $0x108;
	_ =	swait.ge @!p0 [sflag:s8], $0x0  }
0x24: {  	s3 =	sadd.s32 $0x88, s3;
	s6 =	simm.s32 @!p1 $0x1082;
	[sflag:s4] =	ssyncset.s32 $0xFFFFF086  }
0x25: {  	[simem:s6], [sflag:s4] =	dma.local [hbm:s3], $0xF7A  }
0x26: {  	[smem:$0x3F9F] =	sst s1;
	(tag) =	ssettag s2;
	_ =	strace s9  }
0x27: {  	s1 =	sld [smem:$0x3FAF]  }
0x28: {  	s2 =	sld [smem:$0x3FB0]  }
0x29: {  	s4 =	sld [smem:$0x3FB2]  }
0x2a: {  	p0 =	seq.s32 s5, $0x0;
	s5 =	sld [smem:$0x3FB3]  }
0x2b: {  	s6 =	sld [smem:$0x3FB4]  }
0x2c: {  	s7 =	sld [smem:$0x3FB5]  }
0x2d: {  	s3 =	simm.s32 $0x108;
	s8 =	sld [smem:$0x3FB6]  }
0x2e: {  	s3 =	simm.s32 @!p0 $0x1082;
	s9 =	sld [smem:$0x3FB7]  }
0x2f: {  	lr =	sadd.s32 s0, s3;
	s0 =	sld [smem:$0x3FAE]  }
0x30: {  	s3 =	sld [smem:$0x3FB1]  }
0x31: {  	[smem:$0x3FBA] =	sst s10  }
0x32: {  	s10 =	sld [smem:$0x3FB8];
	_ =	sdelay $0x3  }
0x33: {  	p0 =	seq.s32 s10, $0x1;
	s10 =	sld [smem:$0x3FBA];
	_ =	sdelay $0x3  }
0x34: {  	[smem:$0x3FBA] =	sst s10  }
0x35: {  	s10 =	sld [smem:$0x3FB9];
	_ =	sdelay $0x3  }
0x36: {  	p1 =	seq.s32 s10, $0x1;
	s10 =	sld [smem:$0x3FBA];
	_ =	sdelay $0x3  }
0x37: {  	[smem:$0x3FBA] =	sst s10  }
0x38: {  	s10 =	sld [smem:$0x3FBB]  }
0x39: {  	_ = 	snop;
	(pc) =	sbr.ind lr, $3  }
0x3a: {  	_ = 	snop  }
0x3b: {  	_ = 	snop  }
0x3c: {  	p2 =	seq.s32 s10, $0x1;
	s10 =	sld [smem:$0x3FBA]  }
0x3d: {  	_ =	shalt  }
0x3e: {  	_ =	shalt  }
0x3f: {  	_ =	shalt  }
0x40: {  	_ =	shalt  }
0x41: {  	_ =	shalt  }
0x42: {  	_ =	shalt  }
0x43: {  	_ =	shalt  }
0x44: {  	_ =	shalt  }
0x45: {  	_ =	shalt  }
0x46: {  	_ =	shalt  }
0x47: {  	_ =	shalt  }
0x48: {  	_ =	shalt  }
0x49: {  	_ =	shalt  }
0x4a: {  	_ =	shalt  }
0x4b: {  	_ =	shalt  }
0x4c: {  	_ =	shalt  }
0x4d: {  	_ =	shalt  }
0x4e: {  	_ =	shalt  }
0x4f: {  	_ =	shalt  }
0x50: {  	_ =	shalt  }
0x51: {  	_ =	shalt  }
0x52: {  	_ =	shalt  }
0x53: {  	_ =	shalt  }
0x54: {  	_ =	shalt  }
0x55: {  	_ =	shalt  }
0x56: {  	_ =	shalt  }
0x57: {  	_ =	shalt  }
0x58: {  	_ =	shalt  }
0x59: {  	_ =	shalt  }
0x5a: {  	_ =	shalt  }
0x5b: {  	_ =	shalt  }
0x5c: {  	_ =	shalt  }
0x5d: {  	_ =	shalt  }
0x5e: {  	_ =	shalt  }
0x5f: {  	_ =	shalt  }
0x60: {  	_ =	shalt  }
0x61: {  	_ =	shalt  }
0x62: {  	_ =	shalt  }
0x63: {  	_ =	shalt  }
0x64: {  	_ =	shalt  }
0x65: {  	_ =	shalt  }
0x66: {  	_ =	shalt  }
0x67: {  	_ =	shalt  }
0x68: {  	_ =	shalt  }
0x69: {  	_ =	shalt  }
0x6a: {  	_ =	shalt  }
0x6b: {  	_ =	shalt  }
0x6c: {  	_ =	shalt  }
0x6d: {  	_ =	shalt  }
0x6e: {  	_ =	shalt  }
0x6f: {  	_ =	shalt  }
0x70: {  	_ =	shalt  }
0x71: {  	_ =	shalt  }
0x72: {  	_ =	shalt  }
0x73: {  	_ =	shalt  }
0x74: {  	_ =	shalt  }
0x75: {  	_ =	shalt  }
0x76: {  	_ =	shalt  }
0x77: {  	_ =	shalt  }
0x78: {  	_ =	shalt  }
0x79: {  	_ =	shalt  }
0x7a: {  	_ =	shalt  }
0x7b: {  	_ =	shalt  }
0x7c: {  	_ =	shalt  }
0x7d: {  	_ =	shalt  }
0x7e: {  	_ =	shalt  }
0x7f: {  	_ =	shalt  }
0x80: {  	_ =	shalt  }
0x81: {  	_ =	shalt  }
0x82: {  	_ =	shalt  }
0x83: {  	_ =	shalt  }
0x84: {  	_ =	shalt  }
0x85: {  	_ =	shalt  }
0x86: {  	_ =	shalt  }
0x87: {  	_ =	shalt  }
.Lfunc_end0:
.L_simem_size_0:
called_computation_lowered:
.L_overlay_start_0:
0x88: {  	s2 =	sld [smem:$0x3FD9]  }
0x89: {  	s3 =	sld [smem:$0x3FFE];
	_ =	sdelay $0x1  }
0x8a: {  	s1 =	srdreg.scid  }
0x8b: {  	s0 =	sand.u32 $0x1, s1  }
0x8c: {  	s18 =	sshll.u32 s0, $0xA;
	s2 =	sadd.s32 s3, s2  }
0x8d: {  	s2 =	sadd.s32 s2, s18  }
0x8e: {  	[smem:$0x3FC6] =	sst s2  }
0x8f: {  	_ = 	snop  }
0x90: {  	s2 =	sld [smem:$0x3FC9]  }
0x91: {  	s19 =	sld [smem:$0x3FC8]  }
0x92: {  	s4 =	sld [smem:$0x3FD0];
	(tm) =	ssettm $0x1  }
0x93: {  	s5 =	sld [smem:$0x3FFB];
	_ =	sdelay $0x3  }
0x94: {  	_ =	strace s5  }
0x95: {  	s5 =	sld [smem:$0x3FFC];
	_ =	sdelay $0x3  }
0x96: {  	_ =	strace s5  }
0x97: {  	s5 =	sld [smem:$0x3FFD];
	_ =	sdelay $0x3  }
0x98: {  	_ =	strace s5  }
0x99: {  	_ =	strace $0x8FFFFFFF  }
0x9a: {  	s20 =	sld [smem:$0x3FDB];
	_ =	sdelay $0x1  }
0x9b: {  	s6 =	simm.s32 $_scs_section_size  }
0x9c: {  	s7 =	simm.s32 $_size__tile_overlayer_lowered;
	s8 =	simm.s32 $_tile_overlayer_lowered  }
0x9d: {  	s23 =	simm.s32 $0x1BFF;
	s22 =	sshll.u32 s8, $0x1;
	s5 =	sadd.s32 s6, s20  }
0x9e: {  	s9 =	simm.s32 $0x0;
	s21 =	sshll.u32 s7, $0x1;
	s7 =	sadd.s32 s22, s5  }
0x9f: {  	[timem:s9], [sflag:s23] =	dma.local [hbm:s7], s21  }
0xa0: {  	_ =	swait.ge [sflag:s23], s21  }
0xa1: {  	s6 =	ssub.s32 $0x0, s21;
	[sflag:s23] =	ssyncset.done $0x0  }
0xa2: {  	[sflag:s23] =	ssyncadd.s32 s6;
	_ =	sdelay $0x1  }
0xa3: {  	s24 =	simm.s32 $0x1B8B  }
0xa4: {  	_ =	swait.ge [sflag:s24], $0x1  }
0xa5: {  	[sflag:s24] =	ssyncset.done $0x0  }
0xa6: {  	s25 =	simm.s32 $0x1B8E;
	[sflag:s24] =	ssyncadd.s32 $0xFFFFFFFF  }
0xa7: {  	s26 =	simm.s32 $execute0_lowered;
	[smem:$0x3FD2] =	sst s25  }
0xa8: {  	s6 =	sshll.u32 s26, $0x1;
	_ =	strace $0x80000046;
	[dreg:$0x1] =	wrdreg $0xFFFFFFFF  }
0xa9: {  	s28 =	simm.s32 $_size_execute0_lowered;
	s5 =	sadd.s32 s5, s6;
	[dreg:$0x0] =	wrdreg $0x0  }
0xaa: {  	s6 =	sshll.u32 s28, $0x1;
	[dreg:$0x2] =	wrdreg s5  }
0xab: {  	[dreg:$0x3] =	wrdreg s6  }
0xac: {  	[dreg:$0x4] =	wrdreg $0xC0  }
0xad: {  	_ =	task [dreg:s9], $0x5FFFF  }
0xae: {  	[dreg:$0x1] =	wrdreg $0xFFFFFFFF  }
0xaf: {  	[dreg:$0x0] =	wrdreg $0x60  }
0xb0: {  	[dreg:$0x2] =	wrdreg s2  }
0xb1: {  	[dreg:$0x3] =	wrdreg s19  }
0xb2: {  	[dreg:$0x4] =	wrdreg s4  }
0xb3: {  	[dreg:$0x5] =	wrdreg $0x9  }
0xb4: {  	_ =	task.clear_ibuf [dreg:s9], $0x6FFFF;
	_ =	strace $0x90000046  }
0xb5: {  	s29 =	simm.s32 $0x9;
	_ =	strace $0x80000048  }
0xb6: {  	_ =	swait.ge [sflag:s29], $0x1  }
0xb7: {  	[sflag:s29] =	ssyncadd.s32 $0xFFFFFFFF  }
0xb8: {  	_ =	strace $0x90000048  }
0xb9: {  	_ =	sfence  }
0xba: {  	s30 =	sld [smem:$0x0];
	_ =	sdelay $0x2  }
0xbb: {  	s31 =	sshll.u32 s1, $0xD;
	s1 =	sshrl.u32 s1, $0x2  }
0xbc: {  	s3 =	sand.u32 $0x4000, s31;
	s1 =	sadd.s32 s1, s30  }
0xbd: {  	s0 =	sor.u32 s3, s0;
	s1 =	sshll.u32 s1, $0x11  }
0xbe: {  	s0 =	sor.u32 s1, s0  }
0xbf: {  	s0 =	sadd.s32 $0x8F2B, s0  }
0xc0: {  	[sflag:s0] =	ssyncadd.remote.s32 $0x1  }
0xc1: {  	_ =	sfence.sel $0xFFFF  }
0xc2: {  	[dreg:$0x0] =	wrdreg $0xFFFFFFFF;
	(pc) =	sbr.abs _section_cstart, $3  }
0xc3: {  	[dreg:$0x1] =	wrdreg $0xFFFFFFFF  }
0xc4: {  	_ =	task.clear_ibuf [dreg:s9], $0x2FFFF;
	_ =	strace $0x9FFFFFFF  }
0xc5: {  	(tm) =	ssettm $0x7FFFFFFF  }
tec
execute0_lowered:
.L_overlay_start_1:
0x0: {  	(tag) =	ssettag $0x1  }
0x1: {  	s1 =	stileid.u32  }
0x2: {  	p0 =	sgt.u32 s1, $0xB  }
.Ltmp0:
0x3: {  	s6 =	rddreg [dreg:$0x0];
	(pc) =	sbr.rel @p0 .LBB2_3-.Ltmp0, $4  }
0x4: {  	s5 =	rddreg [dreg:$0x1]  }
0x5: {  	s4 =	rddreg [dreg:$0x2];
	s2 =	simm.s32 $0x0  }
0x6: {  	[smem:$0x7FF] =	sst s2  }
0x7: {  	s0 =	rddreg [dreg:$0x3];
	_ =	strace $0x80000047  }
0x8: {  	s3 =	smul.u32 $0x2B, s1;
	_ =	sdelay $0x1  }
0x9: {  	s7 =	srdreg.scid;
	p0 =	sgt.u32 s1, $0x5;
	s3 =	sshrl.u32 s3, $0x8  }
0xa: {  	s9 =	simm.s32 $0x1000;
	s11 =	simm.s32 $0x19700;
	s3 =	smul.u32 $0x6, s3  }
0xb: {  	s12 =	simm.s32 $0x2;
	s7 =	sand.u32 $0x1, s7;
	s9 =	simm.s32 @!p0 $0x0  }
0xc: {  	s8 =	sshll.u32 s7, $0xD;
	s7 =	ssub.s32 $0x2, s7;
	s3 =	ssub.s32 s1, s3  }
0xd: {  	s8 =	sor.u32 s8, s9;
	s31 =	sshrl.u32 s7, $0x1;
	s10 =	sshll.u32 s3, $0x4  }
0xe: {  	s9 =	simm.s32 $0x400;
	s7 =	ssub.s32 s7, s31;
	s10 =	sand.u32 $0xF0, s10  }
0xf: {  	s7 =	smax.u32 s7, $0x1;
	s3 =	simm.s32 $0x1000;
	s4 =	sadd.s32 s10, s4  }
0x10: {  	s5 =	sadd.s32 s10, s5;
	s4 =	sadd.s32 s8, s4;
	s8 =	sshrl.u32 s8, $0x3  }
0x11: {  	s10 =	simm.s32 $0x1;
	s6 =	sadd.s32 s6, s8;
	s8 =	simm.s32 $0x80  }
.LBB2_2:
0x12: {  	[tilespmem:s2], [sflag:$0x1] =	stream.linear.gather [hbm4b:s6+s2], $0x1000, $0x38;
	[tilespmem:$0x1A700] =	vst v63  }
0x13: {  	_ = 	snop  }
0x14: {  	[tilespmem:s3], [sflag:$0x1] =	stream.strided.gather [hbm4b:s5+s8], $0x18700, s9, s8, $0x38;
	[tilespmem:$0x1A700] =	vst v63  }
0x15: {  	_ =	swait.ge [sflag:s10], $0x1000  }
0x16: {  	[sflag:s10] =	ssyncset.done $0x0  }
0x17: {  	[sflag:s10] =	ssyncadd.s32 $0xFFFFF000  }
0x18: {  	_ =	swait.ge [sflag:s10], $0x18700  }
0x19: {  	[sflag:s10] =	ssyncset.done $0x0  }
0x1a: {  	[sflag:s10] =	ssyncadd.s32 $0xFFFE7900  }
0x1b: {  	v0 =	vld [tilespmem:$0x0];
	_ =	sdelay $0x5  }
0x1c: {  	v1 =	vld [tilespmem:$0x10];
	_ =	sdelay $0x1  }
0x1d: {  	v0 =	vld.idx.msk [tilespmem:v0+s3+$0x0], $0xffff;
	_ =	sdelay $0x3  }
0x1e: {  	v2 =	vld [tilespmem:$0x20]  }
0x1f: {  	[tilespmem:$0x19700] =	vst v0  }
0x20: {  	v0 =	vld.idx.msk [tilespmem:v1+s3+$0x0], $0xffff;
	_ =	sdelay $0x3  }
0x21: {  	v52 =	vld [tilespmem:$0x30]  }
0x22: {  	[tilespmem:$0x19710] =	vst v0  }
0x23: {  	v0 =	vld.idx.msk [tilespmem:v2+s3+$0x0], $0xffff;
	_ =	sdelay $0x3  }
0x24: {  	v53 =	vld [tilespmem:$0x40]  }
0x25: {  	[tilespmem:$0x19720] =	vst v0  }
0x26: {  	v0 =	vld.idx.msk [tilespmem:v52+s3+$0x0], $0xffff;
	_ =	sdelay $0x3  }
0x27: {  	v54 =	vld [tilespmem:$0x50]  }
0x28: {  	[tilespmem:$0x19730] =	vst v0  }
0x29: {  	v0 =	vld.idx.msk [tilespmem:v53+s3+$0x0], $0xffff;
	_ =	sdelay $0x3  }
0x2a: {  	v55 =	vld [tilespmem:$0x60]  }
0x2b: {  	[tilespmem:$0x19740] =	vst v0  }
0x2c: {  	v0 =	vld.idx.msk [tilespmem:v54+s3+$0x0], $0xffff;
	_ =	sdelay $0x3  }
0x2d: {  	v56 =	vld [tilespmem:$0x70]  }
0x2e: {  	[tilespmem:$0x19750] =	vst v0  }
0x2f: {  	v0 =	vld.idx.msk [tilespmem:v55+s3+$0x0], $0xffff;
	_ =	sdelay $0x3  }
0x30: {  	v57 =	vld [tilespmem:$0x80]  }
0x31: {  	[tilespmem:$0x19760] =	vst v0  }
0x32: {  	v0 =	vld.idx.msk [tilespmem:v56+s3+$0x0], $0xffff;
	_ =	sdelay $0x3  }
0x33: {  	v58 =	vld [tilespmem:$0x90]  }
0x34: {  	[tilespmem:$0x19770] =	vst v0  }
0x35: {  	v0 =	vld.idx.msk [tilespmem:v57+s3+$0x0], $0xffff;
	_ =	sdelay $0x3  }
0x36: {  	v59 =	vld [tilespmem:$0xA0]  }
0x37: {  	[tilespmem:$0x19780] =	vst v0  }
0x38: {  	v0 =	vld.idx.msk [tilespmem:v58+s3+$0x0], $0xffff;
	_ =	sdelay $0x3  }
0x39: {  	v60 =	vld [tilespmem:$0xB0]  }
0x3a: {  	[tilespmem:$0x19790] =	vst v0  }
0x3b: {  	v0 =	vld.idx.msk [tilespmem:v59+s3+$0x0], $0xffff;
	_ =	sdelay $0x3  }
0x3c: {  	v61 =	vld [tilespmem:$0xC0]  }
0x3d: {  	[tilespmem:$0x197A0] =	vst v0  }
0x3e: {  	v0 =	vld.idx.msk [tilespmem:v60+s3+$0x0], $0xffff;
	_ =	sdelay $0x3  }
0x3f: {  	v62 =	vld [tilespmem:$0xD0]  }
0x40: {  	[tilespmem:$0x197B0] =	vst v0  }
0x41: {  	v0 =	vld.idx.msk [tilespmem:v61+s3+$0x0], $0xffff;
	_ =	sdelay $0x3  }
0x42: {  	v63 =	vld [tilespmem:$0xE0]  }
0x43: {  	[tilespmem:$0x197C0] =	vst v0  }
0x44: {  	v0 =	vld.idx.msk [tilespmem:v62+s3+$0x0], $0xffff;
	_ =	sdelay $0x3  }
0x45: {  	v4 =	vld [tilespmem:$0xF0]  }
0x46: {  	[tilespmem:$0x197D0] =	vst v0  }
0x47: {  	v0 =	vld.idx.msk [tilespmem:v63+s3+$0x0], $0xffff;
	_ =	sdelay $0x3  }
0x48: {  	v5 =	vld [tilespmem:$0x100]  }
0x49: {  	[tilespmem:$0x197E0] =	vst v0  }
0x4a: {  	v0 =	vld.idx.msk [tilespmem:v4+s3+$0x0], $0xffff;
	_ =	sdelay $0x3  }
0x4b: {  	v6 =	vld [tilespmem:$0x110]  }
0x4c: {  	[tilespmem:$0x197F0] =	vst v0  }
0x4d: {  	v0 =	vld.idx.msk [tilespmem:v5+s3+$0x0], $0xffff;
	_ =	sdelay $0x3  }
0x4e: {  	v7 =	vld [tilespmem:$0x120]  }
0x4f: {  	[tilespmem:$0x19800] =	vst v0  }
0x50: {  	v0 =	vld.idx.msk [tilespmem:v6+s3+$0x0], $0xffff;
	_ =	sdelay $0x3  }
0x51: {  	v8 =	vld [tilespmem:$0x130]  }
0x52: {  	[tilespmem:$0x19810] =	vst v0  }
0x53: {  	v0 =	vld.idx.msk [tilespmem:v7+s3+$0x0], $0xffff;
	_ =	sdelay $0x3  }
0x54: {  	v9 =	vld [tilespmem:$0x140]  }
0x55: {  	[tilespmem:$0x19820] =	vst v0  }
0x56: {  	v0 =	vld.idx.msk [tilespmem:v8+s3+$0x0], $0xffff;
	_ =	sdelay $0x3  }
0x57: {  	v10 =	vld [tilespmem:$0x150]  }
0x58: {  	[tilespmem:$0x19830] =	vst v0  }
0x59: {  	v0 =	vld.idx.msk [tilespmem:v9+s3+$0x0], $0xffff;
	_ =	sdelay $0x3  }
0x5a: {  	v11 =	vld [tilespmem:$0x160]  }
0x5b: {  	[tilespmem:$0x19840] =	vst v0  }
0x5c: {  	v0 =	vld.idx.msk [tilespmem:v10+s3+$0x0], $0xffff;
	_ =	sdelay $0x3  }
0x5d: {  	v12 =	vld [tilespmem:$0x170]  }
0x5e: {  	[tilespmem:$0x19850] =	vst v0  }
0x5f: {  	v0 =	vld.idx.msk [tilespmem:v11+s3+$0x0], $0xffff;
	_ =	sdelay $0x3  }
0x60: {  	v13 =	vld [tilespmem:$0x180]  }
0x61: {  	[tilespmem:$0x19860] =	vst v0  }
0x62: {  	v0 =	vld.idx.msk [tilespmem:v12+s3+$0x0], $0xffff;
	_ =	sdelay $0x3  }
0x63: {  	v14 =	vld [tilespmem:$0x190]  }
0x64: {  	[tilespmem:$0x19870] =	vst v0  }
0x65: {  	v0 =	vld.idx.msk [tilespmem:v13+s3+$0x0], $0xffff;
	_ =	sdelay $0x3  }
0x66: {  	v15 =	vld [tilespmem:$0x1A0]  }
0x67: {  	[tilespmem:$0x19880] =	vst v0  }
0x68: {  	v0 =	vld.idx.msk [tilespmem:v14+s3+$0x0], $0xffff;
	_ =	sdelay $0x3  }
0x69: {  	v16 =	vld [tilespmem:$0x1B0]  }
0x6a: {  	[tilespmem:$0x19890] =	vst v0  }
0x6b: {  	v0 =	vld.idx.msk [tilespmem:v15+s3+$0x0], $0xffff;
	_ =	sdelay $0x3  }
0x6c: {  	v17 =	vld [tilespmem:$0x1C0]  }
0x6d: {  	[tilespmem:$0x198A0] =	vst v0  }
0x6e: {  	v0 =	vld.idx.msk [tilespmem:v16+s3+$0x0], $0xffff;
	_ =	sdelay $0x3  }
0x6f: {  	v18 =	vld [tilespmem:$0x1D0]  }
0x70: {  	[tilespmem:$0x198B0] =	vst v0  }
0x71: {  	v0 =	vld.idx.msk [tilespmem:v17+s3+$0x0], $0xffff;
	_ =	sdelay $0x3  }
0x72: {  	v19 =	vld [tilespmem:$0x1E0]  }
0x73: {  	[tilespmem:$0x198C0] =	vst v0  }
0x74: {  	v0 =	vld.idx.msk [tilespmem:v18+s3+$0x0], $0xffff;
	_ =	sdelay $0x3  }
0x75: {  	v20 =	vld [tilespmem:$0x1F0]  }
0x76: {  	[tilespmem:$0x198D0] =	vst v0  }
0x77: {  	v0 =	vld.idx.msk [tilespmem:v19+s3+$0x0], $0xffff;
	_ =	sdelay $0x3  }
0x78: {  	v21 =	vld [tilespmem:$0x200]  }
0x79: {  	[tilespmem:$0x198E0] =	vst v0  }
0x7a: {  	v0 =	vld.idx.msk [tilespmem:v20+s3+$0x0], $0xffff;
	_ =	sdelay $0x3  }
0x7b: {  	v22 =	vld [tilespmem:$0x210]  }
0x7c: {  	[tilespmem:$0x198F0] =	vst v0  }
0x7d: {  	v0 =	vld.idx.msk [tilespmem:v21+s3+$0x0], $0xffff;
	_ =	sdelay $0x3  }
0x7e: {  	v23 =	vld [tilespmem:$0x220]  }
0x7f: {  	[tilespmem:$0x19900] =	vst v0  }
0x80: {  	v0 =	vld.idx.msk [tilespmem:v22+s3+$0x0], $0xffff;
	_ =	sdelay $0x3  }
0x81: {  	v24 =	vld [tilespmem:$0x230]  }
0x82: {  	[tilespmem:$0x19910] =	vst v0  }
0x83: {  	v0 =	vld.idx.msk [tilespmem:v23+s3+$0x0], $0xffff;
	_ =	sdelay $0x3  }
0x84: {  	v25 =	vld [tilespmem:$0x240]  }
0x85: {  	[tilespmem:$0x19920] =	vst v0  }
0x86: {  	v0 =	vld.idx.msk [tilespmem:v24+s3+$0x0], $0xffff;
	_ =	sdelay $0x3  }
0x87: {  	v26 =	vld [tilespmem:$0x250]  }
0x88: {  	[tilespmem:$0x19930] =	vst v0  }
0x89: {  	v0 =	vld.idx.msk [tilespmem:v25+s3+$0x0], $0xffff;
	_ =	sdelay $0x3  }
0x8a: {  	v27 =	vld [tilespmem:$0x260]  }
0x8b: {  	[tilespmem:$0x19940] =	vst v0  }
0x8c: {  	v0 =	vld.idx.msk [tilespmem:v26+s3+$0x0], $0xffff;
	_ =	sdelay $0x3  }
0x8d: {  	v28 =	vld [tilespmem:$0x270]  }
0x8e: {  	[tilespmem:$0x19950] =	vst v0  }
0x8f: {  	v0 =	vld.idx.msk [tilespmem:v27+s3+$0x0], $0xffff;
	_ =	sdelay $0x3  }
0x90: {  	v29 =	vld [tilespmem:$0x280]  }
0x91: {  	[tilespmem:$0x19960] =	vst v0  }
0x92: {  	v0 =	vld.idx.msk [tilespmem:v28+s3+$0x0], $0xffff;
	_ =	sdelay $0x3  }
0x93: {  	v30 =	vld [tilespmem:$0x290]  }
0x94: {  	[tilespmem:$0x19970] =	vst v0  }
0x95: {  	v0 =	vld.idx.msk [tilespmem:v29+s3+$0x0], $0xffff;
	_ =	sdelay $0x3  }
0x96: {  	v31 =	vld [tilespmem:$0x2A0]  }
0x97: {  	[tilespmem:$0x19980] =	vst v0  }
0x98: {  	v0 =	vld.idx.msk [tilespmem:v30+s3+$0x0], $0xffff;
	_ =	sdelay $0x3  }
0x99: {  	v32 =	vld [tilespmem:$0x2B0]  }
0x9a: {  	[tilespmem:$0x19990] =	vst v0  }
0x9b: {  	v0 =	vld.idx.msk [tilespmem:v31+s3+$0x0], $0xffff;
	_ =	sdelay $0x3  }
0x9c: {  	v33 =	vld [tilespmem:$0x2C0]  }
0x9d: {  	[tilespmem:$0x199A0] =	vst v0  }
0x9e: {  	v0 =	vld.idx.msk [tilespmem:v32+s3+$0x0], $0xffff;
	_ =	sdelay $0x3  }
0x9f: {  	v34 =	vld [tilespmem:$0x2D0]  }
0xa0: {  	[tilespmem:$0x199B0] =	vst v0  }
0xa1: {  	v0 =	vld.idx.msk [tilespmem:v33+s3+$0x0], $0xffff;
	_ =	sdelay $0x3  }
0xa2: {  	v35 =	vld [tilespmem:$0x2E0]  }
0xa3: {  	[tilespmem:$0x199C0] =	vst v0  }
0xa4: {  	v0 =	vld.idx.msk [tilespmem:v34+s3+$0x0], $0xffff;
	_ =	sdelay $0x3  }
0xa5: {  	v36 =	vld [tilespmem:$0x2F0]  }
0xa6: {  	[tilespmem:$0x199D0] =	vst v0  }
0xa7: {  	v0 =	vld.idx.msk [tilespmem:v35+s3+$0x0], $0xffff;
	_ =	sdelay $0x3  }
0xa8: {  	v37 =	vld [tilespmem:$0x300]  }
0xa9: {  	[tilespmem:$0x199E0] =	vst v0  }
0xaa: {  	v0 =	vld.idx.msk [tilespmem:v36+s3+$0x0], $0xffff;
	_ =	sdelay $0x3  }
0xab: {  	v38 =	vld [tilespmem:$0x310]  }
0xac: {  	[tilespmem:$0x199F0] =	vst v0  }
0xad: {  	v0 =	vld.idx.msk [tilespmem:v37+s3+$0x0], $0xffff;
	_ =	sdelay $0x3  }
0xae: {  	v39 =	vld [tilespmem:$0x320]  }
0xaf: {  	[tilespmem:$0x19A00] =	vst v0  }
0xb0: {  	v0 =	vld.idx.msk [tilespmem:v38+s3+$0x0], $0xffff;
	_ =	sdelay $0x3  }
0xb1: {  	v40 =	vld [tilespmem:$0x330]  }
0xb2: {  	[tilespmem:$0x19A10] =	vst v0  }
0xb3: {  	v0 =	vld.idx.msk [tilespmem:v39+s3+$0x0], $0xffff;
	_ =	sdelay $0x3  }
0xb4: {  	v41 =	vld [tilespmem:$0x340]  }
0xb5: {  	[tilespmem:$0x19A20] =	vst v0  }
0xb6: {  	v0 =	vld.idx.msk [tilespmem:v40+s3+$0x0], $0xffff;
	_ =	sdelay $0x3  }
0xb7: {  	v42 =	vld [tilespmem:$0x350]  }
0xb8: {  	[tilespmem:$0x19A30] =	vst v0  }
0xb9: {  	v0 =	vld.idx.msk [tilespmem:v41+s3+$0x0], $0xffff;
	_ =	sdelay $0x3  }
0xba: {  	v43 =	vld [tilespmem:$0x360]  }
0xbb: {  	[tilespmem:$0x19A40] =	vst v0  }
0xbc: {  	v0 =	vld.idx.msk [tilespmem:v42+s3+$0x0], $0xffff;
	_ =	sdelay $0x3  }
0xbd: {  	v44 =	vld [tilespmem:$0x370]  }
0xbe: {  	[tilespmem:$0x19A50] =	vst v0  }
0xbf: {  	v0 =	vld.idx.msk [tilespmem:v43+s3+$0x0], $0xffff;
	_ =	sdelay $0x3  }
0xc0: {  	v45 =	vld [tilespmem:$0x380]  }
0xc1: {  	[tilespmem:$0x19A60] =	vst v0  }
0xc2: {  	v0 =	vld.idx.msk [tilespmem:v44+s3+$0x0], $0xffff;
	_ =	sdelay $0x3  }
0xc3: {  	v46 =	vld [tilespmem:$0x390]  }
0xc4: {  	[tilespmem:$0x19A70] =	vst v0  }
0xc5: {  	v0 =	vld.idx.msk [tilespmem:v45+s3+$0x0], $0xffff;
	_ =	sdelay $0x3  }
0xc6: {  	v47 =	vld [tilespmem:$0x3A0]  }
0xc7: {  	[tilespmem:$0x19A80] =	vst v0  }
0xc8: {  	v0 =	vld.idx.msk [tilespmem:v46+s3+$0x0], $0xffff;
	_ =	sdelay $0x3  }
0xc9: {  	v48 =	vld [tilespmem:$0x3B0]  }
0xca: {  	[tilespmem:$0x19A90] =	vst v0  }
0xcb: {  	v0 =	vld.idx.msk [tilespmem:v47+s3+$0x0], $0xffff;
	_ =	sdelay $0x3  }
0xcc: {  	v49 =	vld [tilespmem:$0x3C0]  }
0xcd: {  	[tilespmem:$0x19AA0] =	vst v0  }
0xce: {  	v0 =	vld.idx.msk [tilespmem:v48+s3+$0x0], $0xffff;
	_ =	sdelay $0x3  }
0xcf: {  	v50 =	vld [tilespmem:$0x3D0]  }
0xd0: {  	[tilespmem:$0x19AB0] =	vst v0  }
0xd1: {  	v0 =	vld.idx.msk [tilespmem:v49+s3+$0x0], $0xffff;
	_ =	sdelay $0x3  }
0xd2: {  	v51 =	vld [tilespmem:$0x3E0]  }
0xd3: {  	[tilespmem:$0x19AC0] =	vst v0  }
0xd4: {  	v0 =	vld.idx.msk [tilespmem:v50+s3+$0x0], $0xffff;
	_ =	sdelay $0x3  }
0xd5: {  	v52 =	vld [tilespmem:$0x3F0]  }
0xd6: {  	[tilespmem:$0x19AD0] =	vst v0  }
0xd7: {  	v0 =	vld.idx.msk [tilespmem:v51+s3+$0x0], $0xffff;
	_ =	sdelay $0x3  }
0xd8: {  	v53 =	vld [tilespmem:$0x400]  }
0xd9: {  	[tilespmem:$0x19AE0] =	vst v0  }
0xda: {  	v0 =	vld.idx.msk [tilespmem:v52+s3+$0x0], $0xffff;
	_ =	sdelay $0x3  }
0xdb: {  	v54 =	vld [tilespmem:$0x410]  }
0xdc: {  	[tilespmem:$0x19AF0] =	vst v0  }
0xdd: {  	v0 =	vld.idx.msk [tilespmem:v53+s3+$0x0], $0xffff;
	_ =	sdelay $0x3  }
0xde: {  	v55 =	vld [tilespmem:$0x420]  }
0xdf: {  	[tilespmem:$0x19B00] =	vst v0  }
0xe0: {  	v0 =	vld.idx.msk [tilespmem:v54+s3+$0x0], $0xffff;
	_ =	sdelay $0x3  }
0xe1: {  	v56 =	vld [tilespmem:$0x430]  }
0xe2: {  	[tilespmem:$0x19B10] =	vst v0  }
0xe3: {  	v0 =	vld.idx.msk [tilespmem:v55+s3+$0x0], $0xffff;
	_ =	sdelay $0x3  }
0xe4: {  	v57 =	vld [tilespmem:$0x440]  }
0xe5: {  	[tilespmem:$0x19B20] =	vst v0  }
0xe6: {  	v0 =	vld.idx.msk [tilespmem:v56+s3+$0x0], $0xffff;
	_ =	sdelay $0x3  }
0xe7: {  	v58 =	vld [tilespmem:$0x450]  }
0xe8: {  	[tilespmem:$0x19B30] =	vst v0  }
0xe9: {  	v0 =	vld.idx.msk [tilespmem:v57+s3+$0x0], $0xffff;
	_ =	sdelay $0x3  }
0xea: {  	v59 =	vld [tilespmem:$0x460]  }
0xeb: {  	[tilespmem:$0x19B40] =	vst v0  }
0xec: {  	v0 =	vld.idx.msk [tilespmem:v58+s3+$0x0], $0xffff;
	_ =	sdelay $0x3  }
0xed: {  	v60 =	vld [tilespmem:$0x470]  }
0xee: {  	[tilespmem:$0x19B50] =	vst v0  }
0xef: {  	v0 =	vld.idx.msk [tilespmem:v59+s3+$0x0], $0xffff;
	_ =	sdelay $0x3  }
0xf0: {  	v61 =	vld [tilespmem:$0x480]  }
0xf1: {  	[tilespmem:$0x19B60] =	vst v0  }
0xf2: {  	v0 =	vld.idx.msk [tilespmem:v60+s3+$0x0], $0xffff;
	_ =	sdelay $0x3  }
0xf3: {  	v62 =	vld [tilespmem:$0x490]  }
0xf4: {  	[tilespmem:$0x19B70] =	vst v0  }
0xf5: {  	v0 =	vld.idx.msk [tilespmem:v61+s3+$0x0], $0xffff;
	_ =	sdelay $0x3  }
0xf6: {  	v63 =	vld [tilespmem:$0x4A0]  }
0xf7: {  	[tilespmem:$0x19B80] =	vst v0  }
0xf8: {  	v0 =	vld.idx.msk [tilespmem:v62+s3+$0x0], $0xffff;
	_ =	sdelay $0x3  }
0xf9: {  	v4 =	vld [tilespmem:$0x4B0]  }
0xfa: {  	[tilespmem:$0x19B90] =	vst v0  }
0xfb: {  	v0 =	vld.idx.msk [tilespmem:v63+s3+$0x0], $0xffff;
	_ =	sdelay $0x3  }
0xfc: {  	v5 =	vld [tilespmem:$0x4C0]  }
0xfd: {  	[tilespmem:$0x19BA0] =	vst v0  }
0xfe: {  	v0 =	vld.idx.msk [tilespmem:v4+s3+$0x0], $0xffff;
	_ =	sdelay $0x3  }
0xff: {  	v6 =	vld [tilespmem:$0x4D0]  }
0x100: {  	[tilespmem:$0x19BB0] =	vst v0  }
0x101: {  	v0 =	vld.idx.msk [tilespmem:v5+s3+$0x0], $0xffff;
	_ =	sdelay $0x3  }
0x102: {  	v7 =	vld [tilespmem:$0x4E0]  }
0x103: {  	[tilespmem:$0x19BC0] =	vst v0  }
0x104: {  	v0 =	vld.idx.msk [tilespmem:v6+s3+$0x0], $0xffff;
	_ =	sdelay $0x3  }
0x105: {  	v8 =	vld [tilespmem:$0x4F0]  }
0x106: {  	[tilespmem:$0x19BD0] =	vst v0  }
0x107: {  	v0 =	vld.idx.msk [tilespmem:v7+s3+$0x0], $0xffff;
	_ =	sdelay $0x3  }
0x108: {  	v9 =	vld [tilespmem:$0x500]  }
0x109: {  	[tilespmem:$0x19BE0] =	vst v0  }
0x10a: {  	v0 =	vld.idx.msk [tilespmem:v8+s3+$0x0], $0xffff;
	_ =	sdelay $0x3  }
0x10b: {  	v10 =	vld [tilespmem:$0x510]  }
0x10c: {  	[tilespmem:$0x19BF0] =	vst v0  }
0x10d: {  	v0 =	vld.idx.msk [tilespmem:v9+s3+$0x0], $0xffff;
	_ =	sdelay $0x3  }
0x10e: {  	v11 =	vld [tilespmem:$0x520]  }
0x10f: {  	[tilespmem:$0x19C00] =	vst v0  }
0x110: {  	v0 =	vld.idx.msk [tilespmem:v10+s3+$0x0], $0xffff;
	_ =	sdelay $0x3  }
0x111: {  	v12 =	vld [tilespmem:$0x530]  }
0x112: {  	[tilespmem:$0x19C10] =	vst v0  }
0x113: {  	v0 =	vld.idx.msk [tilespmem:v11+s3+$0x0], $0xffff;
	_ =	sdelay $0x3  }
0x114: {  	v13 =	vld [tilespmem:$0x540]  }
0x115: {  	[tilespmem:$0x19C20] =	vst v0  }
0x116: {  	v0 =	vld.idx.msk [tilespmem:v12+s3+$0x0], $0xffff;
	_ =	sdelay $0x3  }
0x117: {  	v14 =	vld [tilespmem:$0x550]  }
0x118: {  	[tilespmem:$0x19C30] =	vst v0  }
0x119: {  	v0 =	vld.idx.msk [tilespmem:v13+s3+$0x0], $0xffff;
	_ =	sdelay $0x3  }
0x11a: {  	v15 =	vld [tilespmem:$0x560]  }
0x11b: {  	[tilespmem:$0x19C40] =	vst v0  }
0x11c: {  	v0 =	vld.idx.msk [tilespmem:v14+s3+$0x0], $0xffff;
	_ =	sdelay $0x3  }
0x11d: {  	v16 =	vld [tilespmem:$0x570]  }
0x11e: {  	[tilespmem:$0x19C50] =	vst v0  }
0x11f: {  	v0 =	vld.idx.msk [tilespmem:v15+s3+$0x0], $0xffff;
	_ =	sdelay $0x3  }
0x120: {  	v17 =	vld [tilespmem:$0x580]  }
0x121: {  	[tilespmem:$0x19C60] =	vst v0  }
0x122: {  	v0 =	vld.idx.msk [tilespmem:v16+s3+$0x0], $0xffff;
	_ =	sdelay $0x3  }
0x123: {  	v18 =	vld [tilespmem:$0x590]  }
0x124: {  	[tilespmem:$0x19C70] =	vst v0  }
0x125: {  	v0 =	vld.idx.msk [tilespmem:v17+s3+$0x0], $0xffff;
	_ =	sdelay $0x3  }
0x126: {  	v19 =	vld [tilespmem:$0x5A0]  }
0x127: {  	[tilespmem:$0x19C80] =	vst v0  }
0x128: {  	v0 =	vld.idx.msk [tilespmem:v18+s3+$0x0], $0xffff;
	_ =	sdelay $0x4  }
0x129: {  	[tilespmem:$0x19C90] =	vst v0  }
0x12a: {  	v0 =	vld.idx.msk [tilespmem:v19+s3+$0x0], $0xffff  }
0x12b: {  	v20 =	vld [tilespmem:$0x5B0];
	_ =	sdelay $0x5  }
0x12c: {  	v2 =	vld [tilespmem:$0x5C0]  }
0x12d: {  	[tilespmem:$0x19CA0] =	vst v0  }
0x12e: {  	v0 =	vld.idx.msk [tilespmem:v20+s3+$0x0], $0xffff;
	_ =	sdelay $0x3  }
0x12f: {  	v21 =	vld [tilespmem:$0x5D0]  }
0x130: {  	[tilespmem:$0x19CB0] =	vst v0  }
0x131: {  	v0 =	vld.idx.msk [tilespmem:v2+s3+$0x0], $0xffff;
	_ =	sdelay $0x3  }
0x132: {  	v22 =	vld [tilespmem:$0x5E0]  }
0x133: {  	[tilespmem:$0x19CC0] =	vst v0  }
0x134: {  	v0 =	vld.idx.msk [tilespmem:v21+s3+$0x0], $0xffff;
	_ =	sdelay $0x3  }
0x135: {  	v23 =	vld [tilespmem:$0x5F0]  }
0x136: {  	[tilespmem:$0x19CD0] =	vst v0  }
0x137: {  	v0 =	vld.idx.msk [tilespmem:v22+s3+$0x0], $0xffff;
	_ =	sdelay $0x3  }
0x138: {  	v24 =	vld [tilespmem:$0x600]  }
0x139: {  	[tilespmem:$0x19CE0] =	vst v0  }
0x13a: {  	v0 =	vld.idx.msk [tilespmem:v23+s3+$0x0], $0xffff;
	_ =	sdelay $0x3  }
0x13b: {  	v25 =	vld [tilespmem:$0x610]  }
0x13c: {  	[tilespmem:$0x19CF0] =	vst v0  }
0x13d: {  	v0 =	vld.idx.msk [tilespmem:v24+s3+$0x0], $0xffff;
	_ =	sdelay $0x3  }
0x13e: {  	v26 =	vld [tilespmem:$0x620]  }
0x13f: {  	[tilespmem:$0x19D00] =	vst v0  }
0x140: {  	v0 =	vld.idx.msk [tilespmem:v25+s3+$0x0], $0xffff;
	_ =	sdelay $0x3  }
0x141: {  	v27 =	vld [tilespmem:$0x630]  }
0x142: {  	[tilespmem:$0x19D10] =	vst v0  }
0x143: {  	v0 =	vld.idx.msk [tilespmem:v26+s3+$0x0], $0xffff;
	_ =	sdelay $0x3  }
0x144: {  	v28 =	vld [tilespmem:$0x640]  }
0x145: {  	[tilespmem:$0x19D20] =	vst v0  }
0x146: {  	v0 =	vld.idx.msk [tilespmem:v27+s3+$0x0], $0xffff;
	_ =	sdelay $0x3  }
0x147: {  	v29 =	vld [tilespmem:$0x650]  }
0x148: {  	[tilespmem:$0x19D30] =	vst v0  }
0x149: {  	v0 =	vld.idx.msk [tilespmem:v28+s3+$0x0], $0xffff;
	_ =	sdelay $0x3  }
0x14a: {  	v30 =	vld [tilespmem:$0x660]  }
0x14b: {  	[tilespmem:$0x19D40] =	vst v0  }
0x14c: {  	v0 =	vld.idx.msk [tilespmem:v29+s3+$0x0], $0xffff;
	_ =	sdelay $0x3  }
0x14d: {  	v31 =	vld [tilespmem:$0x670]  }
0x14e: {  	[tilespmem:$0x19D50] =	vst v0  }
0x14f: {  	v0 =	vld.idx.msk [tilespmem:v30+s3+$0x0], $0xffff;
	_ =	sdelay $0x3  }
0x150: {  	v32 =	vld [tilespmem:$0x680]  }
0x151: {  	[tilespmem:$0x19D60] =	vst v0  }
0x152: {  	v0 =	vld.idx.msk [tilespmem:v31+s3+$0x0], $0xffff;
	_ =	sdelay $0x3  }
0x153: {  	v33 =	vld [tilespmem:$0x690]  }
0x154: {  	[tilespmem:$0x19D70] =	vst v0  }
0x155: {  	v0 =	vld.idx.msk [tilespmem:v32+s3+$0x0], $0xffff;
	_ =	sdelay $0x3  }
0x156: {  	v34 =	vld [tilespmem:$0x6A0]  }
0x157: {  	[tilespmem:$0x19D80] =	vst v0  }
0x158: {  	v0 =	vld.idx.msk [tilespmem:v33+s3+$0x0], $0xffff;
	_ =	sdelay $0x3  }
0x159: {  	v35 =	vld [tilespmem:$0x6B0]  }
0x15a: {  	[tilespmem:$0x19D90] =	vst v0  }
0x15b: {  	v0 =	vld.idx.msk [tilespmem:v34+s3+$0x0], $0xffff;
	_ =	sdelay $0x3  }
0x15c: {  	v36 =	vld [tilespmem:$0x6C0]  }
0x15d: {  	[tilespmem:$0x19DA0] =	vst v0  }
0x15e: {  	v0 =	vld.idx.msk [tilespmem:v35+s3+$0x0], $0xffff;
	_ =	sdelay $0x3  }
0x15f: {  	v37 =	vld [tilespmem:$0x6D0]  }
0x160: {  	[tilespmem:$0x19DB0] =	vst v0  }
0x161: {  	v0 =	vld.idx.msk [tilespmem:v36+s3+$0x0], $0xffff;
	_ =	sdelay $0x3  }
0x162: {  	v38 =	vld [tilespmem:$0x6E0]  }
0x163: {  	[tilespmem:$0x19DC0] =	vst v0  }
0x164: {  	v0 =	vld.idx.msk [tilespmem:v37+s3+$0x0], $0xffff;
	_ =	sdelay $0x3  }
0x165: {  	v39 =	vld [tilespmem:$0x6F0]  }
0x166: {  	[tilespmem:$0x19DD0] =	vst v0  }
0x167: {  	v0 =	vld.idx.msk [tilespmem:v38+s3+$0x0], $0xffff;
	_ =	sdelay $0x3  }
0x168: {  	v40 =	vld [tilespmem:$0x700]  }
0x169: {  	[tilespmem:$0x19DE0] =	vst v0  }
0x16a: {  	v0 =	vld.idx.msk [tilespmem:v39+s3+$0x0], $0xffff;
	_ =	sdelay $0x3  }
0x16b: {  	v41 =	vld [tilespmem:$0x710]  }
0x16c: {  	[tilespmem:$0x19DF0] =	vst v0  }
0x16d: {  	v0 =	vld.idx.msk [tilespmem:v40+s3+$0x0], $0xffff;
	_ =	sdelay $0x3  }
0x16e: {  	v42 =	vld [tilespmem:$0x720]  }
0x16f: {  	[tilespmem:$0x19E00] =	vst v0  }
0x170: {  	v0 =	vld.idx.msk [tilespmem:v41+s3+$0x0], $0xffff;
	_ =	sdelay $0x3  }
0x171: {  	v43 =	vld [tilespmem:$0x730]  }
0x172: {  	[tilespmem:$0x19E10] =	vst v0  }
0x173: {  	v0 =	vld.idx.msk [tilespmem:v42+s3+$0x0], $0xffff;
	_ =	sdelay $0x3  }
0x174: {  	v44 =	vld [tilespmem:$0x740]  }
0x175: {  	[tilespmem:$0x19E20] =	vst v0  }
0x176: {  	v0 =	vld.idx.msk [tilespmem:v43+s3+$0x0], $0xffff;
	_ =	sdelay $0x3  }
0x177: {  	v45 =	vld [tilespmem:$0x750]  }
0x178: {  	[tilespmem:$0x19E30] =	vst v0  }
0x179: {  	v0 =	vld.idx.msk [tilespmem:v44+s3+$0x0], $0xffff;
	_ =	sdelay $0x3  }
0x17a: {  	v46 =	vld [tilespmem:$0x760]  }
0x17b: {  	[tilespmem:$0x19E40] =	vst v0  }
0x17c: {  	v0 =	vld.idx.msk [tilespmem:v45+s3+$0x0], $0xffff;
	_ =	sdelay $0x3  }
0x17d: {  	v47 =	vld [tilespmem:$0x770]  }
0x17e: {  	[tilespmem:$0x19E50] =	vst v0  }
0x17f: {  	v0 =	vld.idx.msk [tilespmem:v46+s3+$0x0], $0xffff;
	_ =	sdelay $0x3  }
0x180: {  	v48 =	vld [tilespmem:$0x780]  }
0x181: {  	[tilespmem:$0x19E60] =	vst v0  }
0x182: {  	v0 =	vld.idx.msk [tilespmem:v47+s3+$0x0], $0xffff;
	_ =	sdelay $0x3  }
0x183: {  	v49 =	vld [tilespmem:$0x790]  }
0x184: {  	[tilespmem:$0x19E70] =	vst v0  }
0x185: {  	v0 =	vld.idx.msk [tilespmem:v48+s3+$0x0], $0xffff;
	_ =	sdelay $0x3  }
0x186: {  	v50 =	vld [tilespmem:$0x7A0]  }
0x187: {  	[tilespmem:$0x19E80] =	vst v0  }
0x188: {  	v0 =	vld.idx.msk [tilespmem:v49+s3+$0x0], $0xffff;
	_ =	sdelay $0x3  }
0x189: {  	v51 =	vld [tilespmem:$0x7B0]  }
0x18a: {  	[tilespmem:$0x19E90] =	vst v0  }
0x18b: {  	v0 =	vld.idx.msk [tilespmem:v50+s3+$0x0], $0xffff;
	_ =	sdelay $0x3  }
0x18c: {  	v52 =	vld [tilespmem:$0x7C0]  }
0x18d: {  	[tilespmem:$0x19EA0] =	vst v0  }
0x18e: {  	v0 =	vld.idx.msk [tilespmem:v51+s3+$0x0], $0xffff;
	_ =	sdelay $0x3  }
0x18f: {  	v53 =	vld [tilespmem:$0x7D0]  }
0x190: {  	[tilespmem:$0x19EB0] =	vst v0  }
0x191: {  	v0 =	vld.idx.msk [tilespmem:v52+s3+$0x0], $0xffff;
	_ =	sdelay $0x3  }
0x192: {  	v54 =	vld [tilespmem:$0x7E0]  }
0x193: {  	[tilespmem:$0x19EC0] =	vst v0  }
0x194: {  	v0 =	vld.idx.msk [tilespmem:v53+s3+$0x0], $0xffff;
	_ =	sdelay $0x3  }
0x195: {  	v55 =	vld [tilespmem:$0x7F0]  }
0x196: {  	[tilespmem:$0x19ED0] =	vst v0  }
0x197: {  	v0 =	vld.idx.msk [tilespmem:v54+s3+$0x0], $0xffff;
	_ =	sdelay $0x3  }
0x198: {  	v56 =	vld [tilespmem:$0x800]  }
0x199: {  	[tilespmem:$0x19EE0] =	vst v0  }
0x19a: {  	v0 =	vld.idx.msk [tilespmem:v55+s3+$0x0], $0xffff;
	_ =	sdelay $0x3  }
0x19b: {  	v57 =	vld [tilespmem:$0x810]  }
0x19c: {  	[tilespmem:$0x19EF0] =	vst v0  }
0x19d: {  	v0 =	vld.idx.msk [tilespmem:v56+s3+$0x0], $0xffff;
	_ =	sdelay $0x3  }
0x19e: {  	v58 =	vld [tilespmem:$0x820]  }
0x19f: {  	[tilespmem:$0x19F00] =	vst v0  }
0x1a0: {  	v0 =	vld.idx.msk [tilespmem:v57+s3+$0x0], $0xffff;
	_ =	sdelay $0x3  }
0x1a1: {  	v59 =	vld [tilespmem:$0x830]  }
0x1a2: {  	[tilespmem:$0x19F10] =	vst v0  }
0x1a3: {  	v0 =	vld.idx.msk [tilespmem:v58+s3+$0x0], $0xffff;
	_ =	sdelay $0x3  }
0x1a4: {  	v60 =	vld [tilespmem:$0x840]  }
0x1a5: {  	[tilespmem:$0x19F20] =	vst v0  }
0x1a6: {  	v0 =	vld.idx.msk [tilespmem:v59+s3+$0x0], $0xffff;
	_ =	sdelay $0x3  }
0x1a7: {  	v61 =	vld [tilespmem:$0x850]  }
0x1a8: {  	[tilespmem:$0x19F30] =	vst v0  }
0x1a9: {  	v0 =	vld.idx.msk [tilespmem:v60+s3+$0x0], $0xffff;
	_ =	sdelay $0x3  }
0x1aa: {  	v62 =	vld [tilespmem:$0x860]  }
0x1ab: {  	[tilespmem:$0x19F40] =	vst v0  }
0x1ac: {  	v0 =	vld.idx.msk [tilespmem:v61+s3+$0x0], $0xffff;
	_ =	sdelay $0x3  }
0x1ad: {  	v63 =	vld [tilespmem:$0x870]  }
0x1ae: {  	[tilespmem:$0x19F50] =	vst v0  }
0x1af: {  	v0 =	vld.idx.msk [tilespmem:v62+s3+$0x0], $0xffff;
	_ =	sdelay $0x3  }
0x1b0: {  	v4 =	vld [tilespmem:$0x880]  }
0x1b1: {  	[tilespmem:$0x19F60] =	vst v0  }
0x1b2: {  	v0 =	vld.idx.msk [tilespmem:v63+s3+$0x0], $0xffff;
	_ =	sdelay $0x3  }
0x1b3: {  	v5 =	vld [tilespmem:$0x890]  }
0x1b4: {  	[tilespmem:$0x19F70] =	vst v0  }
0x1b5: {  	v0 =	vld.idx.msk [tilespmem:v4+s3+$0x0], $0xffff;
	_ =	sdelay $0x3  }
0x1b6: {  	v6 =	vld [tilespmem:$0x8A0]  }
0x1b7: {  	[tilespmem:$0x19F80] =	vst v0  }
0x1b8: {  	v0 =	vld.idx.msk [tilespmem:v5+s3+$0x0], $0xffff;
	_ =	sdelay $0x3  }
0x1b9: {  	v7 =	vld [tilespmem:$0x8B0]  }
0x1ba: {  	[tilespmem:$0x19F90] =	vst v0  }
0x1bb: {  	v0 =	vld.idx.msk [tilespmem:v6+s3+$0x0], $0xffff;
	_ =	sdelay $0x3  }
0x1bc: {  	v8 =	vld [tilespmem:$0x8C0]  }
0x1bd: {  	[tilespmem:$0x19FA0] =	vst v0  }
0x1be: {  	v0 =	vld.idx.msk [tilespmem:v7+s3+$0x0], $0xffff;
	_ =	sdelay $0x3  }
0x1bf: {  	v9 =	vld [tilespmem:$0x8D0]  }
0x1c0: {  	[tilespmem:$0x19FB0] =	vst v0  }
0x1c1: {  	v0 =	vld.idx.msk [tilespmem:v8+s3+$0x0], $0xffff;
	_ =	sdelay $0x3  }
0x1c2: {  	v10 =	vld [tilespmem:$0x8E0]  }
0x1c3: {  	[tilespmem:$0x19FC0] =	vst v0  }
0x1c4: {  	v0 =	vld.idx.msk [tilespmem:v9+s3+$0x0], $0xffff;
	_ =	sdelay $0x3  }
0x1c5: {  	v11 =	vld [tilespmem:$0x8F0]  }
0x1c6: {  	[tilespmem:$0x19FD0] =	vst v0  }
0x1c7: {  	v0 =	vld.idx.msk [tilespmem:v10+s3+$0x0], $0xffff;
	_ =	sdelay $0x3  }
0x1c8: {  	v12 =	vld [tilespmem:$0x900]  }
0x1c9: {  	[tilespmem:$0x19FE0] =	vst v0  }
0x1ca: {  	v0 =	vld.idx.msk [tilespmem:v11+s3+$0x0], $0xffff;
	_ =	sdelay $0x3  }
0x1cb: {  	v13 =	vld [tilespmem:$0x910]  }
0x1cc: {  	[tilespmem:$0x19FF0] =	vst v0  }
0x1cd: {  	v0 =	vld.idx.msk [tilespmem:v12+s3+$0x0], $0xffff;
	_ =	sdelay $0x3  }
0x1ce: {  	v14 =	vld [tilespmem:$0x920]  }
0x1cf: {  	[tilespmem:$0x1A000] =	vst v0  }
0x1d0: {  	v0 =	vld.idx.msk [tilespmem:v13+s3+$0x0], $0xffff;
	_ =	sdelay $0x3  }
0x1d1: {  	v15 =	vld [tilespmem:$0x930]  }
0x1d2: {  	[tilespmem:$0x1A010] =	vst v0  }
0x1d3: {  	v0 =	vld.idx.msk [tilespmem:v14+s3+$0x0], $0xffff;
	_ =	sdelay $0x3  }
0x1d4: {  	v16 =	vld [tilespmem:$0x940]  }
0x1d5: {  	[tilespmem:$0x1A020] =	vst v0  }
0x1d6: {  	v0 =	vld.idx.msk [tilespmem:v15+s3+$0x0], $0xffff;
	_ =	sdelay $0x3  }
0x1d7: {  	v17 =	vld [tilespmem:$0x950]  }
0x1d8: {  	[tilespmem:$0x1A030] =	vst v0  }
0x1d9: {  	v0 =	vld.idx.msk [tilespmem:v16+s3+$0x0], $0xffff;
	_ =	sdelay $0x3  }
0x1da: {  	v18 =	vld [tilespmem:$0x960]  }
0x1db: {  	[tilespmem:$0x1A040] =	vst v0  }
0x1dc: {  	v0 =	vld.idx.msk [tilespmem:v17+s3+$0x0], $0xffff;
	_ =	sdelay $0x3  }
0x1dd: {  	v19 =	vld [tilespmem:$0x970]  }
0x1de: {  	[tilespmem:$0x1A050] =	vst v0  }
0x1df: {  	v0 =	vld.idx.msk [tilespmem:v18+s3+$0x0], $0xffff;
	_ =	sdelay $0x3  }
0x1e0: {  	v20 =	vld [tilespmem:$0x980]  }
0x1e1: {  	[tilespmem:$0x1A060] =	vst v0  }
0x1e2: {  	v0 =	vld.idx.msk [tilespmem:v19+s3+$0x0], $0xffff;
	_ =	sdelay $0x3  }
0x1e3: {  	v21 =	vld [tilespmem:$0x990]  }
0x1e4: {  	[tilespmem:$0x1A070] =	vst v0  }
0x1e5: {  	v0 =	vld.idx.msk [tilespmem:v20+s3+$0x0], $0xffff;
	_ =	sdelay $0x3  }
0x1e6: {  	v22 =	vld [tilespmem:$0x9A0]  }
0x1e7: {  	[tilespmem:$0x1A080] =	vst v0  }
0x1e8: {  	v0 =	vld.idx.msk [tilespmem:v21+s3+$0x0], $0xffff;
	_ =	sdelay $0x3  }
0x1e9: {  	v23 =	vld [tilespmem:$0x9B0]  }
0x1ea: {  	[tilespmem:$0x1A090] =	vst v0  }
0x1eb: {  	v0 =	vld.idx.msk [tilespmem:v22+s3+$0x0], $0xffff;
	_ =	sdelay $0x3  }
0x1ec: {  	v24 =	vld [tilespmem:$0x9C0]  }
0x1ed: {  	[tilespmem:$0x1A0A0] =	vst v0  }
0x1ee: {  	v0 =	vld.idx.msk [tilespmem:v23+s3+$0x0], $0xffff;
	_ =	sdelay $0x3  }
0x1ef: {  	v25 =	vld [tilespmem:$0x9D0]  }
0x1f0: {  	[tilespmem:$0x1A0B0] =	vst v0  }
0x1f1: {  	v0 =	vld.idx.msk [tilespmem:v24+s3+$0x0], $0xffff;
	_ =	sdelay $0x3  }
0x1f2: {  	v26 =	vld [tilespmem:$0x9E0]  }
0x1f3: {  	[tilespmem:$0x1A0C0] =	vst v0  }
0x1f4: {  	v0 =	vld.idx.msk [tilespmem:v25+s3+$0x0], $0xffff;
	_ =	sdelay $0x3  }
0x1f5: {  	v27 =	vld [tilespmem:$0x9F0]  }
0x1f6: {  	[tilespmem:$0x1A0D0] =	vst v0  }
0x1f7: {  	v0 =	vld.idx.msk [tilespmem:v26+s3+$0x0], $0xffff;
	_ =	sdelay $0x3  }
0x1f8: {  	v28 =	vld [tilespmem:$0xA00]  }
0x1f9: {  	[tilespmem:$0x1A0E0] =	vst v0  }
0x1fa: {  	v0 =	vld.idx.msk [tilespmem:v27+s3+$0x0], $0xffff;
	_ =	sdelay $0x3  }
0x1fb: {  	v29 =	vld [tilespmem:$0xA10]  }
0x1fc: {  	[tilespmem:$0x1A0F0] =	vst v0  }
0x1fd: {  	v0 =	vld.idx.msk [tilespmem:v28+s3+$0x0], $0xffff;
	_ =	sdelay $0x3  }
0x1fe: {  	v30 =	vld [tilespmem:$0xA20]  }
0x1ff: {  	[tilespmem:$0x1A100] =	vst v0  }
0x200: {  	v0 =	vld.idx.msk [tilespmem:v29+s3+$0x0], $0xffff;
	_ =	sdelay $0x3  }
0x201: {  	v31 =	vld [tilespmem:$0xA30]  }
0x202: {  	[tilespmem:$0x1A110] =	vst v0  }
0x203: {  	v0 =	vld.idx.msk [tilespmem:v30+s3+$0x0], $0xffff;
	_ =	sdelay $0x3  }
0x204: {  	v32 =	vld [tilespmem:$0xA40]  }
0x205: {  	[tilespmem:$0x1A120] =	vst v0  }
0x206: {  	v0 =	vld.idx.msk [tilespmem:v31+s3+$0x0], $0xffff;
	_ =	sdelay $0x3  }
0x207: {  	v33 =	vld [tilespmem:$0xA50]  }
0x208: {  	[tilespmem:$0x1A130] =	vst v0  }
0x209: {  	v0 =	vld.idx.msk [tilespmem:v32+s3+$0x0], $0xffff;
	_ =	sdelay $0x3  }
0x20a: {  	v34 =	vld [tilespmem:$0xA60]  }
0x20b: {  	[tilespmem:$0x1A140] =	vst v0  }
0x20c: {  	v0 =	vld.idx.msk [tilespmem:v33+s3+$0x0], $0xffff;
	_ =	sdelay $0x3  }
0x20d: {  	v35 =	vld [tilespmem:$0xA70]  }
0x20e: {  	[tilespmem:$0x1A150] =	vst v0  }
0x20f: {  	v0 =	vld.idx.msk [tilespmem:v34+s3+$0x0], $0xffff;
	_ =	sdelay $0x3  }
0x210: {  	v36 =	vld [tilespmem:$0xA80]  }
0x211: {  	[tilespmem:$0x1A160] =	vst v0  }
0x212: {  	v0 =	vld.idx.msk [tilespmem:v35+s3+$0x0], $0xffff;
	_ =	sdelay $0x3  }
0x213: {  	v37 =	vld [tilespmem:$0xA90]  }
0x214: {  	[tilespmem:$0x1A170] =	vst v0  }
0x215: {  	v0 =	vld.idx.msk [tilespmem:v36+s3+$0x0], $0xffff;
	_ =	sdelay $0x3  }
0x216: {  	v38 =	vld [tilespmem:$0xAA0]  }
0x217: {  	[tilespmem:$0x1A180] =	vst v0  }
0x218: {  	v0 =	vld.idx.msk [tilespmem:v37+s3+$0x0], $0xffff;
	_ =	sdelay $0x3  }
0x219: {  	v39 =	vld [tilespmem:$0xAB0]  }
0x21a: {  	[tilespmem:$0x1A190] =	vst v0  }
0x21b: {  	v0 =	vld.idx.msk [tilespmem:v38+s3+$0x0], $0xffff;
	_ =	sdelay $0x3  }
0x21c: {  	v40 =	vld [tilespmem:$0xAC0]  }
0x21d: {  	[tilespmem:$0x1A1A0] =	vst v0  }
0x21e: {  	v0 =	vld.idx.msk [tilespmem:v39+s3+$0x0], $0xffff;
	_ =	sdelay $0x3  }
0x21f: {  	v41 =	vld [tilespmem:$0xAD0]  }
0x220: {  	[tilespmem:$0x1A1B0] =	vst v0  }
0x221: {  	v0 =	vld.idx.msk [tilespmem:v40+s3+$0x0], $0xffff;
	_ =	sdelay $0x3  }
0x222: {  	v42 =	vld [tilespmem:$0xAE0]  }
0x223: {  	[tilespmem:$0x1A1C0] =	vst v0  }
0x224: {  	v0 =	vld.idx.msk [tilespmem:v41+s3+$0x0], $0xffff;
	_ =	sdelay $0x3  }
0x225: {  	v43 =	vld [tilespmem:$0xAF0]  }
0x226: {  	[tilespmem:$0x1A1D0] =	vst v0  }
0x227: {  	v0 =	vld.idx.msk [tilespmem:v42+s3+$0x0], $0xffff;
	_ =	sdelay $0x3  }
0x228: {  	v44 =	vld [tilespmem:$0xB00]  }
0x229: {  	[tilespmem:$0x1A1E0] =	vst v0  }
0x22a: {  	v0 =	vld.idx.msk [tilespmem:v43+s3+$0x0], $0xffff;
	_ =	sdelay $0x3  }
0x22b: {  	v45 =	vld [tilespmem:$0xB10]  }
0x22c: {  	[tilespmem:$0x1A1F0] =	vst v0  }
0x22d: {  	v0 =	vld.idx.msk [tilespmem:v44+s3+$0x0], $0xffff;
	_ =	sdelay $0x3  }
0x22e: {  	v46 =	vld [tilespmem:$0xB20]  }
0x22f: {  	[tilespmem:$0x1A200] =	vst v0  }
0x230: {  	v0 =	vld.idx.msk [tilespmem:v45+s3+$0x0], $0xffff;
	_ =	sdelay $0x3  }
0x231: {  	v47 =	vld [tilespmem:$0xB30]  }
0x232: {  	[tilespmem:$0x1A210] =	vst v0  }
0x233: {  	v0 =	vld.idx.msk [tilespmem:v46+s3+$0x0], $0xffff;
	_ =	sdelay $0x3  }
0x234: {  	v48 =	vld [tilespmem:$0xB40]  }
0x235: {  	[tilespmem:$0x1A220] =	vst v0  }
0x236: {  	v0 =	vld.idx.msk [tilespmem:v47+s3+$0x0], $0xffff;
	_ =	sdelay $0x3  }
0x237: {  	v49 =	vld [tilespmem:$0xB50]  }
0x238: {  	[tilespmem:$0x1A230] =	vst v0  }
0x239: {  	v0 =	vld.idx.msk [tilespmem:v48+s3+$0x0], $0xffff;
	_ =	sdelay $0x3  }
0x23a: {  	v50 =	vld [tilespmem:$0xB60]  }
0x23b: {  	[tilespmem:$0x1A240] =	vst v0  }
0x23c: {  	v0 =	vld.idx.msk [tilespmem:v49+s3+$0x0], $0xffff;
	_ =	sdelay $0x3  }
0x23d: {  	v51 =	vld [tilespmem:$0xB70]  }
0x23e: {  	[tilespmem:$0x1A250] =	vst v0  }
0x23f: {  	v0 =	vld.idx.msk [tilespmem:v50+s3+$0x0], $0xffff;
	_ =	sdelay $0x3  }
0x240: {  	v52 =	vld [tilespmem:$0xB80]  }
0x241: {  	[tilespmem:$0x1A260] =	vst v0  }
0x242: {  	v0 =	vld.idx.msk [tilespmem:v51+s3+$0x0], $0xffff;
	_ =	sdelay $0x3  }
0x243: {  	v53 =	vld [tilespmem:$0xB90]  }
0x244: {  	[tilespmem:$0x1A270] =	vst v0  }
0x245: {  	v0 =	vld.idx.msk [tilespmem:v52+s3+$0x0], $0xffff;
	_ =	sdelay $0x3  }
0x246: {  	v54 =	vld [tilespmem:$0xBA0]  }
0x247: {  	[tilespmem:$0x1A280] =	vst v0  }
0x248: {  	v0 =	vld.idx.msk [tilespmem:v53+s3+$0x0], $0xffff;
	_ =	sdelay $0x3  }
0x249: {  	v55 =	vld [tilespmem:$0xBB0]  }
0x24a: {  	[tilespmem:$0x1A290] =	vst v0  }
0x24b: {  	v0 =	vld.idx.msk [tilespmem:v54+s3+$0x0], $0xffff;
	_ =	sdelay $0x3  }
0x24c: {  	v56 =	vld [tilespmem:$0xBC0]  }
0x24d: {  	[tilespmem:$0x1A2A0] =	vst v0  }
0x24e: {  	v0 =	vld.idx.msk [tilespmem:v55+s3+$0x0], $0xffff;
	_ =	sdelay $0x3  }
0x24f: {  	v57 =	vld [tilespmem:$0xBD0]  }
0x250: {  	[tilespmem:$0x1A2B0] =	vst v0  }
0x251: {  	v0 =	vld.idx.msk [tilespmem:v56+s3+$0x0], $0xffff;
	_ =	sdelay $0x3  }
0x252: {  	v58 =	vld [tilespmem:$0xBE0]  }
0x253: {  	[tilespmem:$0x1A2C0] =	vst v0  }
0x254: {  	v0 =	vld.idx.msk [tilespmem:v57+s3+$0x0], $0xffff;
	_ =	sdelay $0x3  }
0x255: {  	v59 =	vld [tilespmem:$0xBF0]  }
0x256: {  	[tilespmem:$0x1A2D0] =	vst v0  }
0x257: {  	v0 =	vld.idx.msk [tilespmem:v58+s3+$0x0], $0xffff;
	_ =	sdelay $0x3  }
0x258: {  	v60 =	vld [tilespmem:$0xC00]  }
0x259: {  	[tilespmem:$0x1A2E0] =	vst v0  }
0x25a: {  	v0 =	vld.idx.msk [tilespmem:v59+s3+$0x0], $0xffff;
	_ =	sdelay $0x3  }
0x25b: {  	v61 =	vld [tilespmem:$0xC10]  }
0x25c: {  	[tilespmem:$0x1A2F0] =	vst v0  }
0x25d: {  	v0 =	vld.idx.msk [tilespmem:v60+s3+$0x0], $0xffff;
	_ =	sdelay $0x3  }
0x25e: {  	v62 =	vld [tilespmem:$0xC20]  }
0x25f: {  	[tilespmem:$0x1A300] =	vst v0  }
0x260: {  	v0 =	vld.idx.msk [tilespmem:v61+s3+$0x0], $0xffff;
	_ =	sdelay $0x3  }
0x261: {  	v63 =	vld [tilespmem:$0xC30]  }
0x262: {  	[tilespmem:$0x1A310] =	vst v0  }
0x263: {  	v0 =	vld.idx.msk [tilespmem:v62+s3+$0x0], $0xffff;
	_ =	sdelay $0x3  }
0x264: {  	v4 =	vld [tilespmem:$0xC40]  }
0x265: {  	[tilespmem:$0x1A320] =	vst v0  }
0x266: {  	v0 =	vld.idx.msk [tilespmem:v63+s3+$0x0], $0xffff;
	_ =	sdelay $0x3  }
0x267: {  	v5 =	vld [tilespmem:$0xC50]  }
0x268: {  	[tilespmem:$0x1A330] =	vst v0  }
0x269: {  	v0 =	vld.idx.msk [tilespmem:v4+s3+$0x0], $0xffff;
	_ =	sdelay $0x3  }
0x26a: {  	v6 =	vld [tilespmem:$0xC60]  }
0x26b: {  	[tilespmem:$0x1A340] =	vst v0  }
0x26c: {  	v0 =	vld.idx.msk [tilespmem:v5+s3+$0x0], $0xffff;
	_ =	sdelay $0x3  }
0x26d: {  	v7 =	vld [tilespmem:$0xC70]  }
0x26e: {  	[tilespmem:$0x1A350] =	vst v0  }
0x26f: {  	v0 =	vld.idx.msk [tilespmem:v6+s3+$0x0], $0xffff;
	_ =	sdelay $0x3  }
0x270: {  	v8 =	vld [tilespmem:$0xC80]  }
0x271: {  	[tilespmem:$0x1A360] =	vst v0  }
0x272: {  	v0 =	vld.idx.msk [tilespmem:v7+s3+$0x0], $0xffff;
	_ =	sdelay $0x3  }
0x273: {  	v9 =	vld [tilespmem:$0xC90]  }
0x274: {  	[tilespmem:$0x1A370] =	vst v0  }
0x275: {  	v0 =	vld.idx.msk [tilespmem:v8+s3+$0x0], $0xffff;
	_ =	sdelay $0x3  }
0x276: {  	v10 =	vld [tilespmem:$0xCA0]  }
0x277: {  	[tilespmem:$0x1A380] =	vst v0  }
0x278: {  	v0 =	vld.idx.msk [tilespmem:v9+s3+$0x0], $0xffff;
	_ =	sdelay $0x3  }
0x279: {  	v11 =	vld [tilespmem:$0xCB0]  }
0x27a: {  	[tilespmem:$0x1A390] =	vst v0  }
0x27b: {  	v0 =	vld.idx.msk [tilespmem:v10+s3+$0x0], $0xffff;
	_ =	sdelay $0x3  }
0x27c: {  	v12 =	vld [tilespmem:$0xCC0]  }
0x27d: {  	[tilespmem:$0x1A3A0] =	vst v0  }
0x27e: {  	v0 =	vld.idx.msk [tilespmem:v11+s3+$0x0], $0xffff;
	_ =	sdelay $0x3  }
0x27f: {  	v13 =	vld [tilespmem:$0xCD0]  }
0x280: {  	[tilespmem:$0x1A3B0] =	vst v0  }
0x281: {  	v0 =	vld.idx.msk [tilespmem:v12+s3+$0x0], $0xffff;
	_ =	sdelay $0x3  }
0x282: {  	v14 =	vld [tilespmem:$0xCE0]  }
0x283: {  	[tilespmem:$0x1A3C0] =	vst v0  }
0x284: {  	v0 =	vld.idx.msk [tilespmem:v13+s3+$0x0], $0xffff;
	_ =	sdelay $0x3  }
0x285: {  	v15 =	vld [tilespmem:$0xCF0]  }
0x286: {  	[tilespmem:$0x1A3D0] =	vst v0  }
0x287: {  	v0 =	vld.idx.msk [tilespmem:v14+s3+$0x0], $0xffff;
	_ =	sdelay $0x3  }
0x288: {  	v16 =	vld [tilespmem:$0xD00]  }
0x289: {  	[tilespmem:$0x1A3E0] =	vst v0  }
0x28a: {  	v0 =	vld.idx.msk [tilespmem:v15+s3+$0x0], $0xffff;
	_ =	sdelay $0x3  }
0x28b: {  	v17 =	vld [tilespmem:$0xD10]  }
0x28c: {  	[tilespmem:$0x1A3F0] =	vst v0  }
0x28d: {  	v0 =	vld.idx.msk [tilespmem:v16+s3+$0x0], $0xffff;
	_ =	sdelay $0x3  }
0x28e: {  	v18 =	vld [tilespmem:$0xD20]  }
0x28f: {  	[tilespmem:$0x1A400] =	vst v0  }
0x290: {  	v0 =	vld.idx.msk [tilespmem:v17+s3+$0x0], $0xffff;
	_ =	sdelay $0x3  }
0x291: {  	v19 =	vld [tilespmem:$0xD30]  }
0x292: {  	[tilespmem:$0x1A410] =	vst v0  }
0x293: {  	v0 =	vld.idx.msk [tilespmem:v18+s3+$0x0], $0xffff;
	_ =	sdelay $0x3  }
0x294: {  	v20 =	vld [tilespmem:$0xD40]  }
0x295: {  	[tilespmem:$0x1A420] =	vst v0  }
0x296: {  	v0 =	vld.idx.msk [tilespmem:v19+s3+$0x0], $0xffff;
	_ =	sdelay $0x3  }
0x297: {  	v21 =	vld [tilespmem:$0xD50]  }
0x298: {  	[tilespmem:$0x1A430] =	vst v0  }
0x299: {  	v0 =	vld.idx.msk [tilespmem:v20+s3+$0x0], $0xffff;
	_ =	sdelay $0x3  }
0x29a: {  	v22 =	vld [tilespmem:$0xD60]  }
0x29b: {  	[tilespmem:$0x1A440] =	vst v0  }
0x29c: {  	v0 =	vld.idx.msk [tilespmem:v21+s3+$0x0], $0xffff;
	_ =	sdelay $0x3  }
0x29d: {  	v23 =	vld [tilespmem:$0xD70]  }
0x29e: {  	[tilespmem:$0x1A450] =	vst v0  }
0x29f: {  	v0 =	vld.idx.msk [tilespmem:v22+s3+$0x0], $0xffff;
	_ =	sdelay $0x3  }
0x2a0: {  	v24 =	vld [tilespmem:$0xD80]  }
0x2a1: {  	[tilespmem:$0x1A460] =	vst v0  }
0x2a2: {  	v0 =	vld.idx.msk [tilespmem:v23+s3+$0x0], $0xffff;
	_ =	sdelay $0x3  }
0x2a3: {  	v25 =	vld [tilespmem:$0xD90]  }
0x2a4: {  	[tilespmem:$0x1A470] =	vst v0  }
0x2a5: {  	v0 =	vld.idx.msk [tilespmem:v24+s3+$0x0], $0xffff;
	_ =	sdelay $0x3  }
0x2a6: {  	v26 =	vld [tilespmem:$0xDA0]  }
0x2a7: {  	[tilespmem:$0x1A480] =	vst v0  }
0x2a8: {  	v0 =	vld.idx.msk [tilespmem:v25+s3+$0x0], $0xffff;
	_ =	sdelay $0x3  }
0x2a9: {  	v27 =	vld [tilespmem:$0xDB0]  }
0x2aa: {  	[tilespmem:$0x1A490] =	vst v0  }
0x2ab: {  	v0 =	vld.idx.msk [tilespmem:v26+s3+$0x0], $0xffff;
	_ =	sdelay $0x3  }
0x2ac: {  	v28 =	vld [tilespmem:$0xDC0]  }
0x2ad: {  	[tilespmem:$0x1A4A0] =	vst v0  }
0x2ae: {  	v0 =	vld.idx.msk [tilespmem:v27+s3+$0x0], $0xffff;
	_ =	sdelay $0x3  }
0x2af: {  	v29 =	vld [tilespmem:$0xDD0]  }
0x2b0: {  	[tilespmem:$0x1A4B0] =	vst v0  }
0x2b1: {  	v0 =	vld.idx.msk [tilespmem:v28+s3+$0x0], $0xffff;
	_ =	sdelay $0x3  }
0x2b2: {  	v30 =	vld [tilespmem:$0xDE0]  }
0x2b3: {  	[tilespmem:$0x1A4C0] =	vst v0  }
0x2b4: {  	v0 =	vld.idx.msk [tilespmem:v29+s3+$0x0], $0xffff;
	_ =	sdelay $0x3  }
0x2b5: {  	v31 =	vld [tilespmem:$0xDF0]  }
0x2b6: {  	[tilespmem:$0x1A4D0] =	vst v0  }
0x2b7: {  	v0 =	vld.idx.msk [tilespmem:v30+s3+$0x0], $0xffff;
	_ =	sdelay $0x3  }
0x2b8: {  	v32 =	vld [tilespmem:$0xE00]  }
0x2b9: {  	[tilespmem:$0x1A4E0] =	vst v0  }
0x2ba: {  	v0 =	vld.idx.msk [tilespmem:v31+s3+$0x0], $0xffff;
	_ =	sdelay $0x3  }
0x2bb: {  	v33 =	vld [tilespmem:$0xE10]  }
0x2bc: {  	[tilespmem:$0x1A4F0] =	vst v0  }
0x2bd: {  	v0 =	vld.idx.msk [tilespmem:v32+s3+$0x0], $0xffff;
	_ =	sdelay $0x3  }
0x2be: {  	v34 =	vld [tilespmem:$0xE20]  }
0x2bf: {  	[tilespmem:$0x1A500] =	vst v0  }
0x2c0: {  	v0 =	vld.idx.msk [tilespmem:v33+s3+$0x0], $0xffff;
	_ =	sdelay $0x3  }
0x2c1: {  	v35 =	vld [tilespmem:$0xE30]  }
0x2c2: {  	[tilespmem:$0x1A510] =	vst v0  }
0x2c3: {  	v0 =	vld.idx.msk [tilespmem:v34+s3+$0x0], $0xffff;
	_ =	sdelay $0x3  }
0x2c4: {  	v36 =	vld [tilespmem:$0xE40]  }
0x2c5: {  	[tilespmem:$0x1A520] =	vst v0  }
0x2c6: {  	v0 =	vld.idx.msk [tilespmem:v35+s3+$0x0], $0xffff;
	_ =	sdelay $0x3  }
0x2c7: {  	v37 =	vld [tilespmem:$0xE50]  }
0x2c8: {  	[tilespmem:$0x1A530] =	vst v0  }
0x2c9: {  	v0 =	vld.idx.msk [tilespmem:v36+s3+$0x0], $0xffff;
	_ =	sdelay $0x3  }
0x2ca: {  	v38 =	vld [tilespmem:$0xE60]  }
0x2cb: {  	[tilespmem:$0x1A540] =	vst v0  }
0x2cc: {  	v0 =	vld.idx.msk [tilespmem:v37+s3+$0x0], $0xffff;
	_ =	sdelay $0x3  }
0x2cd: {  	v39 =	vld [tilespmem:$0xE70]  }
0x2ce: {  	[tilespmem:$0x1A550] =	vst v0  }
0x2cf: {  	v0 =	vld.idx.msk [tilespmem:v38+s3+$0x0], $0xffff;
	_ =	sdelay $0x3  }
0x2d0: {  	v40 =	vld [tilespmem:$0xE80]  }
0x2d1: {  	[tilespmem:$0x1A560] =	vst v0  }
0x2d2: {  	v0 =	vld.idx.msk [tilespmem:v39+s3+$0x0], $0xffff;
	_ =	sdelay $0x3  }
0x2d3: {  	v41 =	vld [tilespmem:$0xE90]  }
0x2d4: {  	[tilespmem:$0x1A570] =	vst v0  }
0x2d5: {  	v0 =	vld.idx.msk [tilespmem:v40+s3+$0x0], $0xffff;
	_ =	sdelay $0x3  }
0x2d6: {  	v42 =	vld [tilespmem:$0xEA0]  }
0x2d7: {  	[tilespmem:$0x1A580] =	vst v0  }
0x2d8: {  	v0 =	vld.idx.msk [tilespmem:v41+s3+$0x0], $0xffff;
	_ =	sdelay $0x3  }
0x2d9: {  	v43 =	vld [tilespmem:$0xEB0]  }
0x2da: {  	[tilespmem:$0x1A590] =	vst v0  }
0x2db: {  	v0 =	vld.idx.msk [tilespmem:v42+s3+$0x0], $0xffff;
	_ =	sdelay $0x3  }
0x2dc: {  	v44 =	vld [tilespmem:$0xEC0]  }
0x2dd: {  	[tilespmem:$0x1A5A0] =	vst v0  }
0x2de: {  	v0 =	vld.idx.msk [tilespmem:v43+s3+$0x0], $0xffff;
	_ =	sdelay $0x3  }
0x2df: {  	v45 =	vld [tilespmem:$0xED0]  }
0x2e0: {  	[tilespmem:$0x1A5B0] =	vst v0  }
0x2e1: {  	v0 =	vld.idx.msk [tilespmem:v44+s3+$0x0], $0xffff;
	_ =	sdelay $0x3  }
0x2e2: {  	v46 =	vld [tilespmem:$0xEE0]  }
0x2e3: {  	[tilespmem:$0x1A5C0] =	vst v0  }
0x2e4: {  	v0 =	vld.idx.msk [tilespmem:v45+s3+$0x0], $0xffff;
	_ =	sdelay $0x3  }
0x2e5: {  	v47 =	vld [tilespmem:$0xEF0]  }
0x2e6: {  	[tilespmem:$0x1A5D0] =	vst v0  }
0x2e7: {  	v0 =	vld.idx.msk [tilespmem:v46+s3+$0x0], $0xffff;
	_ =	sdelay $0x3  }
0x2e8: {  	v48 =	vld [tilespmem:$0xF00]  }
0x2e9: {  	[tilespmem:$0x1A5E0] =	vst v0  }
0x2ea: {  	v0 =	vld.idx.msk [tilespmem:v47+s3+$0x0], $0xffff;
	_ =	sdelay $0x3  }
0x2eb: {  	v49 =	vld [tilespmem:$0xF10]  }
0x2ec: {  	[tilespmem:$0x1A5F0] =	vst v0  }
0x2ed: {  	v0 =	vld.idx.msk [tilespmem:v48+s3+$0x0], $0xffff;
	_ =	sdelay $0x3  }
0x2ee: {  	v50 =	vld [tilespmem:$0xF20]  }
0x2ef: {  	[tilespmem:$0x1A600] =	vst v0  }
0x2f0: {  	v0 =	vld.idx.msk [tilespmem:v49+s3+$0x0], $0xffff;
	_ =	sdelay $0x3  }
0x2f1: {  	v51 =	vld [tilespmem:$0xF30]  }
0x2f2: {  	[tilespmem:$0x1A610] =	vst v0  }
0x2f3: {  	v0 =	vld.idx.msk [tilespmem:v50+s3+$0x0], $0xffff;
	_ =	sdelay $0x3  }
0x2f4: {  	v52 =	vld [tilespmem:$0xF40]  }
0x2f5: {  	[tilespmem:$0x1A620] =	vst v0  }
0x2f6: {  	v0 =	vld.idx.msk [tilespmem:v51+s3+$0x0], $0xffff;
	_ =	sdelay $0x3  }
0x2f7: {  	v53 =	vld [tilespmem:$0xF50]  }
0x2f8: {  	[tilespmem:$0x1A630] =	vst v0  }
0x2f9: {  	v0 =	vld.idx.msk [tilespmem:v52+s3+$0x0], $0xffff;
	_ =	sdelay $0x3  }
0x2fa: {  	v54 =	vld [tilespmem:$0xF60]  }
0x2fb: {  	[tilespmem:$0x1A640] =	vst v0  }
0x2fc: {  	v0 =	vld.idx.msk [tilespmem:v53+s3+$0x0], $0xffff;
	_ =	sdelay $0x3  }
0x2fd: {  	v55 =	vld [tilespmem:$0xF70]  }
0x2fe: {  	[tilespmem:$0x1A650] =	vst v0  }
0x2ff: {  	v0 =	vld.idx.msk [tilespmem:v54+s3+$0x0], $0xffff;
	_ =	sdelay $0x3  }
0x300: {  	v56 =	vld [tilespmem:$0xF80]  }
0x301: {  	[tilespmem:$0x1A660] =	vst v0  }
0x302: {  	v0 =	vld.idx.msk [tilespmem:v55+s3+$0x0], $0xffff;
	_ =	sdelay $0x3  }
0x303: {  	v57 =	vld [tilespmem:$0xF90]  }
0x304: {  	[tilespmem:$0x1A670] =	vst v0  }
0x305: {  	v0 =	vld.idx.msk [tilespmem:v56+s3+$0x0], $0xffff;
	_ =	sdelay $0x3  }
0x306: {  	v58 =	vld [tilespmem:$0xFA0]  }
0x307: {  	[tilespmem:$0x1A680] =	vst v0  }
0x308: {  	v0 =	vld.idx.msk [tilespmem:v57+s3+$0x0], $0xffff;
	_ =	sdelay $0x3  }
0x309: {  	v59 =	vld [tilespmem:$0xFB0]  }
0x30a: {  	[tilespmem:$0x1A690] =	vst v0  }
0x30b: {  	v0 =	vld.idx.msk [tilespmem:v58+s3+$0x0], $0xffff;
	_ =	sdelay $0x3  }
0x30c: {  	v60 =	vld [tilespmem:$0xFC0]  }
0x30d: {  	[tilespmem:$0x1A6A0] =	vst v0  }
0x30e: {  	v0 =	vld.idx.msk [tilespmem:v59+s3+$0x0], $0xffff;
	_ =	sdelay $0x3  }
0x30f: {  	v61 =	vld [tilespmem:$0xFD0]  }
0x310: {  	[tilespmem:$0x1A6B0] =	vst v0  }
0x311: {  	v0 =	vld.idx.msk [tilespmem:v60+s3+$0x0], $0xffff;
	_ =	sdelay $0x3  }
0x312: {  	v62 =	vld [tilespmem:$0xFE0]  }
0x313: {  	[tilespmem:$0x1A6C0] =	vst v0  }
0x314: {  	v0 =	vld.idx.msk [tilespmem:v61+s3+$0x0], $0xffff;
	_ =	sdelay $0x3  }
0x315: {  	v63 =	vld [tilespmem:$0xFF0]  }
0x316: {  	[tilespmem:$0x1A6D0] =	vst v0  }
0x317: {  	v0 =	vld.idx.msk [tilespmem:v62+s3+$0x0], $0xffff;
	_ =	sdelay $0x4  }
0x318: {  	[tilespmem:$0x1A6E0] =	vst v0  }
0x319: {  	v0 =	vld.idx.msk [tilespmem:v63+s3+$0x0], $0xffff;
	_ =	sdelay $0x3  }
0x31a: {  	p0 =	sne.s32 s7, $0x1  }
.Ltmp1:
0x31b: {  	[tilespmem:$0x1A6F0] =	vst v0;
	(pc) =	sbr.rel @p0 .LBB2_2-.Ltmp1, $4  }
0x31c: {  	[hbm4b:s4+s8] =	stream.strided.scatter [tilespmem:s11], [sflag:$0x2], $0x1000, s9, s8, $0x38;
	[tilespmem:$0x1A700] =	vst v63  }
0x31d: {  	_ =	swait.ge [sflag:s12], $0x1000  }
0x31e: {  	[sflag:s12] =	ssyncset.done $0x0  }
0x31f: {  	s7 =	sadd.s32 $0xFFFFFFFF, s7;
	[sflag:s12] =	ssyncadd.s32 $0xFFFFF000  }
.LBB2_3:
0x320: {  	_ =	sfence.sel $0x180000  }
0x321: {  	[bflag:$0x0] =	sbarrier.arrive $0xFFFF  }
0x322: {  	p0 =	sne.s32 s1, $0x0;
	_ =	strace $0x90000047  }
0x323: {  	s0 =	sadd.s32 @!p0 $0x100000, s0;
	[bflag:$0x2] =	sbarrier.arrive $0xFFFF  }
0x324: {  	[sflag:s0] =	ssyncadd.tile.s32 @!p0 $0x1;
	_ =	shalt  }
.Lfunc_end2:
_tile_overlayer_lowered:
.L_overlay_start_2:
0x325: {  	(tag) =	ssettag $0x2  }
0x326: {  	s0 =	rddreg [dreg:$0x0];
	s2 =	stileid.u32  }
0x327: {  	s1 =	rddreg [dreg:$0x1];
	p0 =	sne.s32 s2, $0x0  }
0x328: {  	s3 =	rddreg [dreg:$0x2];
	[bflag:$0x3] =	sbarrier.arrive $0xFFFF;
	s2 =	simm.s32 @!p0 $0x1C02  }
0x329: {  	[timem:s3], [sflag:s2] =	dma.local @!p0 [hbm:s0], s1  }
0x32a: {  	s0 =	simm.s32 @!p0 $0x2  }
0x32b: {  	_ =	swait.ge @!p0 [sflag:s0], s1  }
0x32c: {  	s1 =	ssub.s32 @!p0 $0x0, s1;
	[sflag:s0] =	ssyncset.done @!p0 $0x0  }
0x32d: {  	[sflag:s0] =	ssyncadd.s32 @!p0 s1  }
0x32e: {  	[bflag:$0x3] =	sbarrier.arrive $0xFFFF  }
0x32f: {  	_ =	shalt  }

</sc_bundles>
